<compile_context>
chip_gen: v7x
topology: tpu7x:2x2x1
jax: 0.10.2.dev20260603
libtpu: 0.0.44.dev20260713+nightly
codegen_flags: <defaults>
</compile_context>

<pallas_src>
import functools

import jax
import jax.numpy as jnp
from jax import lax
from jax.experimental import pallas as pl
from jax.experimental.pallas import tpu as pltpu
from jax.experimental.pallas import tpu_sc as plsc

BATCH = 16384
EMBED_DIM = 64
NROWS = 1000000
PANEL = 256
NPANEL = (NROWS - EMBED_DIM) // PANEL
TAIL0 = NPANEL * PANEL

_info = plsc.get_sparse_core_info()
_NC, _NS, _L = _info.num_cores, _info.num_subcores, _info.num_lanes
_NW = _NC * _NS
_PPW = (NPANEL + _NW - 1) // _NW
_BPW = BATCH // _NW
_CHUNK = 256
_NCHUNK = _BPW // _CHUNK
_GPC = _CHUNK // _L


def _tr_body(utT, itT, o_u, o_i, pu, pi, ou, oi, sem_in, sem_out):
    wid = lax.axis_index("s") * _NC + lax.axis_index("c")
    start = wid * _PPW
    nc = jnp.clip(NPANEL - start, 0, _PPW)

    lanes = lax.iota(jnp.int32, _L)
    half_lanes = lax.shift_right_logical(lanes, 1)
    parity64 = jnp.bitwise_and(lanes, 1) * EMBED_DIM

    def fire_in(c):
        pltpu.async_copy(utT.at[:, pl.ds(c * PANEL, PANEL)], pu, sem_in)
        pltpu.async_copy(itT.at[:, pl.ds(c * PANEL, PANEL)], pi, sem_in)

    def drain_in():
        pltpu.make_async_copy(utT.at[:, pl.ds(0, PANEL)], pu, sem_in).wait()
        pltpu.make_async_copy(itT.at[:, pl.ds(0, PANEL)], pi, sem_in).wait()

    def drain_out(c):
        pltpu.make_async_copy(
            ou, o_u.at[pl.ds(c * (PANEL // 2), PANEL // 2), :],
            sem_out).wait()
        pltpu.make_async_copy(
            oi, o_i.at[pl.ds(c * (PANEL // 2), PANEL // 2), :],
            sem_out).wait()

    @pl.when(nc > 0)
    def _():
        fire_in(start)

    def panel_body(t, _):
        c = start + t
        drain_in()

        @pl.when(t > 0)
        def _():
            drain_out(c - 1)

        def d_body(d, _):
            col16 = parity64 + d
            for g in range(PANEL // _L):
                row16 = g * (_L // 2) + half_lanes
                plsc.store_scatter(ou, [row16, col16],
                                   pu[d, pl.ds(g * _L, _L)])
                plsc.store_scatter(oi, [row16, col16],
                                   pi[d, pl.ds(g * _L, _L)])
            return 0
        lax.fori_loop(0, EMBED_DIM, d_body, 0, unroll=4)

        pltpu.async_copy(ou, o_u.at[pl.ds(c * (PANEL // 2), PANEL // 2), :],
                         sem_out)
        pltpu.async_copy(oi, o_i.at[pl.ds(c * (PANEL // 2), PANEL // 2), :],
                         sem_out)

        @pl.when(t + 1 < nc)
        def _():
            fire_in(c + 1)
        return 0

    lax.fori_loop(0, nc, panel_body, 0)

    @pl.when(nc > 0)
    def _():
        drain_out(start + nc - 1)


def _mf_body(user_id_hbm, item_id_hbm, ut_hbm, it_hbm, w_hbm,
             tu_hbm, ti_hbm, out_hbm, ids_u, ids_i, idx_u, idx_i,
             g_u, g_i, w_v, tu_v, ti_v, out_v, sem):
    wid = lax.axis_index("s") * _NC + lax.axis_index("c")
    base = wid * _BPW

    pltpu.sync_copy(user_id_hbm.at[pl.ds(base, _BPW)], ids_u)
    pltpu.sync_copy(item_id_hbm.at[pl.ds(base, _BPW)], ids_i)
    pltpu.sync_copy(w_hbm, w_v)
    pltpu.sync_copy(tu_hbm, tu_v)
    pltpu.sync_copy(ti_hbm, ti_v)

    lanes = lax.iota(jnp.int32, _L)
    maxid = jnp.full((_L,), TAIL0 - 1, jnp.int32)

    def chunk_body(k, _):
        def ridx_body(g, _):
            u16 = ids_u[pl.ds(k * _CHUNK + g * _L, _L)]
            i16 = ids_i[pl.ds(k * _CHUNK + g * _L, _L)]
            idx_u[pl.ds(g * _L, _L)] = lax.shift_right_logical(
                jnp.minimum(u16, maxid), 1)
            idx_i[pl.ds(g * _L, _L)] = lax.shift_right_logical(
                jnp.minimum(i16, maxid), 1)
            return 0
        lax.fori_loop(0, _GPC, ridx_body, 0)

        cu = pltpu.async_copy(ut_hbm.at[idx_u], g_u, sem)
        ci = pltpu.async_copy(it_hbm.at[idx_i], g_i, sem)
        cu.wait()
        ci.wait()

        def group_body(g, _):
            u16 = ids_u[pl.ds(k * _CHUNK + g * _L, _L)]
            i16 = ids_i[pl.ds(k * _CHUNK + g * _L, _L)]
            uoff = jnp.bitwise_and(u16, 1) * EMBED_DIM
            ioff = jnp.bitwise_and(i16, 1) * EMBED_DIM
            jj = g * _L + lanes

            def d_body(d, acc):
                dd = jnp.full((_L,), d, jnp.int32)
                ug = plsc.load_gather(g_u, [jj, uoff + dd])
                ig = plsc.load_gather(g_i, [jj, ioff + dd])
                wg = plsc.load_gather(w_v, [dd])
                return acc + ug * ig * wg

            acc = lax.fori_loop(0, EMBED_DIM, d_body,
                                jnp.zeros((_L,), jnp.float32), unroll=8)

            tmask_u = u16 >= TAIL0
            tmask_i = i16 >= TAIL0
            ntail = plsc.all_reduce_population_count(
                jnp.logical_or(tmask_u, tmask_i))

            @pl.when(ntail[0] > 0)
            def _():
                ut16 = jnp.maximum(u16 - TAIL0, 0)
                it16 = jnp.maximum(i16 - TAIL0, 0)

                def dt_body(d, acc2):
                    dd = jnp.full((_L,), d, jnp.int32)
                    ug = plsc.load_gather(g_u, [jj, uoff + dd])
                    ig = plsc.load_gather(g_i, [jj, ioff + dd])
                    tug = plsc.load_gather(tu_v, [ut16, dd])
                    tig = plsc.load_gather(ti_v, [it16, dd])
                    ugf = jnp.where(tmask_u, tug, ug)
                    igf = jnp.where(tmask_i, tig, ig)
                    wg = plsc.load_gather(w_v, [dd])
                    return acc2 + ugf * igf * wg

                acc2 = lax.fori_loop(0, EMBED_DIM, dt_body,
                                     jnp.zeros((_L,), jnp.float32))
                out_v[pl.ds(k * _CHUNK + g * _L, _L)] = acc2

            @pl.when(ntail[0] == 0)
            def _():
                out_v[pl.ds(k * _CHUNK + g * _L, _L)] = acc
            return 0
        lax.fori_loop(0, _GPC, group_body, 0)
        return 0

    lax.fori_loop(0, _NCHUNK, chunk_body, 0)

    pltpu.sync_copy(out_v, out_hbm.at[pl.ds(base, _BPW)])


@jax.jit
def _gmf(user_id, item_id, user_table, item_table, predict_w):
    mesh = plsc.VectorSubcoreMesh(core_axis_name="c", subcore_axis_name="s")
    cp = pltpu.CompilerParams(needs_layout_passes=False)

    o_u, o_i = pl.kernel(
        _tr_body,
        mesh=mesh,
        compiler_params=cp,
        out_type=(jax.ShapeDtypeStruct((NROWS // 2, 2 * EMBED_DIM),
                                       jnp.float32),
                  jax.ShapeDtypeStruct((NROWS // 2, 2 * EMBED_DIM),
                                       jnp.float32)),
        scratch_types=[
            pltpu.VMEM((EMBED_DIM, PANEL), jnp.float32),
            pltpu.VMEM((EMBED_DIM, PANEL), jnp.float32),
            pltpu.VMEM((PANEL // 2, 2 * EMBED_DIM), jnp.float32),
            pltpu.VMEM((PANEL // 2, 2 * EMBED_DIM), jnp.float32),
            pltpu.SemaphoreType.DMA,
            pltpu.SemaphoreType.DMA,
        ],
    )(user_table.T, item_table.T)

    tails_u = jnp.pad(user_table[TAIL0:], ((0, 0), (0, EMBED_DIM)))
    tails_i = jnp.pad(item_table[TAIL0:], ((0, 0), (0, EMBED_DIM)))

    return pl.kernel(
        _mf_body,
        mesh=mesh,
        compiler_params=cp,
        out_type=jax.ShapeDtypeStruct((BATCH,), jnp.float32),
        scratch_types=[
            pltpu.VMEM((_BPW,), jnp.int32),
            pltpu.VMEM((_BPW,), jnp.int32),
            pltpu.VMEM((_CHUNK,), jnp.int32),
            pltpu.VMEM((_CHUNK,), jnp.int32),
            pltpu.VMEM((_CHUNK, 2 * EMBED_DIM), jnp.float32),
            pltpu.VMEM((_CHUNK, 2 * EMBED_DIM), jnp.float32),
            pltpu.VMEM((EMBED_DIM,), jnp.float32),
            pltpu.VMEM((EMBED_DIM, 2 * EMBED_DIM), jnp.float32),
            pltpu.VMEM((EMBED_DIM, 2 * EMBED_DIM), jnp.float32),
            pltpu.VMEM((_BPW,), jnp.float32),
            pltpu.SemaphoreType.DMA,
        ],
    )(user_id, item_id, o_u, o_i, predict_w, tails_u, tails_i)


def kernel(user_id, item_id, user_table, item_table, predict_w):
    return _gmf(user_id.astype(jnp.int32), item_id.astype(jnp.int32),
                user_table, item_table, predict_w)

# --- scband reference (transcript-rebuilt; emitter-appended) ---
"""Pipeline reference for scband-generalized-mf-61555471286922 (READ-ONLY COPY).

The authoritative reference and input builder live on the scoring server;
editing this copy changes nothing except your own understanding.
"""

import jax, jax.numpy as jnp
import numpy as np

NUM_USERS = 1000000
NUM_ITEMS = 1000000
EMBED_DIM = 64
BATCH = 16384

def setup_inputs(seed: int = 0) -> dict:
    key = jax.random.key(seed)
    k1, k2, k3, k4 = jax.random.split(key, 4)
    user_id = jax.random.randint(k1, (BATCH,), 0, NUM_USERS, dtype=jnp.int64) if jax.config.jax_enable_x64 else jax.random.randint(k1, (BATCH,), 0, NUM_USERS).astype(jnp.int32)
    item_id = jax.random.randint(k2, (BATCH,), 0, NUM_ITEMS).astype(user_id.dtype)
    user_table = (jax.random.normal(k3, (NUM_USERS, EMBED_DIM), dtype=jnp.float32) * 0.01)
    item_table = (jax.random.normal(k4, (NUM_ITEMS, EMBED_DIM), dtype=jnp.float32) * 0.01)
    predict_w = jnp.ones((EMBED_DIM,), dtype=jnp.float32)  # nn.init.constant_(predict_layer.weight, 1.0)
    return {"user_id": user_id, "item_id": item_id, "user_table": user_table, "item_table": item_table, "predict_w": predict_w}

def reference(user_id, item_id, user_table, item_table, predict_w):
    user_emb = jnp.take(user_table, user_id, axis=0)   # [B, D] gather
    item_emb = jnp.take(item_table, item_id, axis=0)   # [B, D] gather
    element_product = user_emb * item_emb              # [B, D]
    logits = element_product @ predict_w               # Linear(D -> 1, bias=False), squeezed
    return logits.reshape(-1)                          # [B]

if __name__ == "__main__":
    import jax
    _d = setup_inputs()
    print(jax.jit(kernel)(*tuple(_d.values())))

</pallas_src>

<mosaic_0001>
#map = affine_map<(d0, d1) -> (0)>
#map1 = affine_map<(d0, d1) -> (0, 0)>
module attributes {stable_mosaic.version = 14 : i64} {
  func.func @_mf_body(%arg0: i32, %arg1: i32, %arg2: memref<16384xi32, #tpu.memory_space<hbm>>, %arg3: memref<16384xi32, #tpu.memory_space<hbm>>, %arg4: memref<500000x128xf32, #tpu.memory_space<hbm>>, %arg5: memref<500000x128xf32, #tpu.memory_space<hbm>>, %arg6: memref<64xf32, #tpu.memory_space<hbm>>, %arg7: memref<64x128xf32, #tpu.memory_space<hbm>>, %arg8: memref<64x128xf32, #tpu.memory_space<hbm>>, %arg9: memref<16384xf32, #tpu.memory_space<hbm>>, %arg10: memref<512xi32, #tpu.memory_space<vmem>>, %arg11: memref<512xi32, #tpu.memory_space<vmem>>, %arg12: memref<256xi32, #tpu.memory_space<vmem>>, %arg13: memref<256xi32, #tpu.memory_space<vmem>>, %arg14: memref<256x128xf32, #tpu.memory_space<vmem>>, %arg15: memref<256x128xf32, #tpu.memory_space<vmem>>, %arg16: memref<64xf32, #tpu.memory_space<vmem>>, %arg17: memref<64x128xf32, #tpu.memory_space<vmem>>, %arg18: memref<64x128xf32, #tpu.memory_space<vmem>>, %arg19: memref<512xf32, #tpu.memory_space<vmem>>, %arg20: memref<!tpu.dma_semaphore, #tpu.memory_space<semaphore_mem>>) attributes {dimension_semantics = [#tpu.dimension_semantics<core_parallel>, #tpu.dimension_semantics<subcore_parallel>], iteration_bounds = array<i64: 2, 16>, scalar_prefetch = 0 : i64, scratch_operands = 11 : i64, tpu.core_type = #tpu.core_type<sc_vector_subcore>, window_params = [{transform_indices = #map}, {transform_indices = #map}, {transform_indices = #map1}, {transform_indices = #map1}, {transform_indices = #map}, {transform_indices = #map1}, {transform_indices = #map1}, {transform_indices = #map}]} {
    %mul3A = arith.constant 2 : i32
    %mul3A_0 = arith.muli %arg1, %mul3A : i32
    %add3A = arith.addi %mul3A_0, %arg0 : i32
    %mul3A_1 = arith.constant 512 : i32
    %mul3A_2 = arith.muli %add3A, %mul3A_1 : i32
    "tpu.region"() ({
      %run_scoped3A = tpu.sem_alloc : memref<!tpu.dma_semaphore, #tpu.memory_space<semaphore_mem>>
      %dma_start3A = tpu.memref_slice %arg2[%mul3A_2] : memref<16384xi32, #tpu.memory_space<hbm>> -> memref<512xi32, #tpu.memory_space<hbm>>
      %dma_start3A_10 = tpu.memref_slice %arg2[%mul3A_2] : memref<16384xi32, #tpu.memory_space<hbm>> -> memref<512xi32, #tpu.memory_space<hbm>>
      tpu.enqueue_dma source(%dma_start3A_10 : memref<512xi32, #tpu.memory_space<hbm>>) target(%arg10 : memref<512xi32, #tpu.memory_space<vmem>>) target_semaphore(%run_scoped3A : memref<!tpu.dma_semaphore, #tpu.memory_space<semaphore_mem>>)
      %dma_wait3A = tpu.memref_slice %arg2[%mul3A_2] : memref<16384xi32, #tpu.memory_space<hbm>> -> memref<512xi32, #tpu.memory_space<hbm>>
      %dma_wait3A_11 = tpu.memref_slice %arg2[%mul3A_2] : memref<16384xi32, #tpu.memory_space<hbm>> -> memref<512xi32, #tpu.memory_space<hbm>>
      tpu.wait_dma2 semaphore(%run_scoped3A : memref<!tpu.dma_semaphore, #tpu.memory_space<semaphore_mem>>) src(%dma_wait3A_11 : memref<512xi32, #tpu.memory_space<hbm>>) dst(%arg10 : memref<512xi32, #tpu.memory_space<vmem>>)
      tpu.yield
    }) : () -> ()
    "tpu.region"() ({
      %run_scoped3A = tpu.sem_alloc : memref<!tpu.dma_semaphore, #tpu.memory_space<semaphore_mem>>
      %dma_start3A = tpu.memref_slice %arg3[%mul3A_2] : memref<16384xi32, #tpu.memory_space<hbm>> -> memref<512xi32, #tpu.memory_space<hbm>>
      %dma_start3A_10 = tpu.memref_slice %arg3[%mul3A_2] : memref<16384xi32, #tpu.memory_space<hbm>> -> memref<512xi32, #tpu.memory_space<hbm>>
      tpu.enqueue_dma source(%dma_start3A_10 : memref<512xi32, #tpu.memory_space<hbm>>) target(%arg11 : memref<512xi32, #tpu.memory_space<vmem>>) target_semaphore(%run_scoped3A : memref<!tpu.dma_semaphore, #tpu.memory_space<semaphore_mem>>)
      %dma_wait3A = tpu.memref_slice %arg3[%mul3A_2] : memref<16384xi32, #tpu.memory_space<hbm>> -> memref<512xi32, #tpu.memory_space<hbm>>
      %dma_wait3A_11 = tpu.memref_slice %arg3[%mul3A_2] : memref<16384xi32, #tpu.memory_space<hbm>> -> memref<512xi32, #tpu.memory_space<hbm>>
      tpu.wait_dma2 semaphore(%run_scoped3A : memref<!tpu.dma_semaphore, #tpu.memory_space<semaphore_mem>>) src(%dma_wait3A_11 : memref<512xi32, #tpu.memory_space<hbm>>) dst(%arg11 : memref<512xi32, #tpu.memory_space<vmem>>)
      tpu.yield
    }) : () -> ()
    "tpu.region"() ({
      %run_scoped3A = tpu.sem_alloc : memref<!tpu.dma_semaphore, #tpu.memory_space<semaphore_mem>>
      tpu.enqueue_dma source(%arg6 : memref<64xf32, #tpu.memory_space<hbm>>) target(%arg16 : memref<64xf32, #tpu.memory_space<vmem>>) target_semaphore(%run_scoped3A : memref<!tpu.dma_semaphore, #tpu.memory_space<semaphore_mem>>)
      tpu.wait_dma2 semaphore(%run_scoped3A : memref<!tpu.dma_semaphore, #tpu.memory_space<semaphore_mem>>) src(%arg6 : memref<64xf32, #tpu.memory_space<hbm>>) dst(%arg16 : memref<64xf32, #tpu.memory_space<vmem>>)
      tpu.yield
    }) : () -> ()
    "tpu.region"() ({
      %run_scoped3A = tpu.sem_alloc : memref<!tpu.dma_semaphore, #tpu.memory_space<semaphore_mem>>
      tpu.enqueue_dma source(%arg7 : memref<64x128xf32, #tpu.memory_space<hbm>>) target(%arg17 : memref<64x128xf32, #tpu.memory_space<vmem>>) target_semaphore(%run_scoped3A : memref<!tpu.dma_semaphore, #tpu.memory_space<semaphore_mem>>)
      tpu.wait_dma2 semaphore(%run_scoped3A : memref<!tpu.dma_semaphore, #tpu.memory_space<semaphore_mem>>) src(%arg7 : memref<64x128xf32, #tpu.memory_space<hbm>>) dst(%arg17 : memref<64x128xf32, #tpu.memory_space<vmem>>)
      tpu.yield
    }) : () -> ()
    "tpu.region"() ({
      %run_scoped3A = tpu.sem_alloc : memref<!tpu.dma_semaphore, #tpu.memory_space<semaphore_mem>>
      tpu.enqueue_dma source(%arg8 : memref<64x128xf32, #tpu.memory_space<hbm>>) target(%arg18 : memref<64x128xf32, #tpu.memory_space<vmem>>) target_semaphore(%run_scoped3A : memref<!tpu.dma_semaphore, #tpu.memory_space<semaphore_mem>>)
      tpu.wait_dma2 semaphore(%run_scoped3A : memref<!tpu.dma_semaphore, #tpu.memory_space<semaphore_mem>>) src(%arg8 : memref<64x128xf32, #tpu.memory_space<hbm>>) dst(%arg18 : memref<64x128xf32, #tpu.memory_space<vmem>>)
      tpu.yield
    }) : () -> ()
    %iota3A = tpu.iota {dimensions = array<i32: 0>} : vector<16xi32>
    %broadcast_in_dim3A = arith.constant 999935 : i32
    %broadcast_in_dim3A_3 = vector.broadcast %broadcast_in_dim3A : i32 to vector<16xi32>
    %scan3A = arith.constant 0 : i32
    %scan3A_4 = arith.constant 0 : i32
    %scan3A_5 = arith.constant 2 : i32
    %scan3A_6 = arith.addi %scan3A_4, %scan3A_5 : i32
    %scan3A_7 = arith.constant 1 : i32
    %scan3A_8 = scf.for %scan3A_10 = %scan3A_4 to %scan3A_6 step %scan3A_7 iter_args(%scan3A_11 = %scan3A) -> (i32)  : i32 {
      %scan3A_12 = arith.constant 0 : i32
      %scan3A_13 = arith.constant 0 : i32
      %scan3A_14 = arith.constant 16 : i32
      %scan3A_15 = arith.addi %scan3A_13, %scan3A_14 : i32
      %scan3A_16 = arith.constant 1 : i32
      %scan3A_17 = scf.for %scan3A_37 = %scan3A_13 to %scan3A_15 step %scan3A_16 iter_args(%scan3A_38 = %scan3A_12) -> (i32)  : i32 {
        %mul3A_39 = arith.constant 256 : i32
        %mul3A_40 = arith.muli %scan3A_10, %mul3A_39 : i32
        %mul3A_41 = arith.constant 16 : i32
        %mul3A_42 = arith.muli %scan3A_37, %mul3A_41 : i32
        %add3A_43 = arith.addi %mul3A_40, %mul3A_42 : i32
        %get3A = arith.index_cast %add3A_43 : i32 to index
        %get3A_44 = tpu.vector_load %arg10[%get3A] {strides = array<i32>} : memref<512xi32, #tpu.memory_space<vmem>>, vector<16xi32>,
        %mul3A_45 = arith.constant 256 : i32
        %mul3A_46 = arith.muli %scan3A_10, %mul3A_45 : i32
        %mul3A_47 = arith.constant 16 : i32
        %mul3A_48 = arith.muli %scan3A_37, %mul3A_47 : i32
        %add3A_49 = arith.addi %mul3A_46, %mul3A_48 : i32
        %get3A_50 = arith.index_cast %add3A_49 : i32 to index
        %get3A_51 = tpu.vector_load %arg11[%get3A_50] {strides = array<i32>} : memref<512xi32, #tpu.memory_space<vmem>>, vector<16xi32>,
        %min3A = arith.minsi %get3A_44, %broadcast_in_dim3A_3 : vector<16xi32>
        %shift_right_logical3A = arith.constant 1 : i32
        %shift_right_logical3A_52 = vector.broadcast %shift_right_logical3A : i32 to vector<16xi32>
        %shift_right_logical3A_53 = arith.shrui %min3A, %shift_right_logical3A_52 : vector<16xi32>
        %mul3A_54 = arith.constant 16 : i32
        %mul3A_55 = arith.muli %scan3A_37, %mul3A_54 : i32
        %swap3A = arith.index_cast %mul3A_55 : i32 to index
        %swap3A_56 = tpu.vector_load %arg12[%swap3A] {strides = array<i32>} : memref<256xi32, #tpu.memory_space<vmem>>, vector<16xi32>,
        tpu.vector_store %arg12[%swap3A], %shift_right_logical3A_53 {strides = array<i32>} : memref<256xi32, #tpu.memory_space<vmem>>, vector<16xi32>,
        %min3A_57 = arith.minsi %get3A_51, %broadcast_in_dim3A_3 : vector<16xi32>
        %shift_right_logical3A_58 = arith.constant 1 : i32
        %shift_right_logical3A_59 = vector.broadcast %shift_right_logical3A_58 : i32 to vector<16xi32>
        %shift_right_logical3A_60 = arith.shrui %min3A_57, %shift_right_logical3A_59 : vector<16xi32>
        %mul3A_61 = arith.constant 16 : i32
        %mul3A_62 = arith.muli %scan3A_37, %mul3A_61 : i32
        %swap3A_63 = arith.index_cast %mul3A_62 : i32 to index
        %swap3A_64 = tpu.vector_load %arg13[%swap3A_63] {strides = array<i32>} : memref<256xi32, #tpu.memory_space<vmem>>, vector<16xi32>,
        tpu.vector_store %arg13[%swap3A_63], %shift_right_logical3A_60 {strides = array<i32>} : memref<256xi32, #tpu.memory_space<vmem>>, vector<16xi32>,
        %scan3A_65 = arith.constant 0 : i32
        scf.yield %scan3A_65 : i32
      }
      %scan3A_18 = arith.constant 16 : i32
      %dma_start3A = arith.constant 0 : i32
      %dma_start3A_19 = arith.constant 0 : i32
      %dma_start3A_20 = tpu.memref_slice %arg4[%dma_start3A, %dma_start3A_19] : memref<500000x128xf32, #tpu.memory_space<hbm>> -> memref<500000x128xf32, #tpu.memory_space<hbm>>
      tpu.enqueue_indirect_dma source(%dma_start3A_20 : memref<500000x128xf32, #tpu.memory_space<hbm>>) target(%arg14 : memref<256x128xf32, #tpu.memory_space<vmem>>) offsets(%arg12 : memref<256xi32, #tpu.memory_space<vmem>>) semaphore(%arg20 : memref<!tpu.dma_semaphore, #tpu.memory_space<semaphore_mem>>)
      %dma_start3A_21 = arith.constant 0 : i32
      %dma_start3A_22 = arith.constant 0 : i32
      %dma_start3A_23 = tpu.memref_slice %arg5[%dma_start3A_21, %dma_start3A_22] : memref<500000x128xf32, #tpu.memory_space<hbm>> -> memref<500000x128xf32, #tpu.memory_space<hbm>>
      tpu.enqueue_indirect_dma source(%dma_start3A_23 : memref<500000x128xf32, #tpu.memory_space<hbm>>) target(%arg15 : memref<256x128xf32, #tpu.memory_space<vmem>>) offsets(%arg13 : memref<256xi32, #tpu.memory_space<vmem>>) semaphore(%arg20 : memref<!tpu.dma_semaphore, #tpu.memory_space<semaphore_mem>>)
      %dma_wait3A = arith.constant 0 : i32
      %dma_wait3A_24 = arith.constant 0 : i32
      %dma_wait3A_25 = tpu.memref_slice %arg4[%dma_wait3A, %dma_wait3A_24] : memref<500000x128xf32, #tpu.memory_space<hbm>> -> memref<500000x128xf32, #tpu.memory_space<hbm>>
      tpu.wait_indirect_dma semaphore(%arg20 : memref<!tpu.dma_semaphore, #tpu.memory_space<semaphore_mem>>) src(%dma_wait3A_25 : memref<500000x128xf32, #tpu.memory_space<hbm>>) dst(%arg14 : memref<256x128xf32, #tpu.memory_space<vmem>>)
      %dma_wait3A_26 = arith.constant 0 : i32
      %dma_wait3A_27 = arith.constant 0 : i32
      %dma_wait3A_28 = tpu.memref_slice %arg5[%dma_wait3A_26, %dma_wait3A_27] : memref<500000x128xf32, #tpu.memory_space<hbm>> -> memref<500000x128xf32, #tpu.memory_space<hbm>>
      tpu.wait_indirect_dma semaphore(%arg20 : memref<!tpu.dma_semaphore, #tpu.memory_space<semaphore_mem>>) src(%dma_wait3A_28 : memref<500000x128xf32, #tpu.memory_space<hbm>>) dst(%arg15 : memref<256x128xf32, #tpu.memory_space<vmem>>)
      %scan3A_29 = arith.constant 0 : i32
      %scan3A_30 = arith.constant 0 : i32
      %scan3A_31 = arith.constant 16 : i32
      %scan3A_32 = arith.addi %scan3A_30, %scan3A_31 : i32
      %scan3A_33 = arith.constant 1 : i32
      %scan3A_34 = scf.for %scan3A_37 = %scan3A_30 to %scan3A_32 step %scan3A_33 iter_args(%scan3A_38 = %scan3A_29) -> (i32)  : i32 {
        %mul3A_39 = arith.constant 256 : i32
        %mul3A_40 = arith.muli %scan3A_10, %mul3A_39 : i32
        %mul3A_41 = arith.constant 16 : i32
        %mul3A_42 = arith.muli %scan3A_37, %mul3A_41 : i32
        %add3A_43 = arith.addi %mul3A_40, %mul3A_42 : i32
        %get3A = arith.index_cast %add3A_43 : i32 to index
        %get3A_44 = tpu.vector_load %arg10[%get3A] {strides = array<i32>} : memref<512xi32, #tpu.memory_space<vmem>>, vector<16xi32>,
        %mul3A_45 = arith.constant 256 : i32
        %mul3A_46 = arith.muli %scan3A_10, %mul3A_45 : i32
        %mul3A_47 = arith.constant 16 : i32
        %mul3A_48 = arith.muli %scan3A_37, %mul3A_47 : i32
        %add3A_49 = arith.addi %mul3A_46, %mul3A_48 : i32
        %get3A_50 = arith.index_cast %add3A_49 : i32 to index
        %get3A_51 = tpu.vector_load %arg11[%get3A_50] {strides = array<i32>} : memref<512xi32, #tpu.memory_space<vmem>>, vector<16xi32>,
        %and3A = arith.constant 1 : i32
        %and3A_52 = vector.broadcast %and3A : i32 to vector<16xi32>
        %and3A_53 = arith.andi %get3A_44, %and3A_52 : vector<16xi32>
        %mul3A_54 = arith.constant 64 : i32
        %mul3A_55 = vector.broadcast %mul3A_54 : i32 to vector<16xi32>
        %mul3A_56 = arith.muli %and3A_53, %mul3A_55 : vector<16xi32>
        %and3A_57 = arith.constant 1 : i32
        %and3A_58 = vector.broadcast %and3A_57 : i32 to vector<16xi32>
        %and3A_59 = arith.andi %get3A_51, %and3A_58 : vector<16xi32>
        %mul3A_60 = arith.constant 64 : i32
        %mul3A_61 = vector.broadcast %mul3A_60 : i32 to vector<16xi32>
        %mul3A_62 = arith.muli %and3A_59, %mul3A_61 : vector<16xi32>
        %mul3A_63 = arith.constant 16 : i32
        %mul3A_64 = arith.muli %scan3A_37, %mul3A_63 : i32
        %add3A_65 = vector.broadcast %mul3A_64 : i32 to vector<16xi32>
        %add3A_66 = arith.addi %add3A_65, %iota3A : vector<16xi32>
        %broadcast_in_dim3A_67 = arith.constant 0.000000e+00 : f32
        %broadcast_in_dim3A_68 = vector.broadcast %broadcast_in_dim3A_67 : f32 to vector<16xf32>
        %scan3A_69 = arith.constant 0 : i32
        %scan3A_70 = arith.constant 64 : i32
        %scan3A_71 = arith.addi %scan3A_69, %scan3A_70 : i32
        %scan3A_72 = arith.constant 8 : i32
        %scan3A_73 = scf.for %scan3A_89 = %scan3A_69 to %scan3A_71 step %scan3A_72 iter_args(%scan3A_90 = %broadcast_in_dim3A_68) -> (vector<16xf32>)  : i32 {
          %broadcast_in_dim3A_91 = vector.broadcast %scan3A_89 : i32 to vector<16xi32>
          %add3A_92 = arith.addi %mul3A_56, %broadcast_in_dim3A_91 : vector<16xi32>
          %gather3A = tpu.vector_load_idx %arg14[%add3A_66, %add3A_92] : memref<256x128xf32, #tpu.memory_space<vmem>>[vector<16xi32>, vector<16xi32>], vector<16xf32>,
          %add3A_93 = arith.addi %mul3A_62, %broadcast_in_dim3A_91 : vector<16xi32>
          %gather3A_94 = tpu.vector_load_idx %arg15[%add3A_66, %add3A_93] : memref<256x128xf32, #tpu.memory_space<vmem>>[vector<16xi32>, vector<16xi32>], vector<16xf32>,
          %gather3A_95 = tpu.vector_load_idx %arg16[%broadcast_in_dim3A_91] : memref<64xf32, #tpu.memory_space<vmem>>[vector<16xi32>], vector<16xf32>,
          %mul3A_96 = arith.mulf %gather3A, %gather3A_94 : vector<16xf32>
          %mul3A_97 = arith.mulf %mul3A_96, %gather3A_95 : vector<16xf32>
          %add3A_98 = arith.addf %scan3A_90, %mul3A_97 : vector<16xf32>
          %scan3A_99 = arith.constant 1 : i32
          %scan3A_100 = arith.addi %scan3A_89, %scan3A_99 : i32
          %broadcast_in_dim3A_101 = vector.broadcast %scan3A_100 : i32 to vector<16xi32>
          %add3A_102 = arith.addi %mul3A_56, %broadcast_in_dim3A_101 : vector<16xi32>
          %gather3A_103 = tpu.vector_load_idx %arg14[%add3A_66, %add3A_102] : memref<256x128xf32, #tpu.memory_space<vmem>>[vector<16xi32>, vector<16xi32>], vector<16xf32>,
          %add3A_104 = arith.addi %mul3A_62, %broadcast_in_dim3A_101 : vector<16xi32>
          %gather3A_105 = tpu.vector_load_idx %arg15[%add3A_66, %add3A_104] : memref<256x128xf32, #tpu.memory_space<vmem>>[vector<16xi32>, vector<16xi32>], vector<16xf32>,
          %gather3A_106 = tpu.vector_load_idx %arg16[%broadcast_in_dim3A_101] : memref<64xf32, #tpu.memory_space<vmem>>[vector<16xi32>], vector<16xf32>,
          %mul3A_107 = arith.mulf %gather3A_103, %gather3A_105 : vector<16xf32>
          %mul3A_108 = arith.mulf %mul3A_107, %gather3A_106 : vector<16xf32>
          %add3A_109 = arith.addf %add3A_98, %mul3A_108 : vector<16xf32>
          %scan3A_110 = arith.constant 2 : i32
          %scan3A_111 = arith.addi %scan3A_89, %scan3A_110 : i32
          %broadcast_in_dim3A_112 = vector.broadcast %scan3A_111 : i32 to vector<16xi32>
          %add3A_113 = arith.addi %mul3A_56, %broadcast_in_dim3A_112 : vector<16xi32>
          %gather3A_114 = tpu.vector_load_idx %arg14[%add3A_66, %add3A_113] : memref<256x128xf32, #tpu.memory_space<vmem>>[vector<16xi32>, vector<16xi32>], vector<16xf32>,
          %add3A_115 = arith.addi %mul3A_62, %broadcast_in_dim3A_112 : vector<16xi32>
          %gather3A_116 = tpu.vector_load_idx %arg15[%add3A_66, %add3A_115] : memref<256x128xf32, #tpu.memory_space<vmem>>[vector<16xi32>, vector<16xi32>], vector<16xf32>,
          %gather3A_117 = tpu.vector_load_idx %arg16[%broadcast_in_dim3A_112] : memref<64xf32, #tpu.memory_space<vmem>>[vector<16xi32>], vector<16xf32>,
          %mul3A_118 = arith.mulf %gather3A_114, %gather3A_116 : vector<16xf32>
          %mul3A_119 = arith.mulf %mul3A_118, %gather3A_117 : vector<16xf32>
          %add3A_120 = arith.addf %add3A_109, %mul3A_119 : vector<16xf32>
          %scan3A_121 = arith.constant 3 : i32
          %scan3A_122 = arith.addi %scan3A_89, %scan3A_121 : i32
          %broadcast_in_dim3A_123 = vector.broadcast %scan3A_122 : i32 to vector<16xi32>
          %add3A_124 = arith.addi %mul3A_56, %broadcast_in_dim3A_123 : vector<16xi32>
          %gather3A_125 = tpu.vector_load_idx %arg14[%add3A_66, %add3A_124] : memref<256x128xf32, #tpu.memory_space<vmem>>[vector<16xi32>, vector<16xi32>], vector<16xf32>,
          %add3A_126 = arith.addi %mul3A_62, %broadcast_in_dim3A_123 : vector<16xi32>
          %gather3A_127 = tpu.vector_load_idx %arg15[%add3A_66, %add3A_126] : memref<256x128xf32, #tpu.memory_space<vmem>>[vector<16xi32>, vector<16xi32>], vector<16xf32>,
          %gather3A_128 = tpu.vector_load_idx %arg16[%broadcast_in_dim3A_123] : memref<64xf32, #tpu.memory_space<vmem>>[vector<16xi32>], vector<16xf32>,
          %mul3A_129 = arith.mulf %gather3A_125, %gather3A_127 : vector<16xf32>
          %mul3A_130 = arith.mulf %mul3A_129, %gather3A_128 : vector<16xf32>
          %add3A_131 = arith.addf %add3A_120, %mul3A_130 : vector<16xf32>
          %scan3A_132 = arith.constant 4 : i32
          %scan3A_133 = arith.addi %scan3A_89, %scan3A_132 : i32
          %broadcast_in_dim3A_134 = vector.broadcast %scan3A_133 : i32 to vector<16xi32>
          %add3A_135 = arith.addi %mul3A_56, %broadcast_in_dim3A_134 : vector<16xi32>
          %gather3A_136 = tpu.vector_load_idx %arg14[%add3A_66, %add3A_135] : memref<256x128xf32, #tpu.memory_space<vmem>>[vector<16xi32>, vector<16xi32>], vector<16xf32>,
          %add3A_137 = arith.addi %mul3A_62, %broadcast_in_dim3A_134 : vector<16xi32>
          %gather3A_138 = tpu.vector_load_idx %arg15[%add3A_66, %add3A_137] : memref<256x128xf32, #tpu.memory_space<vmem>>[vector<16xi32>, vector<16xi32>], vector<16xf32>,
          %gather3A_139 = tpu.vector_load_idx %arg16[%broadcast_in_dim3A_134] : memref<64xf32, #tpu.memory_space<vmem>>[vector<16xi32>], vector<16xf32>,
          %mul3A_140 = arith.mulf %gather3A_136, %gather3A_138 : vector<16xf32>
          %mul3A_141 = arith.mulf %mul3A_140, %gather3A_139 : vector<16xf32>
          %add3A_142 = arith.addf %add3A_131, %mul3A_141 : vector<16xf32>
          %scan3A_143 = arith.constant 5 : i32
          %scan3A_144 = arith.addi %scan3A_89, %scan3A_143 : i32
          %broadcast_in_dim3A_145 = vector.broadcast %scan3A_144 : i32 to vector<16xi32>
          %add3A_146 = arith.addi %mul3A_56, %broadcast_in_dim3A_145 : vector<16xi32>
          %gather3A_147 = tpu.vector_load_idx %arg14[%add3A_66, %add3A_146] : memref<256x128xf32, #tpu.memory_space<vmem>>[vector<16xi32>, vector<16xi32>], vector<16xf32>,
          %add3A_148 = arith.addi %mul3A_62, %broadcast_in_dim3A_145 : vector<16xi32>
          %gather3A_149 = tpu.vector_load_idx %arg15[%add3A_66, %add3A_148] : memref<256x128xf32, #tpu.memory_space<vmem>>[vector<16xi32>, vector<16xi32>], vector<16xf32>,
          %gather3A_150 = tpu.vector_load_idx %arg16[%broadcast_in_dim3A_145] : memref<64xf32, #tpu.memory_space<vmem>>[vector<16xi32>], vector<16xf32>,
          %mul3A_151 = arith.mulf %gather3A_147, %gather3A_149 : vector<16xf32>
          %mul3A_152 = arith.mulf %mul3A_151, %gather3A_150 : vector<16xf32>
          %add3A_153 = arith.addf %add3A_142, %mul3A_152 : vector<16xf32>
          %scan3A_154 = arith.constant 6 : i32
          %scan3A_155 = arith.addi %scan3A_89, %scan3A_154 : i32
          %broadcast_in_dim3A_156 = vector.broadcast %scan3A_155 : i32 to vector<16xi32>
          %add3A_157 = arith.addi %mul3A_56, %broadcast_in_dim3A_156 : vector<16xi32>
          %gather3A_158 = tpu.vector_load_idx %arg14[%add3A_66, %add3A_157] : memref<256x128xf32, #tpu.memory_space<vmem>>[vector<16xi32>, vector<16xi32>], vector<16xf32>,
          %add3A_159 = arith.addi %mul3A_62, %broadcast_in_dim3A_156 : vector<16xi32>
          %gather3A_160 = tpu.vector_load_idx %arg15[%add3A_66, %add3A_159] : memref<256x128xf32, #tpu.memory_space<vmem>>[vector<16xi32>, vector<16xi32>], vector<16xf32>,
          %gather3A_161 = tpu.vector_load_idx %arg16[%broadcast_in_dim3A_156] : memref<64xf32, #tpu.memory_space<vmem>>[vector<16xi32>], vector<16xf32>,
          %mul3A_162 = arith.mulf %gather3A_158, %gather3A_160 : vector<16xf32>
          %mul3A_163 = arith.mulf %mul3A_162, %gather3A_161 : vector<16xf32>
          %add3A_164 = arith.addf %add3A_153, %mul3A_163 : vector<16xf32>
          %scan3A_165 = arith.constant 7 : i32
          %scan3A_166 = arith.addi %scan3A_89, %scan3A_165 : i32
          %broadcast_in_dim3A_167 = vector.broadcast %scan3A_166 : i32 to vector<16xi32>
          %add3A_168 = arith.addi %mul3A_56, %broadcast_in_dim3A_167 : vector<16xi32>
          %gather3A_169 = tpu.vector_load_idx %arg14[%add3A_66, %add3A_168] : memref<256x128xf32, #tpu.memory_space<vmem>>[vector<16xi32>, vector<16xi32>], vector<16xf32>,
          %add3A_170 = arith.addi %mul3A_62, %broadcast_in_dim3A_167 : vector<16xi32>
          %gather3A_171 = tpu.vector_load_idx %arg15[%add3A_66, %add3A_170] : memref<256x128xf32, #tpu.memory_space<vmem>>[vector<16xi32>, vector<16xi32>], vector<16xf32>,
          %gather3A_172 = tpu.vector_load_idx %arg16[%broadcast_in_dim3A_167] : memref<64xf32, #tpu.memory_space<vmem>>[vector<16xi32>], vector<16xf32>,
          %mul3A_173 = arith.mulf %gather3A_169, %gather3A_171 : vector<16xf32>
          %mul3A_174 = arith.mulf %mul3A_173, %gather3A_172 : vector<16xf32>
          %add3A_175 = arith.addf %add3A_164, %mul3A_174 : vector<16xf32>
          scf.yield %add3A_175 : vector<16xf32>
        }
        %scan3A_74 = arith.constant 64 : i32
        %ge3A = arith.constant 999936 : i32
        %ge3A_75 = vector.broadcast %ge3A : i32 to vector<16xi32>
        %ge3A_76 = arith.cmpi sge, %get3A_44, %ge3A_75 : vector<16xi32>
        %ge3A_77 = arith.constant 999936 : i32
        %ge3A_78 = vector.broadcast %ge3A_77 : i32 to vector<16xi32>
        %ge3A_79 = arith.cmpi sge, %get3A_51, %ge3A_78 : vector<16xi32>
        %or3A = arith.ori %ge3A_76, %ge3A_79 : vector<16xi1>
        %all_reduce_population_count3A = tpu.all_reduce %or3A {dim = 0 : i64, kind = #tpu.reduction_kind<sum>} : vector<16xi1> -> vector<16xi32>
        %slice3A = vector.extract_strided_slice %all_reduce_population_count3A {offsets = [0], sizes = [1], strides = [1]} : vector<16xi32> to vector<1xi32>
        %squeeze3A = vector.extract %slice3A[0] : i32 from vector<1xi32>
        %gt3A = arith.constant 0 : i32
        %gt3A_80 = arith.cmpi sgt, %squeeze3A, %gt3A : i32
        %convert_element_type3A = arith.extui %gt3A_80 : i1 to i32
        %cond3A = arith.constant 0 : i32
        %cond3A_81 = arith.cmpi ne, %convert_element_type3A, %cond3A : i32
        scf.if %cond3A_81 {
          %sub3A = arith.constant 999936 : i32
          %sub3A_89 = vector.broadcast %sub3A : i32 to vector<16xi32>
          %sub3A_90 = arith.subi %get3A_44, %sub3A_89 : vector<16xi32>
          %max3A = arith.constant 0 : i32
          %max3A_91 = vector.broadcast %max3A : i32 to vector<16xi32>
          %max3A_92 = arith.maxsi %sub3A_90, %max3A_91 : vector<16xi32>
          %sub3A_93 = arith.constant 999936 : i32
          %sub3A_94 = vector.broadcast %sub3A_93 : i32 to vector<16xi32>
          %sub3A_95 = arith.subi %get3A_51, %sub3A_94 : vector<16xi32>
          %max3A_96 = arith.constant 0 : i32
          %max3A_97 = vector.broadcast %max3A_96 : i32 to vector<16xi32>
          %max3A_98 = arith.maxsi %sub3A_95, %max3A_97 : vector<16xi32>
          %broadcast_in_dim3A_99 = arith.constant 0.000000e+00 : f32
          %broadcast_in_dim3A_100 = vector.broadcast %broadcast_in_dim3A_99 : f32 to vector<16xf32>
          %scan3A_101 = arith.constant 0 : i32
          %scan3A_102 = arith.constant 64 : i32
          %scan3A_103 = arith.addi %scan3A_101, %scan3A_102 : i32
          %scan3A_104 = arith.constant 1 : i32
          %scan3A_105 = scf.for %scan3A_113 = %scan3A_101 to %scan3A_103 step %scan3A_104 iter_args(%scan3A_114 = %broadcast_in_dim3A_100) -> (vector<16xf32>)  : i32 {
            %broadcast_in_dim3A_115 = vector.broadcast %scan3A_113 : i32 to vector<16xi32>
            %add3A_116 = arith.addi %mul3A_56, %broadcast_in_dim3A_115 : vector<16xi32>
            %gather3A = tpu.vector_load_idx %arg14[%add3A_66, %add3A_116] : memref<256x128xf32, #tpu.memory_space<vmem>>[vector<16xi32>, vector<16xi32>], vector<16xf32>,
            %add3A_117 = arith.addi %mul3A_62, %broadcast_in_dim3A_115 : vector<16xi32>
            %gather3A_118 = tpu.vector_load_idx %arg15[%add3A_66, %add3A_117] : memref<256x128xf32, #tpu.memory_space<vmem>>[vector<16xi32>, vector<16xi32>], vector<16xf32>,
            %gather3A_119 = tpu.vector_load_idx %arg17[%max3A_92, %broadcast_in_dim3A_115] : memref<64x128xf32, #tpu.memory_space<vmem>>[vector<16xi32>, vector<16xi32>], vector<16xf32>,
            %gather3A_120 = tpu.vector_load_idx %arg18[%max3A_98, %broadcast_in_dim3A_115] : memref<64x128xf32, #tpu.memory_space<vmem>>[vector<16xi32>, vector<16xi32>], vector<16xf32>,
            %select_n3A = arith.select %ge3A_76, %gather3A_119, %gather3A : vector<16xi1>, vector<16xf32>
            %select_n3A_121 = arith.select %ge3A_79, %gather3A_120, %gather3A_118 : vector<16xi1>, vector<16xf32>
            %gather3A_122 = tpu.vector_load_idx %arg16[%broadcast_in_dim3A_115] : memref<64xf32, #tpu.memory_space<vmem>>[vector<16xi32>], vector<16xf32>,
            %mul3A_123 = arith.mulf %select_n3A, %select_n3A_121 : vector<16xf32>
            %mul3A_124 = arith.mulf %mul3A_123, %gather3A_122 : vector<16xf32>
            %add3A_125 = arith.addf %scan3A_114, %mul3A_124 : vector<16xf32>
            scf.yield %add3A_125 : vector<16xf32>
          }
          %scan3A_106 = arith.constant 64 : i32
          %mul3A_107 = arith.constant 256 : i32
          %mul3A_108 = arith.muli %scan3A_10, %mul3A_107 : i32
          %mul3A_109 = arith.constant 16 : i32
          %mul3A_110 = arith.muli %scan3A_37, %mul3A_109 : i32
          %add3A_111 = arith.addi %mul3A_108, %mul3A_110 : i32
          %swap3A = arith.index_cast %add3A_111 : i32 to index
          %swap3A_112 = tpu.vector_load %arg19[%swap3A] {strides = array<i32>} : memref<512xf32, #tpu.memory_space<vmem>>, vector<16xf32>,
          tpu.vector_store %arg19[%swap3A], %scan3A_105 {strides = array<i32>} : memref<512xf32, #tpu.memory_space<vmem>>, vector<16xf32>,
        } else {
        }
        %slice3A_82 = vector.extract_strided_slice %all_reduce_population_count3A {offsets = [0], sizes = [1], strides = [1]} : vector<16xi32> to vector<1xi32>
        %squeeze3A_83 = vector.extract %slice3A_82[0] : i32 from vector<1xi32>
        %eq3A = arith.constant 0 : i32
        %eq3A_84 = arith.cmpi eq, %squeeze3A_83, %eq3A : i32
        %convert_element_type3A_85 = arith.extui %eq3A_84 : i1 to i32
        %cond3A_86 = arith.constant 0 : i32
        %cond3A_87 = arith.cmpi ne, %convert_element_type3A_85, %cond3A_86 : i32
        scf.if %cond3A_87 {
          %mul3A_89 = arith.constant 256 : i32
          %mul3A_90 = arith.muli %scan3A_10, %mul3A_89 : i32
          %mul3A_91 = arith.constant 16 : i32
          %mul3A_92 = arith.muli %scan3A_37, %mul3A_91 : i32
          %add3A_93 = arith.addi %mul3A_90, %mul3A_92 : i32
          %swap3A = arith.index_cast %add3A_93 : i32 to index
          %swap3A_94 = tpu.vector_load %arg19[%swap3A] {strides = array<i32>} : memref<512xf32, #tpu.memory_space<vmem>>, vector<16xf32>,
          tpu.vector_store %arg19[%swap3A], %scan3A_73 {strides = array<i32>} : memref<512xf32, #tpu.memory_space<vmem>>, vector<16xf32>,
        } else {
        }
        %scan3A_88 = arith.constant 0 : i32
        scf.yield %scan3A_88 : i32
      }
      %scan3A_35 = arith.constant 16 : i32
      %scan3A_36 = arith.constant 0 : i32
      scf.yield %scan3A_36 : i32
    }
    %scan3A_9 = arith.constant 2 : i32
    "tpu.region"() ({
      %run_scoped3A = tpu.sem_alloc : memref<!tpu.dma_semaphore, #tpu.memory_space<semaphore_mem>>
      %dma_start3A = tpu.memref_slice %arg9[%mul3A_2] : memref<16384xf32, #tpu.memory_space<hbm>> -> memref<512xf32, #tpu.memory_space<hbm>>
      %dma_start3A_10 = tpu.memref_slice %arg9[%mul3A_2] : memref<16384xf32, #tpu.memory_space<hbm>> -> memref<512xf32, #tpu.memory_space<hbm>>
      tpu.enqueue_dma source(%arg19 : memref<512xf32, #tpu.memory_space<vmem>>) target(%dma_start3A_10 : memref<512xf32, #tpu.memory_space<hbm>>) target_semaphore(%run_scoped3A : memref<!tpu.dma_semaphore, #tpu.memory_space<semaphore_mem>>)
      %dma_wait3A = tpu.memref_slice %arg9[%mul3A_2] : memref<16384xf32, #tpu.memory_space<hbm>> -> memref<512xf32, #tpu.memory_space<hbm>>
      %dma_wait3A_11 = tpu.memref_slice %arg9[%mul3A_2] : memref<16384xf32, #tpu.memory_space<hbm>> -> memref<512xf32, #tpu.memory_space<hbm>>
      tpu.wait_dma2 semaphore(%run_scoped3A : memref<!tpu.dma_semaphore, #tpu.memory_space<semaphore_mem>>) src(%arg19 : memref<512xf32, #tpu.memory_space<vmem>>) dst(%dma_wait3A_11 : memref<512xf32, #tpu.memory_space<hbm>>)
      tpu.yield
    }) : () -> ()
    return
  }
}

#map = affine_map<(d0, d1) -> (0, 0)>
module attributes {stable_mosaic.version = 14 : i64} {
  func.func @_tr_body(%arg0: i32, %arg1: i32, %arg2: memref<64x1000000xf32, #tpu.memory_space<hbm>>, %arg3: memref<64x1000000xf32, #tpu.memory_space<hbm>>, %arg4: memref<500000x128xf32, #tpu.memory_space<hbm>>, %arg5: memref<500000x128xf32, #tpu.memory_space<hbm>>, %arg6: memref<64x256xf32, #tpu.memory_space<vmem>>, %arg7: memref<64x256xf32, #tpu.memory_space<vmem>>, %arg8: memref<128x128xf32, #tpu.memory_space<vmem>>, %arg9: memref<128x128xf32, #tpu.memory_space<vmem>>, %arg10: memref<!tpu.dma_semaphore, #tpu.memory_space<semaphore_mem>>, %arg11: memref<!tpu.dma_semaphore, #tpu.memory_space<semaphore_mem>>) attributes {dimension_semantics = [#tpu.dimension_semantics<core_parallel>, #tpu.dimension_semantics<subcore_parallel>], iteration_bounds = array<i64: 2, 16>, scalar_prefetch = 0 : i64, scratch_operands = 6 : i64, tpu.core_type = #tpu.core_type<sc_vector_subcore>, window_params = [{transform_indices = #map}, {transform_indices = #map}, {transform_indices = #map}, {transform_indices = #map}]} {
    %mul3A = arith.constant 2 : i32
    %mul3A_0 = arith.muli %arg1, %mul3A : i32
    %add3A = arith.addi %mul3A_0, %arg0 : i32
    %mul3A_1 = arith.constant 123 : i32
    %mul3A_2 = arith.muli %add3A, %mul3A_1 : i32
    %sub3A = arith.constant 3906 : i32
    %sub3A_3 = arith.subi %sub3A, %mul3A_2 : i32
    %jit3A = arith.constant 0 : i32
    %jit3A_4 = arith.constant 123 : i32
    %max3A = arith.maxsi %jit3A, %sub3A_3 : i32
    %min3A = arith.minsi %jit3A_4, %max3A : i32
    %iota3A = tpu.iota {dimensions = array<i32: 0>} : vector<16xi32>
    %shift_right_logical3A = arith.constant 1 : i32
    %shift_right_logical3A_5 = vector.broadcast %shift_right_logical3A : i32 to vector<16xi32>
    %shift_right_logical3A_6 = arith.shrui %iota3A, %shift_right_logical3A_5 : vector<16xi32>
    %and3A = arith.constant 1 : i32
    %and3A_7 = vector.broadcast %and3A : i32 to vector<16xi32>
    %and3A_8 = arith.andi %iota3A, %and3A_7 : vector<16xi32>
    %mul3A_9 = arith.constant 64 : i32
    %mul3A_10 = vector.broadcast %mul3A_9 : i32 to vector<16xi32>
    %mul3A_11 = arith.muli %and3A_8, %mul3A_10 : vector<16xi32>
    %gt3A = arith.constant 0 : i32
    %gt3A_12 = arith.cmpi sgt, %min3A, %gt3A : i32
    %convert_element_type3A = arith.extui %gt3A_12 : i1 to i32
    %cond3A = arith.constant 0 : i32
    %cond3A_13 = arith.cmpi ne, %convert_element_type3A, %cond3A : i32
    scf.if %cond3A_13 {
      %mul3A_30 = arith.constant 256 : i32
      %mul3A_31 = arith.muli %mul3A_2, %mul3A_30 : i32
      %dma_start3A = arith.constant 0 : i32
      %dma_start3A_32 = tpu.memref_slice %arg2[%dma_start3A, %mul3A_31] : memref<64x1000000xf32, #tpu.memory_space<hbm>> -> memref<64x256xf32, #tpu.memory_space<hbm>>
      %dma_start3A_33 = arith.constant 0 : i32
      %dma_start3A_34 = tpu.memref_slice %arg2[%dma_start3A_33, %mul3A_31] : memref<64x1000000xf32, #tpu.memory_space<hbm>> -> memref<64x256xf32, #tpu.memory_space<hbm>>
      tpu.enqueue_dma source(%dma_start3A_34 : memref<64x256xf32, #tpu.memory_space<hbm>>) target(%arg6 : memref<64x256xf32, #tpu.memory_space<vmem>>) target_semaphore(%arg10 : memref<!tpu.dma_semaphore, #tpu.memory_space<semaphore_mem>>)
      %mul3A_35 = arith.constant 256 : i32
      %mul3A_36 = arith.muli %mul3A_2, %mul3A_35 : i32
      %dma_start3A_37 = arith.constant 0 : i32
      %dma_start3A_38 = tpu.memref_slice %arg3[%dma_start3A_37, %mul3A_36] : memref<64x1000000xf32, #tpu.memory_space<hbm>> -> memref<64x256xf32, #tpu.memory_space<hbm>>
      %dma_start3A_39 = arith.constant 0 : i32
      %dma_start3A_40 = tpu.memref_slice %arg3[%dma_start3A_39, %mul3A_36] : memref<64x1000000xf32, #tpu.memory_space<hbm>> -> memref<64x256xf32, #tpu.memory_space<hbm>>
      tpu.enqueue_dma source(%dma_start3A_40 : memref<64x256xf32, #tpu.memory_space<hbm>>) target(%arg7 : memref<64x256xf32, #tpu.memory_space<vmem>>) target_semaphore(%arg10 : memref<!tpu.dma_semaphore, #tpu.memory_space<semaphore_mem>>)
    } else {
    }
    %while3A = arith.constant 0 : i32
    %while3A_14 = arith.constant 0 : i32
    %while3A_15 = arith.subi %min3A, %while3A : i32
    %while3A_16 = arith.addi %while3A, %while3A_15 : i32
    %while3A_17 = arith.constant 1 : i32
    %while3A_18 = arith.divsi %while3A_15, %while3A_17 : i32
    %while3A_19 = arith.muli %while3A_18, %while3A_17 : i32
    %while3A_20 = arith.addi %while3A, %while3A_19 : i32
    %while3A_21 = arith.constant 1 : i32
    %while3A_22 = scf.for %while3A_30 = %while3A to %while3A_20 step %while3A_21 iter_args(%while3A_31 = %while3A_14) -> (i32)  : i32 {
      %add3A_32 = arith.addi %mul3A_2, %while3A_30 : i32
      %dma_wait3A = arith.constant 0 : i32
      %dma_wait3A_33 = arith.constant 0 : i32
      %dma_wait3A_34 = tpu.memref_slice %arg2[%dma_wait3A, %dma_wait3A_33] : memref<64x1000000xf32, #tpu.memory_space<hbm>> -> memref<64x256xf32, #tpu.memory_space<hbm>>
      %dma_wait3A_35 = arith.constant 0 : i32
      %dma_wait3A_36 = arith.constant 0 : i32
      %dma_wait3A_37 = tpu.memref_slice %arg2[%dma_wait3A_35, %dma_wait3A_36] : memref<64x1000000xf32, #tpu.memory_space<hbm>> -> memref<64x256xf32, #tpu.memory_space<hbm>>
      tpu.wait_dma2 semaphore(%arg10 : memref<!tpu.dma_semaphore, #tpu.memory_space<semaphore_mem>>) src(%dma_wait3A_37 : memref<64x256xf32, #tpu.memory_space<hbm>>) dst(%arg6 : memref<64x256xf32, #tpu.memory_space<vmem>>)
      %dma_wait3A_38 = arith.constant 0 : i32
      %dma_wait3A_39 = arith.constant 0 : i32
      %dma_wait3A_40 = tpu.memref_slice %arg3[%dma_wait3A_38, %dma_wait3A_39] : memref<64x1000000xf32, #tpu.memory_space<hbm>> -> memref<64x256xf32, #tpu.memory_space<hbm>>
      %dma_wait3A_41 = arith.constant 0 : i32
      %dma_wait3A_42 = arith.constant 0 : i32
      %dma_wait3A_43 = tpu.memref_slice %arg3[%dma_wait3A_41, %dma_wait3A_42] : memref<64x1000000xf32, #tpu.memory_space<hbm>> -> memref<64x256xf32, #tpu.memory_space<hbm>>
      tpu.wait_dma2 semaphore(%arg10 : memref<!tpu.dma_semaphore, #tpu.memory_space<semaphore_mem>>) src(%dma_wait3A_43 : memref<64x256xf32, #tpu.memory_space<hbm>>) dst(%arg7 : memref<64x256xf32, #tpu.memory_space<vmem>>)
      %gt3A_44 = arith.constant 0 : i32
      %gt3A_45 = arith.cmpi sgt, %while3A_30, %gt3A_44 : i32
      %convert_element_type3A_46 = arith.extui %gt3A_45 : i1 to i32
      %cond3A_47 = arith.constant 0 : i32
      %cond3A_48 = arith.cmpi ne, %convert_element_type3A_46, %cond3A_47 : i32
      scf.if %cond3A_48 {
        %sub3A_72 = arith.constant 1 : i32
        %sub3A_73 = arith.subi %add3A_32, %sub3A_72 : i32
        %mul3A_74 = arith.constant 128 : i32
        %mul3A_75 = arith.muli %sub3A_73, %mul3A_74 : i32
        %dma_wait3A_76 = arith.constant 0 : i32
        %dma_wait3A_77 = tpu.memref_slice %arg4[%mul3A_75, %dma_wait3A_76] : memref<500000x128xf32, #tpu.memory_space<hbm>> -> memref<128x128xf32, #tpu.memory_space<hbm>>
        %dma_wait3A_78 = arith.constant 0 : i32
        %dma_wait3A_79 = tpu.memref_slice %arg4[%mul3A_75, %dma_wait3A_78] : memref<500000x128xf32, #tpu.memory_space<hbm>> -> memref<128x128xf32, #tpu.memory_space<hbm>>
        tpu.wait_dma2 semaphore(%arg11 : memref<!tpu.dma_semaphore, #tpu.memory_space<semaphore_mem>>) src(%arg8 : memref<128x128xf32, #tpu.memory_space<vmem>>) dst(%dma_wait3A_79 : memref<128x128xf32, #tpu.memory_space<hbm>>)
        %mul3A_80 = arith.constant 128 : i32
        %mul3A_81 = arith.muli %sub3A_73, %mul3A_80 : i32
        %dma_wait3A_82 = arith.constant 0 : i32
        %dma_wait3A_83 = tpu.memref_slice %arg5[%mul3A_81, %dma_wait3A_82] : memref<500000x128xf32, #tpu.memory_space<hbm>> -> memref<128x128xf32, #tpu.memory_space<hbm>>
        %dma_wait3A_84 = arith.constant 0 : i32
        %dma_wait3A_85 = tpu.memref_slice %arg5[%mul3A_81, %dma_wait3A_84] : memref<500000x128xf32, #tpu.memory_space<hbm>> -> memref<128x128xf32, #tpu.memory_space<hbm>>
        tpu.wait_dma2 semaphore(%arg11 : memref<!tpu.dma_semaphore, #tpu.memory_space<semaphore_mem>>) src(%arg9 : memref<128x128xf32, #tpu.memory_space<vmem>>) dst(%dma_wait3A_85 : memref<128x128xf32, #tpu.memory_space<hbm>>)
      } else {
      }
      %scan3A = arith.constant 0 : i32
      %scan3A_49 = arith.constant 0 : i32
      %scan3A_50 = arith.constant 64 : i32
      %scan3A_51 = arith.addi %scan3A_49, %scan3A_50 : i32
      %scan3A_52 = arith.constant 4 : i32
      %scan3A_53 = scf.for %scan3A_72 = %scan3A_49 to %scan3A_51 step %scan3A_52 iter_args(%scan3A_73 = %scan3A) -> (i32)  : i32 {
        %add3A_74 = vector.broadcast %scan3A_72 : i32 to vector<16xi32>
        %add3A_75 = arith.addi %mul3A_11, %add3A_74 : vector<16xi32>
        %add3A_76 = arith.constant 0 : i32
        %add3A_77 = vector.broadcast %add3A_76 : i32 to vector<16xi32>
        %add3A_78 = arith.addi %add3A_77, %shift_right_logical3A_6 : vector<16xi32>
        %get3A = arith.index_cast %scan3A_72 : i32 to index
        %get3A_79 = arith.constant 0 : index
        %get3A_80 = tpu.vector_load %arg6[%get3A, %get3A_79] {strides = array<i32>} : memref<64x256xf32, #tpu.memory_space<vmem>>, vector<16xf32>,
        tpu.vector_store_idx %arg8[%add3A_78, %add3A_75], %get3A_80 : memref<128x128xf32, #tpu.memory_space<vmem>>[vector<16xi32>, vector<16xi32>], vector<16xf32>,
        %get3A_81 = arith.index_cast %scan3A_72 : i32 to index
        %get3A_82 = arith.constant 0 : index
        %get3A_83 = tpu.vector_load %arg7[%get3A_81, %get3A_82] {strides = array<i32>} : memref<64x256xf32, #tpu.memory_space<vmem>>, vector<16xf32>,
        tpu.vector_store_idx %arg9[%add3A_78, %add3A_75], %get3A_83 : memref<128x128xf32, #tpu.memory_space<vmem>>[vector<16xi32>, vector<16xi32>], vector<16xf32>,
        %add3A_84 = arith.constant 8 : i32
        %add3A_85 = vector.broadcast %add3A_84 : i32 to vector<16xi32>
        %add3A_86 = arith.addi %add3A_85, %shift_right_logical3A_6 : vector<16xi32>
        %get3A_87 = arith.index_cast %scan3A_72 : i32 to index
        %get3A_88 = arith.constant 16 : index
        %get3A_89 = tpu.vector_load %arg6[%get3A_87, %get3A_88] {strides = array<i32>} : memref<64x256xf32, #tpu.memory_space<vmem>>, vector<16xf32>,
        tpu.vector_store_idx %arg8[%add3A_86, %add3A_75], %get3A_89 : memref<128x128xf32, #tpu.memory_space<vmem>>[vector<16xi32>, vector<16xi32>], vector<16xf32>,
        %get3A_90 = arith.index_cast %scan3A_72 : i32 to index
        %get3A_91 = arith.constant 16 : index
        %get3A_92 = tpu.vector_load %arg7[%get3A_90, %get3A_91] {strides = array<i32>} : memref<64x256xf32, #tpu.memory_space<vmem>>, vector<16xf32>,
        tpu.vector_store_idx %arg9[%add3A_86, %add3A_75], %get3A_92 : memref<128x128xf32, #tpu.memory_space<vmem>>[vector<16xi32>, vector<16xi32>], vector<16xf32>,
        %add3A_93 = arith.constant 16 : i32
        %add3A_94 = vector.broadcast %add3A_93 : i32 to vector<16xi32>
        %add3A_95 = arith.addi %add3A_94, %shift_right_logical3A_6 : vector<16xi32>
        %get3A_96 = arith.index_cast %scan3A_72 : i32 to index
        %get3A_97 = arith.constant 32 : index
        %get3A_98 = tpu.vector_load %arg6[%get3A_96, %get3A_97] {strides = array<i32>} : memref<64x256xf32, #tpu.memory_space<vmem>>, vector<16xf32>,
        tpu.vector_store_idx %arg8[%add3A_95, %add3A_75], %get3A_98 : memref<128x128xf32, #tpu.memory_space<vmem>>[vector<16xi32>, vector<16xi32>], vector<16xf32>,
        %get3A_99 = arith.index_cast %scan3A_72 : i32 to index
        %get3A_100 = arith.constant 32 : index
        %get3A_101 = tpu.vector_load %arg7[%get3A_99, %get3A_100] {strides = array<i32>} : memref<64x256xf32, #tpu.memory_space<vmem>>, vector<16xf32>,
        tpu.vector_store_idx %arg9[%add3A_95, %add3A_75], %get3A_101 : memref<128x128xf32, #tpu.memory_space<vmem>>[vector<16xi32>, vector<16xi32>], vector<16xf32>,
        %add3A_102 = arith.constant 24 : i32
        %add3A_103 = vector.broadcast %add3A_102 : i32 to vector<16xi32>
        %add3A_104 = arith.addi %add3A_103, %shift_right_logical3A_6 : vector<16xi32>
        %get3A_105 = arith.index_cast %scan3A_72 : i32 to index
        %get3A_106 = arith.constant 48 : index
        %get3A_107 = tpu.vector_load %arg6[%get3A_105, %get3A_106] {strides = array<i32>} : memref<64x256xf32, #tpu.memory_space<vmem>>, vector<16xf32>,
        tpu.vector_store_idx %arg8[%add3A_104, %add3A_75], %get3A_107 : memref<128x128xf32, #tpu.memory_space<vmem>>[vector<16xi32>, vector<16xi32>], vector<16xf32>,
        %get3A_108 = arith.index_cast %scan3A_72 : i32 to index
        %get3A_109 = arith.constant 48 : index
        %get3A_110 = tpu.vector_load %arg7[%get3A_108, %get3A_109] {strides = array<i32>} : memref<64x256xf32, #tpu.memory_space<vmem>>, vector<16xf32>,
        tpu.vector_store_idx %arg9[%add3A_104, %add3A_75], %get3A_110 : memref<128x128xf32, #tpu.memory_space<vmem>>[vector<16xi32>, vector<16xi32>], vector<16xf32>,
        %add3A_111 = arith.constant 32 : i32
        %add3A_112 = vector.broadcast %add3A_111 : i32 to vector<16xi32>
        %add3A_113 = arith.addi %add3A_112, %shift_right_logical3A_6 : vector<16xi32>
        %get3A_114 = arith.index_cast %scan3A_72 : i32 to index
        %get3A_115 = arith.constant 64 : index
        %get3A_116 = tpu.vector_load %arg6[%get3A_114, %get3A_115] {strides = array<i32>} : memref<64x256xf32, #tpu.memory_space<vmem>>, vector<16xf32>,
        tpu.vector_store_idx %arg8[%add3A_113, %add3A_75], %get3A_116 : memref<128x128xf32, #tpu.memory_space<vmem>>[vector<16xi32>, vector<16xi32>], vector<16xf32>,
        %get3A_117 = arith.index_cast %scan3A_72 : i32 to index
        %get3A_118 = arith.constant 64 : index
        %get3A_119 = tpu.vector_load %arg7[%get3A_117, %get3A_118] {strides = array<i32>} : memref<64x256xf32, #tpu.memory_space<vmem>>, vector<16xf32>,
        tpu.vector_store_idx %arg9[%add3A_113, %add3A_75], %get3A_119 : memref<128x128xf32, #tpu.memory_space<vmem>>[vector<16xi32>, vector<16xi32>], vector<16xf32>,
        %add3A_120 = arith.constant 40 : i32
        %add3A_121 = vector.broadcast %add3A_120 : i32 to vector<16xi32>
        %add3A_122 = arith.addi %add3A_121, %shift_right_logical3A_6 : vector<16xi32>
        %get3A_123 = arith.index_cast %scan3A_72 : i32 to index
        %get3A_124 = arith.constant 80 : index
        %get3A_125 = tpu.vector_load %arg6[%get3A_123, %get3A_124] {strides = array<i32>} : memref<64x256xf32, #tpu.memory_space<vmem>>, vector<16xf32>,
        tpu.vector_store_idx %arg8[%add3A_122, %add3A_75], %get3A_125 : memref<128x128xf32, #tpu.memory_space<vmem>>[vector<16xi32>, vector<16xi32>], vector<16xf32>,
        %get3A_126 = arith.index_cast %scan3A_72 : i32 to index
        %get3A_127 = arith.constant 80 : index
        %get3A_128 = tpu.vector_load %arg7[%get3A_126, %get3A_127] {strides = array<i32>} : memref<64x256xf32, #tpu.memory_space<vmem>>, vector<16xf32>,
        tpu.vector_store_idx %arg9[%add3A_122, %add3A_75], %get3A_128 : memref<128x128xf32, #tpu.memory_space<vmem>>[vector<16xi32>, vector<16xi32>], vector<16xf32>,
        %add3A_129 = arith.constant 48 : i32
        %add3A_130 = vector.broadcast %add3A_129 : i32 to vector<16xi32>
        %add3A_131 = arith.addi %add3A_130, %shift_right_logical3A_6 : vector<16xi32>
        %get3A_132 = arith.index_cast %scan3A_72 : i32 to index
        %get3A_133 = arith.constant 96 : index
        %get3A_134 = tpu.vector_load %arg6[%get3A_132, %get3A_133] {strides = array<i32>} : memref<64x256xf32, #tpu.memory_space<vmem>>, vector<16xf32>,
        tpu.vector_store_idx %arg8[%add3A_131, %add3A_75], %get3A_134 : memref<128x128xf32, #tpu.memory_space<vmem>>[vector<16xi32>, vector<16xi32>], vector<16xf32>,
        %get3A_135 = arith.index_cast %scan3A_72 : i32 to index
        %get3A_136 = arith.constant 96 : index
        %get3A_137 = tpu.vector_load %arg7[%get3A_135, %get3A_136] {strides = array<i32>} : memref<64x256xf32, #tpu.memory_space<vmem>>, vector<16xf32>,
        tpu.vector_store_idx %arg9[%add3A_131, %add3A_75], %get3A_137 : memref<128x128xf32, #tpu.memory_space<vmem>>[vector<16xi32>, vector<16xi32>], vector<16xf32>,
        %add3A_138 = arith.constant 56 : i32
        %add3A_139 = vector.broadcast %add3A_138 : i32 to vector<16xi32>
        %add3A_140 = arith.addi %add3A_139, %shift_right_logical3A_6 : vector<16xi32>
        %get3A_141 = arith.index_cast %scan3A_72 : i32 to index
        %get3A_142 = arith.constant 112 : index
        %get3A_143 = tpu.vector_load %arg6[%get3A_141, %get3A_142] {strides = array<i32>} : memref<64x256xf32, #tpu.memory_space<vmem>>, vector<16xf32>,
        tpu.vector_store_idx %arg8[%add3A_140, %add3A_75], %get3A_143 : memref<128x128xf32, #tpu.memory_space<vmem>>[vector<16xi32>, vector<16xi32>], vector<16xf32>,
        %get3A_144 = arith.index_cast %scan3A_72 : i32 to index
        %get3A_145 = arith.constant 112 : index
        %get3A_146 = tpu.vector_load %arg7[%get3A_144, %get3A_145] {strides = array<i32>} : memref<64x256xf32, #tpu.memory_space<vmem>>, vector<16xf32>,
        tpu.vector_store_idx %arg9[%add3A_140, %add3A_75], %get3A_146 : memref<128x128xf32, #tpu.memory_space<vmem>>[vector<16xi32>, vector<16xi32>], vector<16xf32>,
        %add3A_147 = arith.constant 64 : i32
        %add3A_148 = vector.broadcast %add3A_147 : i32 to vector<16xi32>
        %add3A_149 = arith.addi %add3A_148, %shift_right_logical3A_6 : vector<16xi32>
        %get3A_150 = arith.index_cast %scan3A_72 : i32 to index
        %get3A_151 = arith.constant 128 : index
        %get3A_152 = tpu.vector_load %arg6[%get3A_150, %get3A_151] {strides = array<i32>} : memref<64x256xf32, #tpu.memory_space<vmem>>, vector<16xf32>,
        tpu.vector_store_idx %arg8[%add3A_149, %add3A_75], %get3A_152 : memref<128x128xf32, #tpu.memory_space<vmem>>[vector<16xi32>, vector<16xi32>], vector<16xf32>,
        %get3A_153 = arith.index_cast %scan3A_72 : i32 to index
        %get3A_154 = arith.constant 128 : index
        %get3A_155 = tpu.vector_load %arg7[%get3A_153, %get3A_154] {strides = array<i32>} : memref<64x256xf32, #tpu.memory_space<vmem>>, vector<16xf32>,
        tpu.vector_store_idx %arg9[%add3A_149, %add3A_75], %get3A_155 : memref<128x128xf32, #tpu.memory_space<vmem>>[vector<16xi32>, vector<16xi32>], vector<16xf32>,
        %add3A_156 = arith.constant 72 : i32
        %add3A_157 = vector.broadcast %add3A_156 : i32 to vector<16xi32>
        %add3A_158 = arith.addi %add3A_157, %shift_right_logical3A_6 : vector<16xi32>
        %get3A_159 = arith.index_cast %scan3A_72 : i32 to index
        %get3A_160 = arith.constant 144 : index
        %get3A_161 = tpu.vector_load %arg6[%get3A_159, %get3A_160] {strides = array<i32>} : memref<64x256xf32, #tpu.memory_space<vmem>>, vector<16xf32>,
        tpu.vector_store_idx %arg8[%add3A_158, %add3A_75], %get3A_161 : memref<128x128xf32, #tpu.memory_space<vmem>>[vector<16xi32>, vector<16xi32>], vector<16xf32>,
        %get3A_162 = arith.index_cast %scan3A_72 : i32 to index
        %get3A_163 = arith.constant 144 : index
        %get3A_164 = tpu.vector_load %arg7[%get3A_162, %get3A_163] {strides = array<i32>} : memref<64x256xf32, #tpu.memory_space<vmem>>, vector<16xf32>,
        tpu.vector_store_idx %arg9[%add3A_158, %add3A_75], %get3A_164 : memref<128x128xf32, #tpu.memory_space<vmem>>[vector<16xi32>, vector<16xi32>], vector<16xf32>,
        %add3A_165 = arith.constant 80 : i32
        %add3A_166 = vector.broadcast %add3A_165 : i32 to vector<16xi32>
        %add3A_167 = arith.addi %add3A_166, %shift_right_logical3A_6 : vector<16xi32>
        %get3A_168 = arith.index_cast %scan3A_72 : i32 to index
        %get3A_169 = arith.constant 160 : index
        %get3A_170 = tpu.vector_load %arg6[%get3A_168, %get3A_169] {strides = array<i32>} : memref<64x256xf32, #tpu.memory_space<vmem>>, vector<16xf32>,
        tpu.vector_store_idx %arg8[%add3A_167, %add3A_75], %get3A_170 : memref<128x128xf32, #tpu.memory_space<vmem>>[vector<16xi32>, vector<16xi32>], vector<16xf32>,
        %get3A_171 = arith.index_cast %scan3A_72 : i32 to index
        %get3A_172 = arith.constant 160 : index
        %get3A_173 = tpu.vector_load %arg7[%get3A_171, %get3A_172] {strides = array<i32>} : memref<64x256xf32, #tpu.memory_space<vmem>>, vector<16xf32>,
        tpu.vector_store_idx %arg9[%add3A_167, %add3A_75], %get3A_173 : memref<128x128xf32, #tpu.memory_space<vmem>>[vector<16xi32>, vector<16xi32>], vector<16xf32>,
        %add3A_174 = arith.constant 88 : i32
        %add3A_175 = vector.broadcast %add3A_174 : i32 to vector<16xi32>
        %add3A_176 = arith.addi %add3A_175, %shift_right_logical3A_6 : vector<16xi32>
        %get3A_177 = arith.index_cast %scan3A_72 : i32 to index
        %get3A_178 = arith.constant 176 : index
        %get3A_179 = tpu.vector_load %arg6[%get3A_177, %get3A_178] {strides = array<i32>} : memref<64x256xf32, #tpu.memory_space<vmem>>, vector<16xf32>,
        tpu.vector_store_idx %arg8[%add3A_176, %add3A_75], %get3A_179 : memref<128x128xf32, #tpu.memory_space<vmem>>[vector<16xi32>, vector<16xi32>], vector<16xf32>,
        %get3A_180 = arith.index_cast %scan3A_72 : i32 to index
        %get3A_181 = arith.constant 176 : index
        %get3A_182 = tpu.vector_load %arg7[%get3A_180, %get3A_181] {strides = array<i32>} : memref<64x256xf32, #tpu.memory_space<vmem>>, vector<16xf32>,
        tpu.vector_store_idx %arg9[%add3A_176, %add3A_75], %get3A_182 : memref<128x128xf32, #tpu.memory_space<vmem>>[vector<16xi32>, vector<16xi32>], vector<16xf32>,
        %add3A_183 = arith.constant 96 : i32
        %add3A_184 = vector.broadcast %add3A_183 : i32 to vector<16xi32>
        %add3A_185 = arith.addi %add3A_184, %shift_right_logical3A_6 : vector<16xi32>
        %get3A_186 = arith.index_cast %scan3A_72 : i32 to index
        %get3A_187 = arith.constant 192 : index
        %get3A_188 = tpu.vector_load %arg6[%get3A_186, %get3A_187] {strides = array<i32>} : memref<64x256xf32, #tpu.memory_space<vmem>>, vector<16xf32>,
        tpu.vector_store_idx %arg8[%add3A_185, %add3A_75], %get3A_188 : memref<128x128xf32, #tpu.memory_space<vmem>>[vector<16xi32>, vector<16xi32>], vector<16xf32>,
        %get3A_189 = arith.index_cast %scan3A_72 : i32 to index
        %get3A_190 = arith.constant 192 : index
        %get3A_191 = tpu.vector_load %arg7[%get3A_189, %get3A_190] {strides = array<i32>} : memref<64x256xf32, #tpu.memory_space<vmem>>, vector<16xf32>,
        tpu.vector_store_idx %arg9[%add3A_185, %add3A_75], %get3A_191 : memref<128x128xf32, #tpu.memory_space<vmem>>[vector<16xi32>, vector<16xi32>], vector<16xf32>,
        %add3A_192 = arith.constant 104 : i32
        %add3A_193 = vector.broadcast %add3A_192 : i32 to vector<16xi32>
        %add3A_194 = arith.addi %add3A_193, %shift_right_logical3A_6 : vector<16xi32>
        %get3A_195 = arith.index_cast %scan3A_72 : i32 to index
        %get3A_196 = arith.constant 208 : index
        %get3A_197 = tpu.vector_load %arg6[%get3A_195, %get3A_196] {strides = array<i32>} : memref<64x256xf32, #tpu.memory_space<vmem>>, vector<16xf32>,
        tpu.vector_store_idx %arg8[%add3A_194, %add3A_75], %get3A_197 : memref<128x128xf32, #tpu.memory_space<vmem>>[vector<16xi32>, vector<16xi32>], vector<16xf32>,
        %get3A_198 = arith.index_cast %scan3A_72 : i32 to index
        %get3A_199 = arith.constant 208 : index
        %get3A_200 = tpu.vector_load %arg7[%get3A_198, %get3A_199] {strides = array<i32>} : memref<64x256xf32, #tpu.memory_space<vmem>>, vector<16xf32>,
        tpu.vector_store_idx %arg9[%add3A_194, %add3A_75], %get3A_200 : memref<128x128xf32, #tpu.memory_space<vmem>>[vector<16xi32>, vector<16xi32>], vector<16xf32>,
        %add3A_201 = arith.constant 112 : i32
        %add3A_202 = vector.broadcast %add3A_201 : i32 to vector<16xi32>
        %add3A_203 = arith.addi %add3A_202, %shift_right_logical3A_6 : vector<16xi32>
        %get3A_204 = arith.index_cast %scan3A_72 : i32 to index
        %get3A_205 = arith.constant 224 : index
        %get3A_206 = tpu.vector_load %arg6[%get3A_204, %get3A_205] {strides = array<i32>} : memref<64x256xf32, #tpu.memory_space<vmem>>, vector<16xf32>,
        tpu.vector_store_idx %arg8[%add3A_203, %add3A_75], %get3A_206 : memref<128x128xf32, #tpu.memory_space<vmem>>[vector<16xi32>, vector<16xi32>], vector<16xf32>,
        %get3A_207 = arith.index_cast %scan3A_72 : i32 to index
        %get3A_208 = arith.constant 224 : index
        %get3A_209 = tpu.vector_load %arg7[%get3A_207, %get3A_208] {strides = array<i32>} : memref<64x256xf32, #tpu.memory_space<vmem>>, vector<16xf32>,
        tpu.vector_store_idx %arg9[%add3A_203, %add3A_75], %get3A_209 : memref<128x128xf32, #tpu.memory_space<vmem>>[vector<16xi32>, vector<16xi32>], vector<16xf32>,
        %add3A_210 = arith.constant 120 : i32
        %add3A_211 = vector.broadcast %add3A_210 : i32 to vector<16xi32>
        %add3A_212 = arith.addi %add3A_211, %shift_right_logical3A_6 : vector<16xi32>
        %get3A_213 = arith.index_cast %scan3A_72 : i32 to index
        %get3A_214 = arith.constant 240 : index
        %get3A_215 = tpu.vector_load %arg6[%get3A_213, %get3A_214] {strides = array<i32>} : memref<64x256xf32, #tpu.memory_space<vmem>>, vector<16xf32>,
        tpu.vector_store_idx %arg8[%add3A_212, %add3A_75], %get3A_215 : memref<128x128xf32, #tpu.memory_space<vmem>>[vector<16xi32>, vector<16xi32>], vector<16xf32>,
        %get3A_216 = arith.index_cast %scan3A_72 : i32 to index
        %get3A_217 = arith.constant 240 : index
        %get3A_218 = tpu.vector_load %arg7[%get3A_216, %get3A_217] {strides = array<i32>} : memref<64x256xf32, #tpu.memory_space<vmem>>, vector<16xf32>,
        tpu.vector_store_idx %arg9[%add3A_212, %add3A_75], %get3A_218 : memref<128x128xf32, #tpu.memory_space<vmem>>[vector<16xi32>, vector<16xi32>], vector<16xf32>,
        %scan3A_219 = arith.constant 0 : i32
        %scan3A_220 = arith.constant 1 : i32
        %scan3A_221 = arith.addi %scan3A_72, %scan3A_220 : i32
        %add3A_222 = vector.broadcast %scan3A_221 : i32 to vector<16xi32>
        %add3A_223 = arith.addi %mul3A_11, %add3A_222 : vector<16xi32>
        %add3A_224 = arith.constant 0 : i32
        %add3A_225 = vector.broadcast %add3A_224 : i32 to vector<16xi32>
        %add3A_226 = arith.addi %add3A_225, %shift_right_logical3A_6 : vector<16xi32>
        %get3A_227 = arith.index_cast %scan3A_221 : i32 to index
        %get3A_228 = arith.constant 0 : index
        %get3A_229 = tpu.vector_load %arg6[%get3A_227, %get3A_228] {strides = array<i32>} : memref<64x256xf32, #tpu.memory_space<vmem>>, vector<16xf32>,
        tpu.vector_store_idx %arg8[%add3A_226, %add3A_223], %get3A_229 : memref<128x128xf32, #tpu.memory_space<vmem>>[vector<16xi32>, vector<16xi32>], vector<16xf32>,
        %get3A_230 = arith.index_cast %scan3A_221 : i32 to index
        %get3A_231 = arith.constant 0 : index
        %get3A_232 = tpu.vector_load %arg7[%get3A_230, %get3A_231] {strides = array<i32>} : memref<64x256xf32, #tpu.memory_space<vmem>>, vector<16xf32>,
        tpu.vector_store_idx %arg9[%add3A_226, %add3A_223], %get3A_232 : memref<128x128xf32, #tpu.memory_space<vmem>>[vector<16xi32>, vector<16xi32>], vector<16xf32>,
        %add3A_233 = arith.constant 8 : i32
        %add3A_234 = vector.broadcast %add3A_233 : i32 to vector<16xi32>
        %add3A_235 = arith.addi %add3A_234, %shift_right_logical3A_6 : vector<16xi32>
        %get3A_236 = arith.index_cast %scan3A_221 : i32 to index
        %get3A_237 = arith.constant 16 : index
        %get3A_238 = tpu.vector_load %arg6[%get3A_236, %get3A_237] {strides = array<i32>} : memref<64x256xf32, #tpu.memory_space<vmem>>, vector<16xf32>,
        tpu.vector_store_idx %arg8[%add3A_235, %add3A_223], %get3A_238 : memref<128x128xf32, #tpu.memory_space<vmem>>[vector<16xi32>, vector<16xi32>], vector<16xf32>,
        %get3A_239 = arith.index_cast %scan3A_221 : i32 to index
        %get3A_240 = arith.constant 16 : index
        %get3A_241 = tpu.vector_load %arg7[%get3A_239, %get3A_240] {strides = array<i32>} : memref<64x256xf32, #tpu.memory_space<vmem>>, vector<16xf32>,
        tpu.vector_store_idx %arg9[%add3A_235, %add3A_223], %get3A_241 : memref<128x128xf32, #tpu.memory_space<vmem>>[vector<16xi32>, vector<16xi32>], vector<16xf32>,
        %add3A_242 = arith.constant 16 : i32
        %add3A_243 = vector.broadcast %add3A_242 : i32 to vector<16xi32>
        %add3A_244 = arith.addi %add3A_243, %shift_right_logical3A_6 : vector<16xi32>
        %get3A_245 = arith.index_cast %scan3A_221 : i32 to index
        %get3A_246 = arith.constant 32 : index
        %get3A_247 = tpu.vector_load %arg6[%get3A_245, %get3A_246] {strides = array<i32>} : memref<64x256xf32, #tpu.memory_space<vmem>>, vector<16xf32>,
        tpu.vector_store_idx %arg8[%add3A_244, %add3A_223], %get3A_247 : memref<128x128xf32, #tpu.memory_space<vmem>>[vector<16xi32>, vector<16xi32>], vector<16xf32>,
        %get3A_248 = arith.index_cast %scan3A_221 : i32 to index
        %get3A_249 = arith.constant 32 : index
        %get3A_250 = tpu.vector_load %arg7[%get3A_248, %get3A_249] {strides = array<i32>} : memref<64x256xf32, #tpu.memory_space<vmem>>, vector<16xf32>,
        tpu.vector_store_idx %arg9[%add3A_244, %add3A_223], %get3A_250 : memref<128x128xf32, #tpu.memory_space<vmem>>[vector<16xi32>, vector<16xi32>], vector<16xf32>,
        %add3A_251 = arith.constant 24 : i32
        %add3A_252 = vector.broadcast %add3A_251 : i32 to vector<16xi32>
        %add3A_253 = arith.addi %add3A_252, %shift_right_logical3A_6 : vector<16xi32>
        %get3A_254 = arith.index_cast %scan3A_221 : i32 to index
        %get3A_255 = arith.constant 48 : index
        %get3A_256 = tpu.vector_load %arg6[%get3A_254, %get3A_255] {strides = array<i32>} : memref<64x256xf32, #tpu.memory_space<vmem>>, vector<16xf32>,
        tpu.vector_store_idx %arg8[%add3A_253, %add3A_223], %get3A_256 : memref<128x128xf32, #tpu.memory_space<vmem>>[vector<16xi32>, vector<16xi32>], vector<16xf32>,
        %get3A_257 = arith.index_cast %scan3A_221 : i32 to index
        %get3A_258 = arith.constant 48 : index
        %get3A_259 = tpu.vector_load %arg7[%get3A_257, %get3A_258] {strides = array<i32>} : memref<64x256xf32, #tpu.memory_space<vmem>>, vector<16xf32>,
        tpu.vector_store_idx %arg9[%add3A_253, %add3A_223], %get3A_259 : memref<128x128xf32, #tpu.memory_space<vmem>>[vector<16xi32>, vector<16xi32>], vector<16xf32>,
        %add3A_260 = arith.constant 32 : i32
        %add3A_261 = vector.broadcast %add3A_260 : i32 to vector<16xi32>
        %add3A_262 = arith.addi %add3A_261, %shift_right_logical3A_6 : vector<16xi32>
        %get3A_263 = arith.index_cast %scan3A_221 : i32 to index
        %get3A_264 = arith.constant 64 : index
        %get3A_265 = tpu.vector_load %arg6[%get3A_263, %get3A_264] {strides = array<i32>} : memref<64x256xf32, #tpu.memory_space<vmem>>, vector<16xf32>,
        tpu.vector_store_idx %arg8[%add3A_262, %add3A_223], %get3A_265 : memref<128x128xf32, #tpu.memory_space<vmem>>[vector<16xi32>, vector<16xi32>], vector<16xf32>,
        %get3A_266 = arith.index_cast %scan3A_221 : i32 to index
        %get3A_267 = arith.constant 64 : index
        %get3A_268 = tpu.vector_load %arg7[%get3A_266, %get3A_267] {strides = array<i32>} : memref<64x256xf32, #tpu.memory_space<vmem>>, vector<16xf32>,
        tpu.vector_store_idx %arg9[%add3A_262, %add3A_223], %get3A_268 : memref<128x128xf32, #tpu.memory_space<vmem>>[vector<16xi32>, vector<16xi32>], vector<16xf32>,
        %add3A_269 = arith.constant 40 : i32
        %add3A_270 = vector.broadcast %add3A_269 : i32 to vector<16xi32>
        %add3A_271 = arith.addi %add3A_270, %shift_right_logical3A_6 : vector<16xi32>
        %get3A_272 = arith.index_cast %scan3A_221 : i32 to index
        %get3A_273 = arith.constant 80 : index
        %get3A_274 = tpu.vector_load %arg6[%get3A_272, %get3A_273] {strides = array<i32>} : memref<64x256xf32, #tpu.memory_space<vmem>>, vector<16xf32>,
        tpu.vector_store_idx %arg8[%add3A_271, %add3A_223], %get3A_274 : memref<128x128xf32, #tpu.memory_space<vmem>>[vector<16xi32>, vector<16xi32>], vector<16xf32>,
        %get3A_275 = arith.index_cast %scan3A_221 : i32 to index
        %get3A_276 = arith.constant 80 : index
        %get3A_277 = tpu.vector_load %arg7[%get3A_275, %get3A_276] {strides = array<i32>} : memref<64x256xf32, #tpu.memory_space<vmem>>, vector<16xf32>,
        tpu.vector_store_idx %arg9[%add3A_271, %add3A_223], %get3A_277 : memref<128x128xf32, #tpu.memory_space<vmem>>[vector<16xi32>, vector<16xi32>], vector<16xf32>,
        %add3A_278 = arith.constant 48 : i32
        %add3A_279 = vector.broadcast %add3A_278 : i32 to vector<16xi32>
        %add3A_280 = arith.addi %add3A_279, %shift_right_logical3A_6 : vector<16xi32>
        %get3A_281 = arith.index_cast %scan3A_221 : i32 to index
        %get3A_282 = arith.constant 96 : index
        %get3A_283 = tpu.vector_load %arg6[%get3A_281, %get3A_282] {strides = array<i32>} : memref<64x256xf32, #tpu.memory_space<vmem>>, vector<16xf32>,
        tpu.vector_store_idx %arg8[%add3A_280, %add3A_223], %get3A_283 : memref<128x128xf32, #tpu.memory_space<vmem>>[vector<16xi32>, vector<16xi32>], vector<16xf32>,
        %get3A_284 = arith.index_cast %scan3A_221 : i32 to index
        %get3A_285 = arith.constant 96 : index
        %get3A_286 = tpu.vector_load %arg7[%get3A_284, %get3A_285] {strides = array<i32>} : memref<64x256xf32, #tpu.memory_space<vmem>>, vector<16xf32>,
        tpu.vector_store_idx %arg9[%add3A_280, %add3A_223], %get3A_286 : memref<128x128xf32, #tpu.memory_space<vmem>>[vector<16xi32>, vector<16xi32>], vector<16xf32>,
        %add3A_287 = arith.constant 56 : i32
        %add3A_288 = vector.broadcast %add3A_287 : i32 to vector<16xi32>
        %add3A_289 = arith.addi %add3A_288, %shift_right_logical3A_6 : vector<16xi32>
        %get3A_290 = arith.index_cast %scan3A_221 : i32 to index
        %get3A_291 = arith.constant 112 : index
        %get3A_292 = tpu.vector_load %arg6[%get3A_290, %get3A_291] {strides = array<i32>} : memref<64x256xf32, #tpu.memory_space<vmem>>, vector<16xf32>,
        tpu.vector_store_idx %arg8[%add3A_289, %add3A_223], %get3A_292 : memref<128x128xf32, #tpu.memory_space<vmem>>[vector<16xi32>, vector<16xi32>], vector<16xf32>,
        %get3A_293 = arith.index_cast %scan3A_221 : i32 to index
        %get3A_294 = arith.constant 112 : index
        %get3A_295 = tpu.vector_load %arg7[%get3A_293, %get3A_294] {strides = array<i32>} : memref<64x256xf32, #tpu.memory_space<vmem>>, vector<16xf32>,
        tpu.vector_store_idx %arg9[%add3A_289, %add3A_223], %get3A_295 : memref<128x128xf32, #tpu.memory_space<vmem>>[vector<16xi32>, vector<16xi32>], vector<16xf32>,
        %add3A_296 = arith.constant 64 : i32
        %add3A_297 = vector.broadcast %add3A_296 : i32 to vector<16xi32>
        %add3A_298 = arith.addi %add3A_297, %shift_right_logical3A_6 : vector<16xi32>
        %get3A_299 = arith.index_cast %scan3A_221 : i32 to index
        %get3A_300 = arith.constant 128 : index
        %get3A_301 = tpu.vector_load %arg6[%get3A_299, %get3A_300] {strides = array<i32>} : memref<64x256xf32, #tpu.memory_space<vmem>>, vector<16xf32>,
        tpu.vector_store_idx %arg8[%add3A_298, %add3A_223], %get3A_301 : memref<128x128xf32, #tpu.memory_space<vmem>>[vector<16xi32>, vector<16xi32>], vector<16xf32>,
        %get3A_302 = arith.index_cast %scan3A_221 : i32 to index
        %get3A_303 = arith.constant 128 : index
        %get3A_304 = tpu.vector_load %arg7[%get3A_302, %get3A_303] {strides = array<i32>} : memref<64x256xf32, #tpu.memory_space<vmem>>, vector<16xf32>,
        tpu.vector_store_idx %arg9[%add3A_298, %add3A_223], %get3A_304 : memref<128x128xf32, #tpu.memory_space<vmem>>[vector<16xi32>, vector<16xi32>], vector<16xf32>,
        %add3A_305 = arith.constant 72 : i32
        %add3A_306 = vector.broadcast %add3A_305 : i32 to vector<16xi32>
        %add3A_307 = arith.addi %add3A_306, %shift_right_logical3A_6 : vector<16xi32>
        %get3A_308 = arith.index_cast %scan3A_221 : i32 to index
        %get3A_309 = arith.constant 144 : index
        %get3A_310 = tpu.vector_load %arg6[%get3A_308, %get3A_309] {strides = array<i32>} : memref<64x256xf32, #tpu.memory_space<vmem>>, vector<16xf32>,
        tpu.vector_store_idx %arg8[%add3A_307, %add3A_223], %get3A_310 : memref<128x128xf32, #tpu.memory_space<vmem>>[vector<16xi32>, vector<16xi32>], vector<16xf32>,
        %get3A_311 = arith.index_cast %scan3A_221 : i32 to index
        %get3A_312 = arith.constant 144 : index
        %get3A_313 = tpu.vector_load %arg7[%get3A_311, %get3A_312] {strides = array<i32>} : memref<64x256xf32, #tpu.memory_space<vmem>>, vector<16xf32>,
        tpu.vector_store_idx %arg9[%add3A_307, %add3A_223], %get3A_313 : memref<128x128xf32, #tpu.memory_space<vmem>>[vector<16xi32>, vector<16xi32>], vector<16xf32>,
        %add3A_314 = arith.constant 80 : i32
        %add3A_315 = vector.broadcast %add3A_314 : i32 to vector<16xi32>
        %add3A_316 = arith.addi %add3A_315, %shift_right_logical3A_6 : vector<16xi32>
        %get3A_317 = arith.index_cast %scan3A_221 : i32 to index
        %get3A_318 = arith.constant 160 : index
        %get3A_319 = tpu.vector_load %arg6[%get3A_317, %get3A_318] {strides = array<i32>} : memref<64x256xf32, #tpu.memory_space<vmem>>, vector<16xf32>,
        tpu.vector_store_idx %arg8[%add3A_316, %add3A_223], %get3A_319 : memref<128x128xf32, #tpu.memory_space<vmem>>[vector<16xi32>, vector<16xi32>], vector<16xf32>,
        %get3A_320 = arith.index_cast %scan3A_221 : i32 to index
        %get3A_321 = arith.constant 160 : index
        %get3A_322 = tpu.vector_load %arg7[%get3A_320, %get3A_321] {strides = array<i32>} : memref<64x256xf32, #tpu.memory_space<vmem>>, vector<16xf32>,
        tpu.vector_store_idx %arg9[%add3A_316, %add3A_223], %get3A_322 : memref<128x128xf32, #tpu.memory_space<vmem>>[vector<16xi32>, vector<16xi32>], vector<16xf32>,
        %add3A_323 = arith.constant 88 : i32
        %add3A_324 = vector.broadcast %add3A_323 : i32 to vector<16xi32>
        %add3A_325 = arith.addi %add3A_324, %shift_right_logical3A_6 : vector<16xi32>
        %get3A_326 = arith.index_cast %scan3A_221 : i32 to index
        %get3A_327 = arith.constant 176 : index
        %get3A_328 = tpu.vector_load %arg6[%get3A_326, %get3A_327] {strides = array<i32>} : memref<64x256xf32, #tpu.memory_space<vmem>>, vector<16xf32>,
        tpu.vector_store_idx %arg8[%add3A_325, %add3A_223], %get3A_328 : memref<128x128xf32, #tpu.memory_space<vmem>>[vector<16xi32>, vector<16xi32>], vector<16xf32>,
        %get3A_329 = arith.index_cast %scan3A_221 : i32 to index
        %get3A_330 = arith.constant 176 : index
        %get3A_331 = tpu.vector_load %arg7[%get3A_329, %get3A_330] {strides = array<i32>} : memref<64x256xf32, #tpu.memory_space<vmem>>, vector<16xf32>,
        tpu.vector_store_idx %arg9[%add3A_325, %add3A_223], %get3A_331 : memref<128x128xf32, #tpu.memory_space<vmem>>[vector<16xi32>, vector<16xi32>], vector<16xf32>,
        %add3A_332 = arith.constant 96 : i32
        %add3A_333 = vector.broadcast %add3A_332 : i32 to vector<16xi32>
        %add3A_334 = arith.addi %add3A_333, %shift_right_logical3A_6 : vector<16xi32>
        %get3A_335 = arith.index_cast %scan3A_221 : i32 to index
        %get3A_336 = arith.constant 192 : index
        %get3A_337 = tpu.vector_load %arg6[%get3A_335, %get3A_336] {strides = array<i32>} : memref<64x256xf32, #tpu.memory_space<vmem>>, vector<16xf32>,
        tpu.vector_store_idx %arg8[%add3A_334, %add3A_223], %get3A_337 : memref<128x128xf32, #tpu.memory_space<vmem>>[vector<16xi32>, vector<16xi32>], vector<16xf32>,
        %get3A_338 = arith.index_cast %scan3A_221 : i32 to index
        %get3A_339 = arith.constant 192 : index
        %get3A_340 = tpu.vector_load %arg7[%get3A_338, %get3A_339] {strides = array<i32>} : memref<64x256xf32, #tpu.memory_space<vmem>>, vector<16xf32>,
        tpu.vector_store_idx %arg9[%add3A_334, %add3A_223], %get3A_340 : memref<128x128xf32, #tpu.memory_space<vmem>>[vector<16xi32>, vector<16xi32>], vector<16xf32>,
        %add3A_341 = arith.constant 104 : i32
        %add3A_342 = vector.broadcast %add3A_341 : i32 to vector<16xi32>
        %add3A_343 = arith.addi %add3A_342, %shift_right_logical3A_6 : vector<16xi32>
        %get3A_344 = arith.index_cast %scan3A_221 : i32 to index
        %get3A_345 = arith.constant 208 : index
        %get3A_346 = tpu.vector_load %arg6[%get3A_344, %get3A_345] {strides = array<i32>} : memref<64x256xf32, #tpu.memory_space<vmem>>, vector<16xf32>,
        tpu.vector_store_idx %arg8[%add3A_343, %add3A_223], %get3A_346 : memref<128x128xf32, #tpu.memory_space<vmem>>[vector<16xi32>, vector<16xi32>], vector<16xf32>,
        %get3A_347 = arith.index_cast %scan3A_221 : i32 to index
        %get3A_348 = arith.constant 208 : index
        %get3A_349 = tpu.vector_load %arg7[%get3A_347, %get3A_348] {strides = array<i32>} : memref<64x256xf32, #tpu.memory_space<vmem>>, vector<16xf32>,
        tpu.vector_store_idx %arg9[%add3A_343, %add3A_223], %get3A_349 : memref<128x128xf32, #tpu.memory_space<vmem>>[vector<16xi32>, vector<16xi32>], vector<16xf32>,
        %add3A_350 = arith.constant 112 : i32
        %add3A_351 = vector.broadcast %add3A_350 : i32 to vector<16xi32>
        %add3A_352 = arith.addi %add3A_351, %shift_right_logical3A_6 : vector<16xi32>
        %get3A_353 = arith.index_cast %scan3A_221 : i32 to index
        %get3A_354 = arith.constant 224 : index
        %get3A_355 = tpu.vector_load %arg6[%get3A_353, %get3A_354] {strides = array<i32>} : memref<64x256xf32, #tpu.memory_space<vmem>>, vector<16xf32>,
        tpu.vector_store_idx %arg8[%add3A_352, %add3A_223], %get3A_355 : memref<128x128xf32, #tpu.memory_space<vmem>>[vector<16xi32>, vector<16xi32>], vector<16xf32>,
        %get3A_356 = arith.index_cast %scan3A_221 : i32 to index
        %get3A_357 = arith.constant 224 : index
        %get3A_358 = tpu.vector_load %arg7[%get3A_356, %get3A_357] {strides = array<i32>} : memref<64x256xf32, #tpu.memory_space<vmem>>, vector<16xf32>,
        tpu.vector_store_idx %arg9[%add3A_352, %add3A_223], %get3A_358 : memref<128x128xf32, #tpu.memory_space<vmem>>[vector<16xi32>, vector<16xi32>], vector<16xf32>,
        %add3A_359 = arith.constant 120 : i32
        %add3A_360 = vector.broadcast %add3A_359 : i32 to vector<16xi32>
        %add3A_361 = arith.addi %add3A_360, %shift_right_logical3A_6 : vector<16xi32>
        %get3A_362 = arith.index_cast %scan3A_221 : i32 to index
        %get3A_363 = arith.constant 240 : index
        %get3A_364 = tpu.vector_load %arg6[%get3A_362, %get3A_363] {strides = array<i32>} : memref<64x256xf32, #tpu.memory_space<vmem>>, vector<16xf32>,
        tpu.vector_store_idx %arg8[%add3A_361, %add3A_223], %get3A_364 : memref<128x128xf32, #tpu.memory_space<vmem>>[vector<16xi32>, vector<16xi32>], vector<16xf32>,
        %get3A_365 = arith.index_cast %scan3A_221 : i32 to index
        %get3A_366 = arith.constant 240 : index
        %get3A_367 = tpu.vector_load %arg7[%get3A_365, %get3A_366] {strides = array<i32>} : memref<64x256xf32, #tpu.memory_space<vmem>>, vector<16xf32>,
        tpu.vector_store_idx %arg9[%add3A_361, %add3A_223], %get3A_367 : memref<128x128xf32, #tpu.memory_space<vmem>>[vector<16xi32>, vector<16xi32>], vector<16xf32>,
        %scan3A_368 = arith.constant 0 : i32
        %scan3A_369 = arith.constant 2 : i32
        %scan3A_370 = arith.addi %scan3A_72, %scan3A_369 : i32
        %add3A_371 = vector.broadcast %scan3A_370 : i32 to vector<16xi32>
        %add3A_372 = arith.addi %mul3A_11, %add3A_371 : vector<16xi32>
        %add3A_373 = arith.constant 0 : i32
        %add3A_374 = vector.broadcast %add3A_373 : i32 to vector<16xi32>
        %add3A_375 = arith.addi %add3A_374, %shift_right_logical3A_6 : vector<16xi32>
        %get3A_376 = arith.index_cast %scan3A_370 : i32 to index
        %get3A_377 = arith.constant 0 : index
        %get3A_378 = tpu.vector_load %arg6[%get3A_376, %get3A_377] {strides = array<i32>} : memref<64x256xf32, #tpu.memory_space<vmem>>, vector<16xf32>,
        tpu.vector_store_idx %arg8[%add3A_375, %add3A_372], %get3A_378 : memref<128x128xf32, #tpu.memory_space<vmem>>[vector<16xi32>, vector<16xi32>], vector<16xf32>,
        %get3A_379 = arith.index_cast %scan3A_370 : i32 to index
        %get3A_380 = arith.constant 0 : index
        %get3A_381 = tpu.vector_load %arg7[%get3A_379, %get3A_380] {strides = array<i32>} : memref<64x256xf32, #tpu.memory_space<vmem>>, vector<16xf32>,
        tpu.vector_store_idx %arg9[%add3A_375, %add3A_372], %get3A_381 : memref<128x128xf32, #tpu.memory_space<vmem>>[vector<16xi32>, vector<16xi32>], vector<16xf32>,
        %add3A_382 = arith.constant 8 : i32
        %add3A_383 = vector.broadcast %add3A_382 : i32 to vector<16xi32>
        %add3A_384 = arith.addi %add3A_383, %shift_right_logical3A_6 : vector<16xi32>
        %get3A_385 = arith.index_cast %scan3A_370 : i32 to index
        %get3A_386 = arith.constant 16 : index
        %get3A_387 = tpu.vector_load %arg6[%get3A_385, %get3A_386] {strides = array<i32>} : memref<64x256xf32, #tpu.memory_space<vmem>>, vector<16xf32>,
        tpu.vector_store_idx %arg8[%add3A_384, %add3A_372], %get3A_387 : memref<128x128xf32, #tpu.memory_space<vmem>>[vector<16xi32>, vector<16xi32>], vector<16xf32>,
        %get3A_388 = arith.index_cast %scan3A_370 : i32 to index
        %get3A_389 = arith.constant 16 : index
        %get3A_390 = tpu.vector_load %arg7[%get3A_388, %get3A_389] {strides = array<i32>} : memref<64x256xf32, #tpu.memory_space<vmem>>, vector<16xf32>,
        tpu.vector_store_idx %arg9[%add3A_384, %add3A_372], %get3A_390 : memref<128x128xf32, #tpu.memory_space<vmem>>[vector<16xi32>, vector<16xi32>], vector<16xf32>,
        %add3A_391 = arith.constant 16 : i32
        %add3A_392 = vector.broadcast %add3A_391 : i32 to vector<16xi32>
        %add3A_393 = arith.addi %add3A_392, %shift_right_logical3A_6 : vector<16xi32>
        %get3A_394 = arith.index_cast %scan3A_370 : i32 to index
        %get3A_395 = arith.constant 32 : index
        %get3A_396 = tpu.vector_load %arg6[%get3A_394, %get3A_395] {strides = array<i32>} : memref<64x256xf32, #tpu.memory_space<vmem>>, vector<16xf32>,
        tpu.vector_store_idx %arg8[%add3A_393, %add3A_372], %get3A_396 : memref<128x128xf32, #tpu.memory_space<vmem>>[vector<16xi32>, vector<16xi32>], vector<16xf32>,
        %get3A_397 = arith.index_cast %scan3A_370 : i32 to index
        %get3A_398 = arith.constant 32 : index
        %get3A_399 = tpu.vector_load %arg7[%get3A_397, %get3A_398] {strides = array<i32>} : memref<64x256xf32, #tpu.memory_space<vmem>>, vector<16xf32>,
        tpu.vector_store_idx %arg9[%add3A_393, %add3A_372], %get3A_399 : memref<128x128xf32, #tpu.memory_space<vmem>>[vector<16xi32>, vector<16xi32>], vector<16xf32>,
        %add3A_400 = arith.constant 24 : i32
        %add3A_401 = vector.broadcast %add3A_400 : i32 to vector<16xi32>
        %add3A_402 = arith.addi %add3A_401, %shift_right_logical3A_6 : vector<16xi32>
        %get3A_403 = arith.index_cast %scan3A_370 : i32 to index
        %get3A_404 = arith.constant 48 : index
        %get3A_405 = tpu.vector_load %arg6[%get3A_403, %get3A_404] {strides = array<i32>} : memref<64x256xf32, #tpu.memory_space<vmem>>, vector<16xf32>,
        tpu.vector_store_idx %arg8[%add3A_402, %add3A_372], %get3A_405 : memref<128x128xf32, #tpu.memory_space<vmem>>[vector<16xi32>, vector<16xi32>], vector<16xf32>,
        %get3A_406 = arith.index_cast %scan3A_370 : i32 to index
        %get3A_407 = arith.constant 48 : index
        %get3A_408 = tpu.vector_load %arg7[%get3A_406, %get3A_407] {strides = array<i32>} : memref<64x256xf32, #tpu.memory_space<vmem>>, vector<16xf32>,
        tpu.vector_store_idx %arg9[%add3A_402, %add3A_372], %get3A_408 : memref<128x128xf32, #tpu.memory_space<vmem>>[vector<16xi32>, vector<16xi32>], vector<16xf32>,
        %add3A_409 = arith.constant 32 : i32
        %add3A_410 = vector.broadcast %add3A_409 : i32 to vector<16xi32>
        %add3A_411 = arith.addi %add3A_410, %shift_right_logical3A_6 : vector<16xi32>
        %get3A_412 = arith.index_cast %scan3A_370 : i32 to index
        %get3A_413 = arith.constant 64 : index
        %get3A_414 = tpu.vector_load %arg6[%get3A_412, %get3A_413] {strides = array<i32>} : memref<64x256xf32, #tpu.memory_space<vmem>>, vector<16xf32>,
        tpu.vector_store_idx %arg8[%add3A_411, %add3A_372], %get3A_414 : memref<128x128xf32, #tpu.memory_space<vmem>>[vector<16xi32>, vector<16xi32>], vector<16xf32>,
        %get3A_415 = arith.index_cast %scan3A_370 : i32 to index
        %get3A_416 = arith.constant 64 : index
        %get3A_417 = tpu.vector_load %arg7[%get3A_415, %get3A_416] {strides = array<i32>} : memref<64x256xf32, #tpu.memory_space<vmem>>, vector<16xf32>,
        tpu.vector_store_idx %arg9[%add3A_411, %add3A_372], %get3A_417 : memref<128x128xf32, #tpu.memory_space<vmem>>[vector<16xi32>, vector<16xi32>], vector<16xf32>,
        %add3A_418 = arith.constant 40 : i32
        %add3A_419 = vector.broadcast %add3A_418 : i32 to vector<16xi32>
        %add3A_420 = arith.addi %add3A_419, %shift_right_logical3A_6 : vector<16xi32>
        %get3A_421 = arith.index_cast %scan3A_370 : i32 to index
        %get3A_422 = arith.constant 80 : index
        %get3A_423 = tpu.vector_load %arg6[%get3A_421, %get3A_422] {strides = array<i32>} : memref<64x256xf32, #tpu.memory_space<vmem>>, vector<16xf32>,
        tpu.vector_store_idx %arg8[%add3A_420, %add3A_372], %get3A_423 : memref<128x128xf32, #tpu.memory_space<vmem>>[vector<16xi32>, vector<16xi32>], vector<16xf32>,
        %get3A_424 = arith.index_cast %scan3A_370 : i32 to index
        %get3A_425 = arith.constant 80 : index
        %get3A_426 = tpu.vector_load %arg7[%get3A_424, %get3A_425] {strides = array<i32>} : memref<64x256xf32, #tpu.memory_space<vmem>>, vector<16xf32>,
        tpu.vector_store_idx %arg9[%add3A_420, %add3A_372], %get3A_426 : memref<128x128xf32, #tpu.memory_space<vmem>>[vector<16xi32>, vector<16xi32>], vector<16xf32>,
        %add3A_427 = arith.constant 48 : i32
        %add3A_428 = vector.broadcast %add3A_427 : i32 to vector<16xi32>
        %add3A_429 = arith.addi %add3A_428, %shift_right_logical3A_6 : vector<16xi32>
        %get3A_430 = arith.index_cast %scan3A_370 : i32 to index
        %get3A_431 = arith.constant 96 : index
        %get3A_432 = tpu.vector_load %arg6[%get3A_430, %get3A_431] {strides = array<i32>} : memref<64x256xf32, #tpu.memory_space<vmem>>, vector<16xf32>,
        tpu.vector_store_idx %arg8[%add3A_429, %add3A_372], %get3A_432 : memref<128x128xf32, #tpu.memory_space<vmem>>[vector<16xi32>, vector<16xi32>], vector<16xf32>,
        %get3A_433 = arith.index_cast %scan3A_370 : i32 to index
        %get3A_434 = arith.constant 96 : index
        %get3A_435 = tpu.vector_load %arg7[%get3A_433, %get3A_434] {strides = array<i32>} : memref<64x256xf32, #tpu.memory_space<vmem>>, vector<16xf32>,
        tpu.vector_store_idx %arg9[%add3A_429, %add3A_372], %get3A_435 : memref<128x128xf32, #tpu.memory_space<vmem>>[vector<16xi32>, vector<16xi32>], vector<16xf32>,
        %add3A_436 = arith.constant 56 : i32
        %add3A_437 = vector.broadcast %add3A_436 : i32 to vector<16xi32>
        %add3A_438 = arith.addi %add3A_437, %shift_right_logical3A_6 : vector<16xi32>
        %get3A_439 = arith.index_cast %scan3A_370 : i32 to index
        %get3A_440 = arith.constant 112 : index
        %get3A_441 = tpu.vector_load %arg6[%get3A_439, %get3A_440] {strides = array<i32>} : memref<64x256xf32, #tpu.memory_space<vmem>>, vector<16xf32>,
        tpu.vector_store_idx %arg8[%add3A_438, %add3A_372], %get3A_441 : memref<128x128xf32, #tpu.memory_space<vmem>>[vector<16xi32>, vector<16xi32>], vector<16xf32>,
        %get3A_442 = arith.index_cast %scan3A_370 : i32 to index
        %get3A_443 = arith.constant 112 : index
        %get3A_444 = tpu.vector_load %arg7[%get3A_442, %get3A_443] {strides = array<i32>} : memref<64x256xf32, #tpu.memory_space<vmem>>, vector<16xf32>,
        tpu.vector_store_idx %arg9[%add3A_438, %add3A_372], %get3A_444 : memref<128x128xf32, #tpu.memory_space<vmem>>[vector<16xi32>, vector<16xi32>], vector<16xf32>,
        %add3A_445 = arith.constant 64 : i32
        %add3A_446 = vector.broadcast %add3A_445 : i32 to vector<16xi32>
        %add3A_447 = arith.addi %add3A_446, %shift_right_logical3A_6 : vector<16xi32>
        %get3A_448 = arith.index_cast %scan3A_370 : i32 to index
        %get3A_449 = arith.constant 128 : index
        %get3A_450 = tpu.vector_load %arg6[%get3A_448, %get3A_449] {strides = array<i32>} : memref<64x256xf32, #tpu.memory_space<vmem>>, vector<16xf32>,
        tpu.vector_store_idx %arg8[%add3A_447, %add3A_372], %get3A_450 : memref<128x128xf32, #tpu.memory_space<vmem>>[vector<16xi32>, vector<16xi32>], vector<16xf32>,
        %get3A_451 = arith.index_cast %scan3A_370 : i32 to index
        %get3A_452 = arith.constant 128 : index
        %get3A_453 = tpu.vector_load %arg7[%get3A_451, %get3A_452] {strides = array<i32>} : memref<64x256xf32, #tpu.memory_space<vmem>>, vector<16xf32>,
        tpu.vector_store_idx %arg9[%add3A_447, %add3A_372], %get3A_453 : memref<128x128xf32, #tpu.memory_space<vmem>>[vector<16xi32>, vector<16xi32>], vector<16xf32>,
        %add3A_454 = arith.constant 72 : i32
        %add3A_455 = vector.broadcast %add3A_454 : i32 to vector<16xi32>
        %add3A_456 = arith.addi %add3A_455, %shift_right_logical3A_6 : vector<16xi32>
        %get3A_457 = arith.index_cast %scan3A_370 : i32 to index
        %get3A_458 = arith.constant 144 : index
        %get3A_459 = tpu.vector_load %arg6[%get3A_457, %get3A_458] {strides = array<i32>} : memref<64x256xf32, #tpu.memory_space<vmem>>, vector<16xf32>,
        tpu.vector_store_idx %arg8[%add3A_456, %add3A_372], %get3A_459 : memref<128x128xf32, #tpu.memory_space<vmem>>[vector<16xi32>, vector<16xi32>], vector<16xf32>,
        %get3A_460 = arith.index_cast %scan3A_370 : i32 to index
        %get3A_461 = arith.constant 144 : index
        %get3A_462 = tpu.vector_load %arg7[%get3A_460, %get3A_461] {strides = array<i32>} : memref<64x256xf32, #tpu.memory_space<vmem>>, vector<16xf32>,
        tpu.vector_store_idx %arg9[%add3A_456, %add3A_372], %get3A_462 : memref<128x128xf32, #tpu.memory_space<vmem>>[vector<16xi32>, vector<16xi32>], vector<16xf32>,
        %add3A_463 = arith.constant 80 : i32
        %add3A_464 = vector.broadcast %add3A_463 : i32 to vector<16xi32>
        %add3A_465 = arith.addi %add3A_464, %shift_right_logical3A_6 : vector<16xi32>
        %get3A_466 = arith.index_cast %scan3A_370 : i32 to index
        %get3A_467 = arith.constant 160 : index
        %get3A_468 = tpu.vector_load %arg6[%get3A_466, %get3A_467] {strides = array<i32>} : memref<64x256xf32, #tpu.memory_space<vmem>>, vector<16xf32>,
        tpu.vector_store_idx %arg8[%add3A_465, %add3A_372], %get3A_468 : memref<128x128xf32, #tpu.memory_space<vmem>>[vector<16xi32>, vector<16xi32>], vector<16xf32>,
        %get3A_469 = arith.index_cast %scan3A_370 : i32 to index
        %get3A_470 = arith.constant 160 : index
        %get3A_471 = tpu.vector_load %arg7[%get3A_469, %get3A_470] {strides = array<i32>} : memref<64x256xf32, #tpu.memory_space<vmem>>, vector<16xf32>,
        tpu.vector_store_idx %arg9[%add3A_465, %add3A_372], %get3A_471 : memref<128x128xf32, #tpu.memory_space<vmem>>[vector<16xi32>, vector<16xi32>], vector<16xf32>,
        %add3A_472 = arith.constant 88 : i32
        %add3A_473 = vector.broadcast %add3A_472 : i32 to vector<16xi32>
        %add3A_474 = arith.addi %add3A_473, %shift_right_logical3A_6 : vector<16xi32>
        %get3A_475 = arith.index_cast %scan3A_370 : i32 to index
        %get3A_476 = arith.constant 176 : index
        %get3A_477 = tpu.vector_load %arg6[%get3A_475, %get3A_476] {strides = array<i32>} : memref<64x256xf32, #tpu.memory_space<vmem>>, vector<16xf32>,
        tpu.vector_store_idx %arg8[%add3A_474, %add3A_372], %get3A_477 : memref<128x128xf32, #tpu.memory_space<vmem>>[vector<16xi32>, vector<16xi32>], vector<16xf32>,
        %get3A_478 = arith.index_cast %scan3A_370 : i32 to index
        %get3A_479 = arith.constant 176 : index
        %get3A_480 = tpu.vector_load %arg7[%get3A_478, %get3A_479] {strides = array<i32>} : memref<64x256xf32, #tpu.memory_space<vmem>>, vector<16xf32>,
        tpu.vector_store_idx %arg9[%add3A_474, %add3A_372], %get3A_480 : memref<128x128xf32, #tpu.memory_space<vmem>>[vector<16xi32>, vector<16xi32>], vector<16xf32>,
        %add3A_481 = arith.constant 96 : i32
        %add3A_482 = vector.broadcast %add3A_481 : i32 to vector<16xi32>
        %add3A_483 = arith.addi %add3A_482, %shift_right_logical3A_6 : vector<16xi32>
        %get3A_484 = arith.index_cast %scan3A_370 : i32 to index
        %get3A_485 = arith.constant 192 : index
        %get3A_486 = tpu.vector_load %arg6[%get3A_484, %get3A_485] {strides = array<i32>} : memref<64x256xf32, #tpu.memory_space<vmem>>, vector<16xf32>,
        tpu.vector_store_idx %arg8[%add3A_483, %add3A_372], %get3A_486 : memref<128x128xf32, #tpu.memory_space<vmem>>[vector<16xi32>, vector<16xi32>], vector<16xf32>,
        %get3A_487 = arith.index_cast %scan3A_370 : i32 to index
        %get3A_488 = arith.constant 192 : index
        %get3A_489 = tpu.vector_load %arg7[%get3A_487, %get3A_488] {strides = array<i32>} : memref<64x256xf32, #tpu.memory_space<vmem>>, vector<16xf32>,
        tpu.vector_store_idx %arg9[%add3A_483, %add3A_372], %get3A_489 : memref<128x128xf32, #tpu.memory_space<vmem>>[vector<16xi32>, vector<16xi32>], vector<16xf32>,
        %add3A_490 = arith.constant 104 : i32
        %add3A_491 = vector.broadcast %add3A_490 : i32 to vector<16xi32>
        %add3A_492 = arith.addi %add3A_491, %shift_right_logical3A_6 : vector<16xi32>
        %get3A_493 = arith.index_cast %scan3A_370 : i32 to index
        %get3A_494 = arith.constant 208 : index
        %get3A_495 = tpu.vector_load %arg6[%get3A_493, %get3A_494] {strides = array<i32>} : memref<64x256xf32, #tpu.memory_space<vmem>>, vector<16xf32>,
        tpu.vector_store_idx %arg8[%add3A_492, %add3A_372], %get3A_495 : memref<128x128xf32, #tpu.memory_space<vmem>>[vector<16xi32>, vector<16xi32>], vector<16xf32>,
        %get3A_496 = arith.index_cast %scan3A_370 : i32 to index
        %get3A_497 = arith.constant 208 : index
        %get3A_498 = tpu.vector_load %arg7[%get3A_496, %get3A_497] {strides = array<i32>} : memref<64x256xf32, #tpu.memory_space<vmem>>, vector<16xf32>,
        tpu.vector_store_idx %arg9[%add3A_492, %add3A_372], %get3A_498 : memref<128x128xf32, #tpu.memory_space<vmem>>[vector<16xi32>, vector<16xi32>], vector<16xf32>,
        %add3A_499 = arith.constant 112 : i32
        %add3A_500 = vector.broadcast %add3A_499 : i32 to vector<16xi32>
        %add3A_501 = arith.addi %add3A_500, %shift_right_logical3A_6 : vector<16xi32>
        %get3A_502 = arith.index_cast %scan3A_370 : i32 to index
        %get3A_503 = arith.constant 224 : index
        %get3A_504 = tpu.vector_load %arg6[%get3A_502, %get3A_503] {strides = array<i32>} : memref<64x256xf32, #tpu.memory_space<vmem>>, vector<16xf32>,
        tpu.vector_store_idx %arg8[%add3A_501, %add3A_372], %get3A_504 : memref<128x128xf32, #tpu.memory_space<vmem>>[vector<16xi32>, vector<16xi32>], vector<16xf32>,
        %get3A_505 = arith.index_cast %scan3A_370 : i32 to index
        %get3A_506 = arith.constant 224 : index
        %get3A_507 = tpu.vector_load %arg7[%get3A_505, %get3A_506] {strides = array<i32>} : memref<64x256xf32, #tpu.memory_space<vmem>>, vector<16xf32>,
        tpu.vector_store_idx %arg9[%add3A_501, %add3A_372], %get3A_507 : memref<128x128xf32, #tpu.memory_space<vmem>>[vector<16xi32>, vector<16xi32>], vector<16xf32>,
        %add3A_508 = arith.constant 120 : i32
        %add3A_509 = vector.broadcast %add3A_508 : i32 to vector<16xi32>
        %add3A_510 = arith.addi %add3A_509, %shift_right_logical3A_6 : vector<16xi32>
        %get3A_511 = arith.index_cast %scan3A_370 : i32 to index
        %get3A_512 = arith.constant 240 : index
        %get3A_513 = tpu.vector_load %arg6[%get3A_511, %get3A_512] {strides = array<i32>} : memref<64x256xf32, #tpu.memory_space<vmem>>, vector<16xf32>,
        tpu.vector_store_idx %arg8[%add3A_510, %add3A_372], %get3A_513 : memref<128x128xf32, #tpu.memory_space<vmem>>[vector<16xi32>, vector<16xi32>], vector<16xf32>,
        %get3A_514 = arith.index_cast %scan3A_370 : i32 to index
        %get3A_515 = arith.constant 240 : index
        %get3A_516 = tpu.vector_load %arg7[%get3A_514, %get3A_515] {strides = array<i32>} : memref<64x256xf32, #tpu.memory_space<vmem>>, vector<16xf32>,
        tpu.vector_store_idx %arg9[%add3A_510, %add3A_372], %get3A_516 : memref<128x128xf32, #tpu.memory_space<vmem>>[vector<16xi32>, vector<16xi32>], vector<16xf32>,
        %scan3A_517 = arith.constant 0 : i32
        %scan3A_518 = arith.constant 3 : i32
        %scan3A_519 = arith.addi %scan3A_72, %scan3A_518 : i32
        %add3A_520 = vector.broadcast %scan3A_519 : i32 to vector<16xi32>
        %add3A_521 = arith.addi %mul3A_11, %add3A_520 : vector<16xi32>
        %add3A_522 = arith.constant 0 : i32
        %add3A_523 = vector.broadcast %add3A_522 : i32 to vector<16xi32>
        %add3A_524 = arith.addi %add3A_523, %shift_right_logical3A_6 : vector<16xi32>
        %get3A_525 = arith.index_cast %scan3A_519 : i32 to index
        %get3A_526 = arith.constant 0 : index
        %get3A_527 = tpu.vector_load %arg6[%get3A_525, %get3A_526] {strides = array<i32>} : memref<64x256xf32, #tpu.memory_space<vmem>>, vector<16xf32>,
        tpu.vector_store_idx %arg8[%add3A_524, %add3A_521], %get3A_527 : memref<128x128xf32, #tpu.memory_space<vmem>>[vector<16xi32>, vector<16xi32>], vector<16xf32>,
        %get3A_528 = arith.index_cast %scan3A_519 : i32 to index
        %get3A_529 = arith.constant 0 : index
        %get3A_530 = tpu.vector_load %arg7[%get3A_528, %get3A_529] {strides = array<i32>} : memref<64x256xf32, #tpu.memory_space<vmem>>, vector<16xf32>,
        tpu.vector_store_idx %arg9[%add3A_524, %add3A_521], %get3A_530 : memref<128x128xf32, #tpu.memory_space<vmem>>[vector<16xi32>, vector<16xi32>], vector<16xf32>,
        %add3A_531 = arith.constant 8 : i32
        %add3A_532 = vector.broadcast %add3A_531 : i32 to vector<16xi32>
        %add3A_533 = arith.addi %add3A_532, %shift_right_logical3A_6 : vector<16xi32>
        %get3A_534 = arith.index_cast %scan3A_519 : i32 to index
        %get3A_535 = arith.constant 16 : index
        %get3A_536 = tpu.vector_load %arg6[%get3A_534, %get3A_535] {strides = array<i32>} : memref<64x256xf32, #tpu.memory_space<vmem>>, vector<16xf32>,
        tpu.vector_store_idx %arg8[%add3A_533, %add3A_521], %get3A_536 : memref<128x128xf32, #tpu.memory_space<vmem>>[vector<16xi32>, vector<16xi32>], vector<16xf32>,
        %get3A_537 = arith.index_cast %scan3A_519 : i32 to index
        %get3A_538 = arith.constant 16 : index
        %get3A_539 = tpu.vector_load %arg7[%get3A_537, %get3A_538] {strides = array<i32>} : memref<64x256xf32, #tpu.memory_space<vmem>>, vector<16xf32>,
        tpu.vector_store_idx %arg9[%add3A_533, %add3A_521], %get3A_539 : memref<128x128xf32, #tpu.memory_space<vmem>>[vector<16xi32>, vector<16xi32>], vector<16xf32>,
        %add3A_540 = arith.constant 16 : i32
        %add3A_541 = vector.broadcast %add3A_540 : i32 to vector<16xi32>
        %add3A_542 = arith.addi %add3A_541, %shift_right_logical3A_6 : vector<16xi32>
        %get3A_543 = arith.index_cast %scan3A_519 : i32 to index
        %get3A_544 = arith.constant 32 : index
        %get3A_545 = tpu.vector_load %arg6[%get3A_543, %get3A_544] {strides = array<i32>} : memref<64x256xf32, #tpu.memory_space<vmem>>, vector<16xf32>,
        tpu.vector_store_idx %arg8[%add3A_542, %add3A_521], %get3A_545 : memref<128x128xf32, #tpu.memory_space<vmem>>[vector<16xi32>, vector<16xi32>], vector<16xf32>,
        %get3A_546 = arith.index_cast %scan3A_519 : i32 to index
        %get3A_547 = arith.constant 32 : index
        %get3A_548 = tpu.vector_load %arg7[%get3A_546, %get3A_547] {strides = array<i32>} : memref<64x256xf32, #tpu.memory_space<vmem>>, vector<16xf32>,
        tpu.vector_store_idx %arg9[%add3A_542, %add3A_521], %get3A_548 : memref<128x128xf32, #tpu.memory_space<vmem>>[vector<16xi32>, vector<16xi32>], vector<16xf32>,
        %add3A_549 = arith.constant 24 : i32
        %add3A_550 = vector.broadcast %add3A_549 : i32 to vector<16xi32>
        %add3A_551 = arith.addi %add3A_550, %shift_right_logical3A_6 : vector<16xi32>
        %get3A_552 = arith.index_cast %scan3A_519 : i32 to index
        %get3A_553 = arith.constant 48 : index
        %get3A_554 = tpu.vector_load %arg6[%get3A_552, %get3A_553] {strides = array<i32>} : memref<64x256xf32, #tpu.memory_space<vmem>>, vector<16xf32>,
        tpu.vector_store_idx %arg8[%add3A_551, %add3A_521], %get3A_554 : memref<128x128xf32, #tpu.memory_space<vmem>>[vector<16xi32>, vector<16xi32>], vector<16xf32>,
        %get3A_555 = arith.index_cast %scan3A_519 : i32 to index
        %get3A_556 = arith.constant 48 : index
        %get3A_557 = tpu.vector_load %arg7[%get3A_555, %get3A_556] {strides = array<i32>} : memref<64x256xf32, #tpu.memory_space<vmem>>, vector<16xf32>,
        tpu.vector_store_idx %arg9[%add3A_551, %add3A_521], %get3A_557 : memref<128x128xf32, #tpu.memory_space<vmem>>[vector<16xi32>, vector<16xi32>], vector<16xf32>,
        %add3A_558 = arith.constant 32 : i32
        %add3A_559 = vector.broadcast %add3A_558 : i32 to vector<16xi32>
        %add3A_560 = arith.addi %add3A_559, %shift_right_logical3A_6 : vector<16xi32>
        %get3A_561 = arith.index_cast %scan3A_519 : i32 to index
        %get3A_562 = arith.constant 64 : index
        %get3A_563 = tpu.vector_load %arg6[%get3A_561, %get3A_562] {strides = array<i32>} : memref<64x256xf32, #tpu.memory_space<vmem>>, vector<16xf32>,
        tpu.vector_store_idx %arg8[%add3A_560, %add3A_521], %get3A_563 : memref<128x128xf32, #tpu.memory_space<vmem>>[vector<16xi32>, vector<16xi32>], vector<16xf32>,
        %get3A_564 = arith.index_cast %scan3A_519 : i32 to index
        %get3A_565 = arith.constant 64 : index
        %get3A_566 = tpu.vector_load %arg7[%get3A_564, %get3A_565] {strides = array<i32>} : memref<64x256xf32, #tpu.memory_space<vmem>>, vector<16xf32>,
        tpu.vector_store_idx %arg9[%add3A_560, %add3A_521], %get3A_566 : memref<128x128xf32, #tpu.memory_space<vmem>>[vector<16xi32>, vector<16xi32>], vector<16xf32>,
        %add3A_567 = arith.constant 40 : i32
        %add3A_568 = vector.broadcast %add3A_567 : i32 to vector<16xi32>
        %add3A_569 = arith.addi %add3A_568, %shift_right_logical3A_6 : vector<16xi32>
        %get3A_570 = arith.index_cast %scan3A_519 : i32 to index
        %get3A_571 = arith.constant 80 : index
        %get3A_572 = tpu.vector_load %arg6[%get3A_570, %get3A_571] {strides = array<i32>} : memref<64x256xf32, #tpu.memory_space<vmem>>, vector<16xf32>,
        tpu.vector_store_idx %arg8[%add3A_569, %add3A_521], %get3A_572 : memref<128x128xf32, #tpu.memory_space<vmem>>[vector<16xi32>, vector<16xi32>], vector<16xf32>,
        %get3A_573 = arith.index_cast %scan3A_519 : i32 to index
        %get3A_574 = arith.constant 80 : index
        %get3A_575 = tpu.vector_load %arg7[%get3A_573, %get3A_574] {strides = array<i32>} : memref<64x256xf32, #tpu.memory_space<vmem>>, vector<16xf32>,
        tpu.vector_store_idx %arg9[%add3A_569, %add3A_521], %get3A_575 : memref<128x128xf32, #tpu.memory_space<vmem>>[vector<16xi32>, vector<16xi32>], vector<16xf32>,
        %add3A_576 = arith.constant 48 : i32
        %add3A_577 = vector.broadcast %add3A_576 : i32 to vector<16xi32>
        %add3A_578 = arith.addi %add3A_577, %shift_right_logical3A_6 : vector<16xi32>
        %get3A_579 = arith.index_cast %scan3A_519 : i32 to index
        %get3A_580 = arith.constant 96 : index
        %get3A_581 = tpu.vector_load %arg6[%get3A_579, %get3A_580] {strides = array<i32>} : memref<64x256xf32, #tpu.memory_space<vmem>>, vector<16xf32>,
        tpu.vector_store_idx %arg8[%add3A_578, %add3A_521], %get3A_581 : memref<128x128xf32, #tpu.memory_space<vmem>>[vector<16xi32>, vector<16xi32>], vector<16xf32>,
        %get3A_582 = arith.index_cast %scan3A_519 : i32 to index
        %get3A_583 = arith.constant 96 : index
        %get3A_584 = tpu.vector_load %arg7[%get3A_582, %get3A_583] {strides = array<i32>} : memref<64x256xf32, #tpu.memory_space<vmem>>, vector<16xf32>,
        tpu.vector_store_idx %arg9[%add3A_578, %add3A_521], %get3A_584 : memref<128x128xf32, #tpu.memory_space<vmem>>[vector<16xi32>, vector<16xi32>], vector<16xf32>,
        %add3A_585 = arith.constant 56 : i32
        %add3A_586 = vector.broadcast %add3A_585 : i32 to vector<16xi32>
        %add3A_587 = arith.addi %add3A_586, %shift_right_logical3A_6 : vector<16xi32>
        %get3A_588 = arith.index_cast %scan3A_519 : i32 to index
        %get3A_589 = arith.constant 112 : index
        %get3A_590 = tpu.vector_load %arg6[%get3A_588, %get3A_589] {strides = array<i32>} : memref<64x256xf32, #tpu.memory_space<vmem>>, vector<16xf32>,
        tpu.vector_store_idx %arg8[%add3A_587, %add3A_521], %get3A_590 : memref<128x128xf32, #tpu.memory_space<vmem>>[vector<16xi32>, vector<16xi32>], vector<16xf32>,
        %get3A_591 = arith.index_cast %scan3A_519 : i32 to index
        %get3A_592 = arith.constant 112 : index
        %get3A_593 = tpu.vector_load %arg7[%get3A_591, %get3A_592] {strides = array<i32>} : memref<64x256xf32, #tpu.memory_space<vmem>>, vector<16xf32>,
        tpu.vector_store_idx %arg9[%add3A_587, %add3A_521], %get3A_593 : memref<128x128xf32, #tpu.memory_space<vmem>>[vector<16xi32>, vector<16xi32>], vector<16xf32>,
        %add3A_594 = arith.constant 64 : i32
        %add3A_595 = vector.broadcast %add3A_594 : i32 to vector<16xi32>
        %add3A_596 = arith.addi %add3A_595, %shift_right_logical3A_6 : vector<16xi32>
        %get3A_597 = arith.index_cast %scan3A_519 : i32 to index
        %get3A_598 = arith.constant 128 : index
        %get3A_599 = tpu.vector_load %arg6[%get3A_597, %get3A_598] {strides = array<i32>} : memref<64x256xf32, #tpu.memory_space<vmem>>, vector<16xf32>,
        tpu.vector_store_idx %arg8[%add3A_596, %add3A_521], %get3A_599 : memref<128x128xf32, #tpu.memory_space<vmem>>[vector<16xi32>, vector<16xi32>], vector<16xf32>,
        %get3A_600 = arith.index_cast %scan3A_519 : i32 to index
        %get3A_601 = arith.constant 128 : index
        %get3A_602 = tpu.vector_load %arg7[%get3A_600, %get3A_601] {strides = array<i32>} : memref<64x256xf32, #tpu.memory_space<vmem>>, vector<16xf32>,
        tpu.vector_store_idx %arg9[%add3A_596, %add3A_521], %get3A_602 : memref<128x128xf32, #tpu.memory_space<vmem>>[vector<16xi32>, vector<16xi32>], vector<16xf32>,
        %add3A_603 = arith.constant 72 : i32
        %add3A_604 = vector.broadcast %add3A_603 : i32 to vector<16xi32>
        %add3A_605 = arith.addi %add3A_604, %shift_right_logical3A_6 : vector<16xi32>
        %get3A_606 = arith.index_cast %scan3A_519 : i32 to index
        %get3A_607 = arith.constant 144 : index
        %get3A_608 = tpu.vector_load %arg6[%get3A_606, %get3A_607] {strides = array<i32>} : memref<64x256xf32, #tpu.memory_space<vmem>>, vector<16xf32>,
        tpu.vector_store_idx %arg8[%add3A_605, %add3A_521], %get3A_608 : memref<128x128xf32, #tpu.memory_space<vmem>>[vector<16xi32>, vector<16xi32>], vector<16xf32>,
        %get3A_609 = arith.index_cast %scan3A_519 : i32 to index
        %get3A_610 = arith.constant 144 : index
        %get3A_611 = tpu.vector_load %arg7[%get3A_609, %get3A_610] {strides = array<i32>} : memref<64x256xf32, #tpu.memory_space<vmem>>, vector<16xf32>,
        tpu.vector_store_idx %arg9[%add3A_605, %add3A_521], %get3A_611 : memref<128x128xf32, #tpu.memory_space<vmem>>[vector<16xi32>, vector<16xi32>], vector<16xf32>,
        %add3A_612 = arith.constant 80 : i32
        %add3A_613 = vector.broadcast %add3A_612 : i32 to vector<16xi32>
        %add3A_614 = arith.addi %add3A_613, %shift_right_logical3A_6 : vector<16xi32>
        %get3A_615 = arith.index_cast %scan3A_519 : i32 to index
        %get3A_616 = arith.constant 160 : index
        %get3A_617 = tpu.vector_load %arg6[%get3A_615, %get3A_616] {strides = array<i32>} : memref<64x256xf32, #tpu.memory_space<vmem>>, vector<16xf32>,
        tpu.vector_store_idx %arg8[%add3A_614, %add3A_521], %get3A_617 : memref<128x128xf32, #tpu.memory_space<vmem>>[vector<16xi32>, vector<16xi32>], vector<16xf32>,
        %get3A_618 = arith.index_cast %scan3A_519 : i32 to index
        %get3A_619 = arith.constant 160 : index
        %get3A_620 = tpu.vector_load %arg7[%get3A_618, %get3A_619] {strides = array<i32>} : memref<64x256xf32, #tpu.memory_space<vmem>>, vector<16xf32>,
        tpu.vector_store_idx %arg9[%add3A_614, %add3A_521], %get3A_620 : memref<128x128xf32, #tpu.memory_space<vmem>>[vector<16xi32>, vector<16xi32>], vector<16xf32>,
        %add3A_621 = arith.constant 88 : i32
        %add3A_622 = vector.broadcast %add3A_621 : i32 to vector<16xi32>
        %add3A_623 = arith.addi %add3A_622, %shift_right_logical3A_6 : vector<16xi32>
        %get3A_624 = arith.index_cast %scan3A_519 : i32 to index
        %get3A_625 = arith.constant 176 : index
        %get3A_626 = tpu.vector_load %arg6[%get3A_624, %get3A_625] {strides = array<i32>} : memref<64x256xf32, #tpu.memory_space<vmem>>, vector<16xf32>,
        tpu.vector_store_idx %arg8[%add3A_623, %add3A_521], %get3A_626 : memref<128x128xf32, #tpu.memory_space<vmem>>[vector<16xi32>, vector<16xi32>], vector<16xf32>,
        %get3A_627 = arith.index_cast %scan3A_519 : i32 to index
        %get3A_628 = arith.constant 176 : index
        %get3A_629 = tpu.vector_load %arg7[%get3A_627, %get3A_628] {strides = array<i32>} : memref<64x256xf32, #tpu.memory_space<vmem>>, vector<16xf32>,
        tpu.vector_store_idx %arg9[%add3A_623, %add3A_521], %get3A_629 : memref<128x128xf32, #tpu.memory_space<vmem>>[vector<16xi32>, vector<16xi32>], vector<16xf32>,
        %add3A_630 = arith.constant 96 : i32
        %add3A_631 = vector.broadcast %add3A_630 : i32 to vector<16xi32>
        %add3A_632 = arith.addi %add3A_631, %shift_right_logical3A_6 : vector<16xi32>
        %get3A_633 = arith.index_cast %scan3A_519 : i32 to index
        %get3A_634 = arith.constant 192 : index
        %get3A_635 = tpu.vector_load %arg6[%get3A_633, %get3A_634] {strides = array<i32>} : memref<64x256xf32, #tpu.memory_space<vmem>>, vector<16xf32>,
        tpu.vector_store_idx %arg8[%add3A_632, %add3A_521], %get3A_635 : memref<128x128xf32, #tpu.memory_space<vmem>>[vector<16xi32>, vector<16xi32>], vector<16xf32>,
        %get3A_636 = arith.index_cast %scan3A_519 : i32 to index
        %get3A_637 = arith.constant 192 : index
        %get3A_638 = tpu.vector_load %arg7[%get3A_636, %get3A_637] {strides = array<i32>} : memref<64x256xf32, #tpu.memory_space<vmem>>, vector<16xf32>,
        tpu.vector_store_idx %arg9[%add3A_632, %add3A_521], %get3A_638 : memref<128x128xf32, #tpu.memory_space<vmem>>[vector<16xi32>, vector<16xi32>], vector<16xf32>,
        %add3A_639 = arith.constant 104 : i32
        %add3A_640 = vector.broadcast %add3A_639 : i32 to vector<16xi32>
        %add3A_641 = arith.addi %add3A_640, %shift_right_logical3A_6 : vector<16xi32>
        %get3A_642 = arith.index_cast %scan3A_519 : i32 to index
        %get3A_643 = arith.constant 208 : index
        %get3A_644 = tpu.vector_load %arg6[%get3A_642, %get3A_643] {strides = array<i32>} : memref<64x256xf32, #tpu.memory_space<vmem>>, vector<16xf32>,
        tpu.vector_store_idx %arg8[%add3A_641, %add3A_521], %get3A_644 : memref<128x128xf32, #tpu.memory_space<vmem>>[vector<16xi32>, vector<16xi32>], vector<16xf32>,
        %get3A_645 = arith.index_cast %scan3A_519 : i32 to index
        %get3A_646 = arith.constant 208 : index
        %get3A_647 = tpu.vector_load %arg7[%get3A_645, %get3A_646] {strides = array<i32>} : memref<64x256xf32, #tpu.memory_space<vmem>>, vector<16xf32>,
        tpu.vector_store_idx %arg9[%add3A_641, %add3A_521], %get3A_647 : memref<128x128xf32, #tpu.memory_space<vmem>>[vector<16xi32>, vector<16xi32>], vector<16xf32>,
        %add3A_648 = arith.constant 112 : i32
        %add3A_649 = vector.broadcast %add3A_648 : i32 to vector<16xi32>
        %add3A_650 = arith.addi %add3A_649, %shift_right_logical3A_6 : vector<16xi32>
        %get3A_651 = arith.index_cast %scan3A_519 : i32 to index
        %get3A_652 = arith.constant 224 : index
        %get3A_653 = tpu.vector_load %arg6[%get3A_651, %get3A_652] {strides = array<i32>} : memref<64x256xf32, #tpu.memory_space<vmem>>, vector<16xf32>,
        tpu.vector_store_idx %arg8[%add3A_650, %add3A_521], %get3A_653 : memref<128x128xf32, #tpu.memory_space<vmem>>[vector<16xi32>, vector<16xi32>], vector<16xf32>,
        %get3A_654 = arith.index_cast %scan3A_519 : i32 to index
        %get3A_655 = arith.constant 224 : index
        %get3A_656 = tpu.vector_load %arg7[%get3A_654, %get3A_655] {strides = array<i32>} : memref<64x256xf32, #tpu.memory_space<vmem>>, vector<16xf32>,
        tpu.vector_store_idx %arg9[%add3A_650, %add3A_521], %get3A_656 : memref<128x128xf32, #tpu.memory_space<vmem>>[vector<16xi32>, vector<16xi32>], vector<16xf32>,
        %add3A_657 = arith.constant 120 : i32
        %add3A_658 = vector.broadcast %add3A_657 : i32 to vector<16xi32>
        %add3A_659 = arith.addi %add3A_658, %shift_right_logical3A_6 : vector<16xi32>
        %get3A_660 = arith.index_cast %scan3A_519 : i32 to index
        %get3A_661 = arith.constant 240 : index
        %get3A_662 = tpu.vector_load %arg6[%get3A_660, %get3A_661] {strides = array<i32>} : memref<64x256xf32, #tpu.memory_space<vmem>>, vector<16xf32>,
        tpu.vector_store_idx %arg8[%add3A_659, %add3A_521], %get3A_662 : memref<128x128xf32, #tpu.memory_space<vmem>>[vector<16xi32>, vector<16xi32>], vector<16xf32>,
        %get3A_663 = arith.index_cast %scan3A_519 : i32 to index
        %get3A_664 = arith.constant 240 : index
        %get3A_665 = tpu.vector_load %arg7[%get3A_663, %get3A_664] {strides = array<i32>} : memref<64x256xf32, #tpu.memory_space<vmem>>, vector<16xf32>,
        tpu.vector_store_idx %arg9[%add3A_659, %add3A_521], %get3A_665 : memref<128x128xf32, #tpu.memory_space<vmem>>[vector<16xi32>, vector<16xi32>], vector<16xf32>,
        %scan3A_666 = arith.constant 0 : i32
        scf.yield %scan3A_666 : i32
      }
      %scan3A_54 = arith.constant 64 : i32
      %mul3A_55 = arith.constant 128 : i32
      %mul3A_56 = arith.muli %add3A_32, %mul3A_55 : i32
      %dma_start3A = arith.constant 0 : i32
      %dma_start3A_57 = tpu.memref_slice %arg4[%mul3A_56, %dma_start3A] : memref<500000x128xf32, #tpu.memory_space<hbm>> -> memref<128x128xf32, #tpu.memory_space<hbm>>
      %dma_start3A_58 = arith.constant 0 : i32
      %dma_start3A_59 = tpu.memref_slice %arg4[%mul3A_56, %dma_start3A_58] : memref<500000x128xf32, #tpu.memory_space<hbm>> -> memref<128x128xf32, #tpu.memory_space<hbm>>
      tpu.enqueue_dma source(%arg8 : memref<128x128xf32, #tpu.memory_space<vmem>>) target(%dma_start3A_59 : memref<128x128xf32, #tpu.memory_space<hbm>>) target_semaphore(%arg11 : memref<!tpu.dma_semaphore, #tpu.memory_space<semaphore_mem>>)
      %mul3A_60 = arith.constant 128 : i32
      %mul3A_61 = arith.muli %add3A_32, %mul3A_60 : i32
      %dma_start3A_62 = arith.constant 0 : i32
      %dma_start3A_63 = tpu.memref_slice %arg5[%mul3A_61, %dma_start3A_62] : memref<500000x128xf32, #tpu.memory_space<hbm>> -> memref<128x128xf32, #tpu.memory_space<hbm>>
      %dma_start3A_64 = arith.constant 0 : i32
      %dma_start3A_65 = tpu.memref_slice %arg5[%mul3A_61, %dma_start3A_64] : memref<500000x128xf32, #tpu.memory_space<hbm>> -> memref<128x128xf32, #tpu.memory_space<hbm>>
      tpu.enqueue_dma source(%arg9 : memref<128x128xf32, #tpu.memory_space<vmem>>) target(%dma_start3A_65 : memref<128x128xf32, #tpu.memory_space<hbm>>) target_semaphore(%arg11 : memref<!tpu.dma_semaphore, #tpu.memory_space<semaphore_mem>>)
      %add3A_66 = arith.constant 1 : i32
      %add3A_67 = arith.addi %while3A_30, %add3A_66 : i32
      %lt3A = arith.cmpi slt, %add3A_67, %min3A : i32
      %convert_element_type3A_68 = arith.extui %lt3A : i1 to i32
      %cond3A_69 = arith.constant 0 : i32
      %cond3A_70 = arith.cmpi ne, %convert_element_type3A_68, %cond3A_69 : i32
      scf.if %cond3A_70 {
        %add3A_72 = arith.constant 1 : i32
        %add3A_73 = arith.addi %add3A_32, %add3A_72 : i32
        %mul3A_74 = arith.constant 256 : i32
        %mul3A_75 = arith.muli %add3A_73, %mul3A_74 : i32
        %dma_start3A_76 = arith.constant 0 : i32
        %dma_start3A_77 = tpu.memref_slice %arg2[%dma_start3A_76, %mul3A_75] : memref<64x1000000xf32, #tpu.memory_space<hbm>> -> memref<64x256xf32, #tpu.memory_space<hbm>>
        %dma_start3A_78 = arith.constant 0 : i32
        %dma_start3A_79 = tpu.memref_slice %arg2[%dma_start3A_78, %mul3A_75] : memref<64x1000000xf32, #tpu.memory_space<hbm>> -> memref<64x256xf32, #tpu.memory_space<hbm>>
        tpu.enqueue_dma source(%dma_start3A_79 : memref<64x256xf32, #tpu.memory_space<hbm>>) target(%arg6 : memref<64x256xf32, #tpu.memory_space<vmem>>) target_semaphore(%arg10 : memref<!tpu.dma_semaphore, #tpu.memory_space<semaphore_mem>>)
        %mul3A_80 = arith.constant 256 : i32
        %mul3A_81 = arith.muli %add3A_73, %mul3A_80 : i32
        %dma_start3A_82 = arith.constant 0 : i32
        %dma_start3A_83 = tpu.memref_slice %arg3[%dma_start3A_82, %mul3A_81] : memref<64x1000000xf32, #tpu.memory_space<hbm>> -> memref<64x256xf32, #tpu.memory_space<hbm>>
        %dma_start3A_84 = arith.constant 0 : i32
        %dma_start3A_85 = tpu.memref_slice %arg3[%dma_start3A_84, %mul3A_81] : memref<64x1000000xf32, #tpu.memory_space<hbm>> -> memref<64x256xf32, #tpu.memory_space<hbm>>
        tpu.enqueue_dma source(%dma_start3A_85 : memref<64x256xf32, #tpu.memory_space<hbm>>) target(%arg7 : memref<64x256xf32, #tpu.memory_space<vmem>>) target_semaphore(%arg10 : memref<!tpu.dma_semaphore, #tpu.memory_space<semaphore_mem>>)
      } else {
      }
      %while3A_71 = arith.constant 0 : i32
      scf.yield %while3A_71 : i32
    }
    %while3A_23 = arith.constant 1 : i32
    %while3A_24 = scf.for %while3A_30 = %while3A_20 to %while3A_16 step %while3A_23 iter_args(%while3A_31 = %while3A_22) -> (i32)  : i32 {
      %add3A_32 = arith.addi %mul3A_2, %while3A_30 : i32
      %dma_wait3A = arith.constant 0 : i32
      %dma_wait3A_33 = arith.constant 0 : i32
      %dma_wait3A_34 = tpu.memref_slice %arg2[%dma_wait3A, %dma_wait3A_33] : memref<64x1000000xf32, #tpu.memory_space<hbm>> -> memref<64x256xf32, #tpu.memory_space<hbm>>
      %dma_wait3A_35 = arith.constant 0 : i32
      %dma_wait3A_36 = arith.constant 0 : i32
      %dma_wait3A_37 = tpu.memref_slice %arg2[%dma_wait3A_35, %dma_wait3A_36] : memref<64x1000000xf32, #tpu.memory_space<hbm>> -> memref<64x256xf32, #tpu.memory_space<hbm>>
      tpu.wait_dma2 semaphore(%arg10 : memref<!tpu.dma_semaphore, #tpu.memory_space<semaphore_mem>>) src(%dma_wait3A_37 : memref<64x256xf32, #tpu.memory_space<hbm>>) dst(%arg6 : memref<64x256xf32, #tpu.memory_space<vmem>>)
      %dma_wait3A_38 = arith.constant 0 : i32
      %dma_wait3A_39 = arith.constant 0 : i32
      %dma_wait3A_40 = tpu.memref_slice %arg3[%dma_wait3A_38, %dma_wait3A_39] : memref<64x1000000xf32, #tpu.memory_space<hbm>> -> memref<64x256xf32, #tpu.memory_space<hbm>>
      %dma_wait3A_41 = arith.constant 0 : i32
      %dma_wait3A_42 = arith.constant 0 : i32
      %dma_wait3A_43 = tpu.memref_slice %arg3[%dma_wait3A_41, %dma_wait3A_42] : memref<64x1000000xf32, #tpu.memory_space<hbm>> -> memref<64x256xf32, #tpu.memory_space<hbm>>
      tpu.wait_dma2 semaphore(%arg10 : memref<!tpu.dma_semaphore, #tpu.memory_space<semaphore_mem>>) src(%dma_wait3A_43 : memref<64x256xf32, #tpu.memory_space<hbm>>) dst(%arg7 : memref<64x256xf32, #tpu.memory_space<vmem>>)
      %gt3A_44 = arith.constant 0 : i32
      %gt3A_45 = arith.cmpi sgt, %while3A_30, %gt3A_44 : i32
      %convert_element_type3A_46 = arith.extui %gt3A_45 : i1 to i32
      %cond3A_47 = arith.constant 0 : i32
      %cond3A_48 = arith.cmpi ne, %convert_element_type3A_46, %cond3A_47 : i32
      scf.if %cond3A_48 {
        %sub3A_72 = arith.constant 1 : i32
        %sub3A_73 = arith.subi %add3A_32, %sub3A_72 : i32
        %mul3A_74 = arith.constant 128 : i32
        %mul3A_75 = arith.muli %sub3A_73, %mul3A_74 : i32
        %dma_wait3A_76 = arith.constant 0 : i32
        %dma_wait3A_77 = tpu.memref_slice %arg4[%mul3A_75, %dma_wait3A_76] : memref<500000x128xf32, #tpu.memory_space<hbm>> -> memref<128x128xf32, #tpu.memory_space<hbm>>
        %dma_wait3A_78 = arith.constant 0 : i32
        %dma_wait3A_79 = tpu.memref_slice %arg4[%mul3A_75, %dma_wait3A_78] : memref<500000x128xf32, #tpu.memory_space<hbm>> -> memref<128x128xf32, #tpu.memory_space<hbm>>
        tpu.wait_dma2 semaphore(%arg11 : memref<!tpu.dma_semaphore, #tpu.memory_space<semaphore_mem>>) src(%arg8 : memref<128x128xf32, #tpu.memory_space<vmem>>) dst(%dma_wait3A_79 : memref<128x128xf32, #tpu.memory_space<hbm>>)
        %mul3A_80 = arith.constant 128 : i32
        %mul3A_81 = arith.muli %sub3A_73, %mul3A_80 : i32
        %dma_wait3A_82 = arith.constant 0 : i32
        %dma_wait3A_83 = tpu.memref_slice %arg5[%mul3A_81, %dma_wait3A_82] : memref<500000x128xf32, #tpu.memory_space<hbm>> -> memref<128x128xf32, #tpu.memory_space<hbm>>
        %dma_wait3A_84 = arith.constant 0 : i32
        %dma_wait3A_85 = tpu.memref_slice %arg5[%mul3A_81, %dma_wait3A_84] : memref<500000x128xf32, #tpu.memory_space<hbm>> -> memref<128x128xf32, #tpu.memory_space<hbm>>
        tpu.wait_dma2 semaphore(%arg11 : memref<!tpu.dma_semaphore, #tpu.memory_space<semaphore_mem>>) src(%arg9 : memref<128x128xf32, #tpu.memory_space<vmem>>) dst(%dma_wait3A_85 : memref<128x128xf32, #tpu.memory_space<hbm>>)
      } else {
      }
      %scan3A = arith.constant 0 : i32
      %scan3A_49 = arith.constant 0 : i32
      %scan3A_50 = arith.constant 64 : i32
      %scan3A_51 = arith.addi %scan3A_49, %scan3A_50 : i32
      %scan3A_52 = arith.constant 4 : i32
      %scan3A_53 = scf.for %scan3A_72 = %scan3A_49 to %scan3A_51 step %scan3A_52 iter_args(%scan3A_73 = %scan3A) -> (i32)  : i32 {
        %add3A_74 = vector.broadcast %scan3A_72 : i32 to vector<16xi32>
        %add3A_75 = arith.addi %mul3A_11, %add3A_74 : vector<16xi32>
        %add3A_76 = arith.constant 0 : i32
        %add3A_77 = vector.broadcast %add3A_76 : i32 to vector<16xi32>
        %add3A_78 = arith.addi %add3A_77, %shift_right_logical3A_6 : vector<16xi32>
        %get3A = arith.index_cast %scan3A_72 : i32 to index
        %get3A_79 = arith.constant 0 : index
        %get3A_80 = tpu.vector_load %arg6[%get3A, %get3A_79] {strides = array<i32>} : memref<64x256xf32, #tpu.memory_space<vmem>>, vector<16xf32>,
        tpu.vector_store_idx %arg8[%add3A_78, %add3A_75], %get3A_80 : memref<128x128xf32, #tpu.memory_space<vmem>>[vector<16xi32>, vector<16xi32>], vector<16xf32>,
        %get3A_81 = arith.index_cast %scan3A_72 : i32 to index
        %get3A_82 = arith.constant 0 : index
        %get3A_83 = tpu.vector_load %arg7[%get3A_81, %get3A_82] {strides = array<i32>} : memref<64x256xf32, #tpu.memory_space<vmem>>, vector<16xf32>,
        tpu.vector_store_idx %arg9[%add3A_78, %add3A_75], %get3A_83 : memref<128x128xf32, #tpu.memory_space<vmem>>[vector<16xi32>, vector<16xi32>], vector<16xf32>,
        %add3A_84 = arith.constant 8 : i32
        %add3A_85 = vector.broadcast %add3A_84 : i32 to vector<16xi32>
        %add3A_86 = arith.addi %add3A_85, %shift_right_logical3A_6 : vector<16xi32>
        %get3A_87 = arith.index_cast %scan3A_72 : i32 to index
        %get3A_88 = arith.constant 16 : index
        %get3A_89 = tpu.vector_load %arg6[%get3A_87, %get3A_88] {strides = array<i32>} : memref<64x256xf32, #tpu.memory_space<vmem>>, vector<16xf32>,
        tpu.vector_store_idx %arg8[%add3A_86, %add3A_75], %get3A_89 : memref<128x128xf32, #tpu.memory_space<vmem>>[vector<16xi32>, vector<16xi32>], vector<16xf32>,
        %get3A_90 = arith.index_cast %scan3A_72 : i32 to index
        %get3A_91 = arith.constant 16 : index
        %get3A_92 = tpu.vector_load %arg7[%get3A_90, %get3A_91] {strides = array<i32>} : memref<64x256xf32, #tpu.memory_space<vmem>>, vector<16xf32>,
        tpu.vector_store_idx %arg9[%add3A_86, %add3A_75], %get3A_92 : memref<128x128xf32, #tpu.memory_space<vmem>>[vector<16xi32>, vector<16xi32>], vector<16xf32>,
        %add3A_93 = arith.constant 16 : i32
        %add3A_94 = vector.broadcast %add3A_93 : i32 to vector<16xi32>
        %add3A_95 = arith.addi %add3A_94, %shift_right_logical3A_6 : vector<16xi32>
        %get3A_96 = arith.index_cast %scan3A_72 : i32 to index
        %get3A_97 = arith.constant 32 : index
        %get3A_98 = tpu.vector_load %arg6[%get3A_96, %get3A_97] {strides = array<i32>} : memref<64x256xf32, #tpu.memory_space<vmem>>, vector<16xf32>,
        tpu.vector_store_idx %arg8[%add3A_95, %add3A_75], %get3A_98 : memref<128x128xf32, #tpu.memory_space<vmem>>[vector<16xi32>, vector<16xi32>], vector<16xf32>,
        %get3A_99 = arith.index_cast %scan3A_72 : i32 to index
        %get3A_100 = arith.constant 32 : index
        %get3A_101 = tpu.vector_load %arg7[%get3A_99, %get3A_100] {strides = array<i32>} : memref<64x256xf32, #tpu.memory_space<vmem>>, vector<16xf32>,
        tpu.vector_store_idx %arg9[%add3A_95, %add3A_75], %get3A_101 : memref<128x128xf32, #tpu.memory_space<vmem>>[vector<16xi32>, vector<16xi32>], vector<16xf32>,
        %add3A_102 = arith.constant 24 : i32
        %add3A_103 = vector.broadcast %add3A_102 : i32 to vector<16xi32>
        %add3A_104 = arith.addi %add3A_103, %shift_right_logical3A_6 : vector<16xi32>
        %get3A_105 = arith.index_cast %scan3A_72 : i32 to index
        %get3A_106 = arith.constant 48 : index
        %get3A_107 = tpu.vector_load %arg6[%get3A_105, %get3A_106] {strides = array<i32>} : memref<64x256xf32, #tpu.memory_space<vmem>>, vector<16xf32>,
        tpu.vector_store_idx %arg8[%add3A_104, %add3A_75], %get3A_107 : memref<128x128xf32, #tpu.memory_space<vmem>>[vector<16xi32>, vector<16xi32>], vector<16xf32>,
        %get3A_108 = arith.index_cast %scan3A_72 : i32 to index
        %get3A_109 = arith.constant 48 : index
        %get3A_110 = tpu.vector_load %arg7[%get3A_108, %get3A_109] {strides = array<i32>} : memref<64x256xf32, #tpu.memory_space<vmem>>, vector<16xf32>,
        tpu.vector_store_idx %arg9[%add3A_104, %add3A_75], %get3A_110 : memref<128x128xf32, #tpu.memory_space<vmem>>[vector<16xi32>, vector<16xi32>], vector<16xf32>,
        %add3A_111 = arith.constant 32 : i32
        %add3A_112 = vector.broadcast %add3A_111 : i32 to vector<16xi32>
        %add3A_113 = arith.addi %add3A_112, %shift_right_logical3A_6 : vector<16xi32>
        %get3A_114 = arith.index_cast %scan3A_72 : i32 to index
        %get3A_115 = arith.constant 64 : index
        %get3A_116 = tpu.vector_load %arg6[%get3A_114, %get3A_115] {strides = array<i32>} : memref<64x256xf32, #tpu.memory_space<vmem>>, vector<16xf32>,
        tpu.vector_store_idx %arg8[%add3A_113, %add3A_75], %get3A_116 : memref<128x128xf32, #tpu.memory_space<vmem>>[vector<16xi32>, vector<16xi32>], vector<16xf32>,
        %get3A_117 = arith.index_cast %scan3A_72 : i32 to index
        %get3A_118 = arith.constant 64 : index
        %get3A_119 = tpu.vector_load %arg7[%get3A_117, %get3A_118] {strides = array<i32>} : memref<64x256xf32, #tpu.memory_space<vmem>>, vector<16xf32>,
        tpu.vector_store_idx %arg9[%add3A_113, %add3A_75], %get3A_119 : memref<128x128xf32, #tpu.memory_space<vmem>>[vector<16xi32>, vector<16xi32>], vector<16xf32>,
        %add3A_120 = arith.constant 40 : i32
        %add3A_121 = vector.broadcast %add3A_120 : i32 to vector<16xi32>
        %add3A_122 = arith.addi %add3A_121, %shift_right_logical3A_6 : vector<16xi32>
        %get3A_123 = arith.index_cast %scan3A_72 : i32 to index
        %get3A_124 = arith.constant 80 : index
        %get3A_125 = tpu.vector_load %arg6[%get3A_123, %get3A_124] {strides = array<i32>} : memref<64x256xf32, #tpu.memory_space<vmem>>, vector<16xf32>,
        tpu.vector_store_idx %arg8[%add3A_122, %add3A_75], %get3A_125 : memref<128x128xf32, #tpu.memory_space<vmem>>[vector<16xi32>, vector<16xi32>], vector<16xf32>,
        %get3A_126 = arith.index_cast %scan3A_72 : i32 to index
        %get3A_127 = arith.constant 80 : index
        %get3A_128 = tpu.vector_load %arg7[%get3A_126, %get3A_127] {strides = array<i32>} : memref<64x256xf32, #tpu.memory_space<vmem>>, vector<16xf32>,
        tpu.vector_store_idx %arg9[%add3A_122, %add3A_75], %get3A_128 : memref<128x128xf32, #tpu.memory_space<vmem>>[vector<16xi32>, vector<16xi32>], vector<16xf32>,
        %add3A_129 = arith.constant 48 : i32
        %add3A_130 = vector.broadcast %add3A_129 : i32 to vector<16xi32>
        %add3A_131 = arith.addi %add3A_130, %shift_right_logical3A_6 : vector<16xi32>
        %get3A_132 = arith.index_cast %scan3A_72 : i32 to index
        %get3A_133 = arith.constant 96 : index
        %get3A_134 = tpu.vector_load %arg6[%get3A_132, %get3A_133] {strides = array<i32>} : memref<64x256xf32, #tpu.memory_space<vmem>>, vector<16xf32>,
        tpu.vector_store_idx %arg8[%add3A_131, %add3A_75], %get3A_134 : memref<128x128xf32, #tpu.memory_space<vmem>>[vector<16xi32>, vector<16xi32>], vector<16xf32>,
        %get3A_135 = arith.index_cast %scan3A_72 : i32 to index
        %get3A_136 = arith.constant 96 : index
        %get3A_137 = tpu.vector_load %arg7[%get3A_135, %get3A_136] {strides = array<i32>} : memref<64x256xf32, #tpu.memory_space<vmem>>, vector<16xf32>,
        tpu.vector_store_idx %arg9[%add3A_131, %add3A_75], %get3A_137 : memref<128x128xf32, #tpu.memory_space<vmem>>[vector<16xi32>, vector<16xi32>], vector<16xf32>,
        %add3A_138 = arith.constant 56 : i32
        %add3A_139 = vector.broadcast %add3A_138 : i32 to vector<16xi32>
        %add3A_140 = arith.addi %add3A_139, %shift_right_logical3A_6 : vector<16xi32>
        %get3A_141 = arith.index_cast %scan3A_72 : i32 to index
        %get3A_142 = arith.constant 112 : index
        %get3A_143 = tpu.vector_load %arg6[%get3A_141, %get3A_142] {strides = array<i32>} : memref<64x256xf32, #tpu.memory_space<vmem>>, vector<16xf32>,
        tpu.vector_store_idx %arg8[%add3A_140, %add3A_75], %get3A_143 : memref<128x128xf32, #tpu.memory_space<vmem>>[vector<16xi32>, vector<16xi32>], vector<16xf32>,
        %get3A_144 = arith.index_cast %scan3A_72 : i32 to index
        %get3A_145 = arith.constant 112 : index
        %get3A_146 = tpu.vector_load %arg7[%get3A_144, %get3A_145] {strides = array<i32>} : memref<64x256xf32, #tpu.memory_space<vmem>>, vector<16xf32>,
        tpu.vector_store_idx %arg9[%add3A_140, %add3A_75], %get3A_146 : memref<128x128xf32, #tpu.memory_space<vmem>>[vector<16xi32>, vector<16xi32>], vector<16xf32>,
        %add3A_147 = arith.constant 64 : i32
        %add3A_148 = vector.broadcast %add3A_147 : i32 to vector<16xi32>
        %add3A_149 = arith.addi %add3A_148, %shift_right_logical3A_6 : vector<16xi32>
        %get3A_150 = arith.index_cast %scan3A_72 : i32 to index
        %get3A_151 = arith.constant 128 : index
        %get3A_152 = tpu.vector_load %arg6[%get3A_150, %get3A_151] {strides = array<i32>} : memref<64x256xf32, #tpu.memory_space<vmem>>, vector<16xf32>,
        tpu.vector_store_idx %arg8[%add3A_149, %add3A_75], %get3A_152 : memref<128x128xf32, #tpu.memory_space<vmem>>[vector<16xi32>, vector<16xi32>], vector<16xf32>,
        %get3A_153 = arith.index_cast %scan3A_72 : i32 to index
        %get3A_154 = arith.constant 128 : index
        %get3A_155 = tpu.vector_load %arg7[%get3A_153, %get3A_154] {strides = array<i32>} : memref<64x256xf32, #tpu.memory_space<vmem>>, vector<16xf32>,
        tpu.vector_store_idx %arg9[%add3A_149, %add3A_75], %get3A_155 : memref<128x128xf32, #tpu.memory_space<vmem>>[vector<16xi32>, vector<16xi32>], vector<16xf32>,
        %add3A_156 = arith.constant 72 : i32
        %add3A_157 = vector.broadcast %add3A_156 : i32 to vector<16xi32>
        %add3A_158 = arith.addi %add3A_157, %shift_right_logical3A_6 : vector<16xi32>
        %get3A_159 = arith.index_cast %scan3A_72 : i32 to index
        %get3A_160 = arith.constant 144 : index
        %get3A_161 = tpu.vector_load %arg6[%get3A_159, %get3A_160] {strides = array<i32>} : memref<64x256xf32, #tpu.memory_space<vmem>>, vector<16xf32>,
        tpu.vector_store_idx %arg8[%add3A_158, %add3A_75], %get3A_161 : memref<128x128xf32, #tpu.memory_space<vmem>>[vector<16xi32>, vector<16xi32>], vector<16xf32>,
        %get3A_162 = arith.index_cast %scan3A_72 : i32 to index
        %get3A_163 = arith.constant 144 : index
        %get3A_164 = tpu.vector_load %arg7[%get3A_162, %get3A_163] {strides = array<i32>} : memref<64x256xf32, #tpu.memory_space<vmem>>, vector<16xf32>,
        tpu.vector_store_idx %arg9[%add3A_158, %add3A_75], %get3A_164 : memref<128x128xf32, #tpu.memory_space<vmem>>[vector<16xi32>, vector<16xi32>], vector<16xf32>,
        %add3A_165 = arith.constant 80 : i32
        %add3A_166 = vector.broadcast %add3A_165 : i32 to vector<16xi32>
        %add3A_167 = arith.addi %add3A_166, %shift_right_logical3A_6 : vector<16xi32>
        %get3A_168 = arith.index_cast %scan3A_72 : i32 to index
        %get3A_169 = arith.constant 160 : index
        %get3A_170 = tpu.vector_load %arg6[%get3A_168, %get3A_169] {strides = array<i32>} : memref<64x256xf32, #tpu.memory_space<vmem>>, vector<16xf32>,
        tpu.vector_store_idx %arg8[%add3A_167, %add3A_75], %get3A_170 : memref<128x128xf32, #tpu.memory_space<vmem>>[vector<16xi32>, vector<16xi32>], vector<16xf32>,
        %get3A_171 = arith.index_cast %scan3A_72 : i32 to index
        %get3A_172 = arith.constant 160 : index
        %get3A_173 = tpu.vector_load %arg7[%get3A_171, %get3A_172] {strides = array<i32>} : memref<64x256xf32, #tpu.memory_space<vmem>>, vector<16xf32>,
        tpu.vector_store_idx %arg9[%add3A_167, %add3A_75], %get3A_173 : memref<128x128xf32, #tpu.memory_space<vmem>>[vector<16xi32>, vector<16xi32>], vector<16xf32>,
        %add3A_174 = arith.constant 88 : i32
        %add3A_175 = vector.broadcast %add3A_174 : i32 to vector<16xi32>
        %add3A_176 = arith.addi %add3A_175, %shift_right_logical3A_6 : vector<16xi32>
        %get3A_177 = arith.index_cast %scan3A_72 : i32 to index
        %get3A_178 = arith.constant 176 : index
        %get3A_179 = tpu.vector_load %arg6[%get3A_177, %get3A_178] {strides = array<i32>} : memref<64x256xf32, #tpu.memory_space<vmem>>, vector<16xf32>,
        tpu.vector_store_idx %arg8[%add3A_176, %add3A_75], %get3A_179 : memref<128x128xf32, #tpu.memory_space<vmem>>[vector<16xi32>, vector<16xi32>], vector<16xf32>,
        %get3A_180 = arith.index_cast %scan3A_72 : i32 to index
        %get3A_181 = arith.constant 176 : index
        %get3A_182 = tpu.vector_load %arg7[%get3A_180, %get3A_181] {strides = array<i32>} : memref<64x256xf32, #tpu.memory_space<vmem>>, vector<16xf32>,
        tpu.vector_store_idx %arg9[%add3A_176, %add3A_75], %get3A_182 : memref<128x128xf32, #tpu.memory_space<vmem>>[vector<16xi32>, vector<16xi32>], vector<16xf32>,
        %add3A_183 = arith.constant 96 : i32
        %add3A_184 = vector.broadcast %add3A_183 : i32 to vector<16xi32>
        %add3A_185 = arith.addi %add3A_184, %shift_right_logical3A_6 : vector<16xi32>
        %get3A_186 = arith.index_cast %scan3A_72 : i32 to index
        %get3A_187 = arith.constant 192 : index
        %get3A_188 = tpu.vector_load %arg6[%get3A_186, %get3A_187] {strides = array<i32>} : memref<64x256xf32, #tpu.memory_space<vmem>>, vector<16xf32>,
        tpu.vector_store_idx %arg8[%add3A_185, %add3A_75], %get3A_188 : memref<128x128xf32, #tpu.memory_space<vmem>>[vector<16xi32>, vector<16xi32>], vector<16xf32>,
        %get3A_189 = arith.index_cast %scan3A_72 : i32 to index
        %get3A_190 = arith.constant 192 : index
        %get3A_191 = tpu.vector_load %arg7[%get3A_189, %get3A_190] {strides = array<i32>} : memref<64x256xf32, #tpu.memory_space<vmem>>, vector<16xf32>,
        tpu.vector_store_idx %arg9[%add3A_185, %add3A_75], %get3A_191 : memref<128x128xf32, #tpu.memory_space<vmem>>[vector<16xi32>, vector<16xi32>], vector<16xf32>,
        %add3A_192 = arith.constant 104 : i32
        %add3A_193 = vector.broadcast %add3A_192 : i32 to vector<16xi32>
        %add3A_194 = arith.addi %add3A_193, %shift_right_logical3A_6 : vector<16xi32>
        %get3A_195 = arith.index_cast %scan3A_72 : i32 to index
        %get3A_196 = arith.constant 208 : index
        %get3A_197 = tpu.vector_load %arg6[%get3A_195, %get3A_196] {strides = array<i32>} : memref<64x256xf32, #tpu.memory_space<vmem>>, vector<16xf32>,
        tpu.vector_store_idx %arg8[%add3A_194, %add3A_75], %get3A_197 : memref<128x128xf32, #tpu.memory_space<vmem>>[vector<16xi32>, vector<16xi32>], vector<16xf32>,
        %get3A_198 = arith.index_cast %scan3A_72 : i32 to index
        %get3A_199 = arith.constant 208 : index
        %get3A_200 = tpu.vector_load %arg7[%get3A_198, %get3A_199] {strides = array<i32>} : memref<64x256xf32, #tpu.memory_space<vmem>>, vector<16xf32>,
        tpu.vector_store_idx %arg9[%add3A_194, %add3A_75], %get3A_200 : memref<128x128xf32, #tpu.memory_space<vmem>>[vector<16xi32>, vector<16xi32>], vector<16xf32>,
        %add3A_201 = arith.constant 112 : i32
        %add3A_202 = vector.broadcast %add3A_201 : i32 to vector<16xi32>
        %add3A_203 = arith.addi %add3A_202, %shift_right_logical3A_6 : vector<16xi32>
        %get3A_204 = arith.index_cast %scan3A_72 : i32 to index
        %get3A_205 = arith.constant 224 : index
        %get3A_206 = tpu.vector_load %arg6[%get3A_204, %get3A_205] {strides = array<i32>} : memref<64x256xf32, #tpu.memory_space<vmem>>, vector<16xf32>,
        tpu.vector_store_idx %arg8[%add3A_203, %add3A_75], %get3A_206 : memref<128x128xf32, #tpu.memory_space<vmem>>[vector<16xi32>, vector<16xi32>], vector<16xf32>,
        %get3A_207 = arith.index_cast %scan3A_72 : i32 to index
        %get3A_208 = arith.constant 224 : index
        %get3A_209 = tpu.vector_load %arg7[%get3A_207, %get3A_208] {strides = array<i32>} : memref<64x256xf32, #tpu.memory_space<vmem>>, vector<16xf32>,
        tpu.vector_store_idx %arg9[%add3A_203, %add3A_75], %get3A_209 : memref<128x128xf32, #tpu.memory_space<vmem>>[vector<16xi32>, vector<16xi32>], vector<16xf32>,
        %add3A_210 = arith.constant 120 : i32
        %add3A_211 = vector.broadcast %add3A_210 : i32 to vector<16xi32>
        %add3A_212 = arith.addi %add3A_211, %shift_right_logical3A_6 : vector<16xi32>
        %get3A_213 = arith.index_cast %scan3A_72 : i32 to index
        %get3A_214 = arith.constant 240 : index
        %get3A_215 = tpu.vector_load %arg6[%get3A_213, %get3A_214] {strides = array<i32>} : memref<64x256xf32, #tpu.memory_space<vmem>>, vector<16xf32>,
        tpu.vector_store_idx %arg8[%add3A_212, %add3A_75], %get3A_215 : memref<128x128xf32, #tpu.memory_space<vmem>>[vector<16xi32>, vector<16xi32>], vector<16xf32>,
        %get3A_216 = arith.index_cast %scan3A_72 : i32 to index
        %get3A_217 = arith.constant 240 : index
        %get3A_218 = tpu.vector_load %arg7[%get3A_216, %get3A_217] {strides = array<i32>} : memref<64x256xf32, #tpu.memory_space<vmem>>, vector<16xf32>,
        tpu.vector_store_idx %arg9[%add3A_212, %add3A_75], %get3A_218 : memref<128x128xf32, #tpu.memory_space<vmem>>[vector<16xi32>, vector<16xi32>], vector<16xf32>,
        %scan3A_219 = arith.constant 0 : i32
        %scan3A_220 = arith.constant 1 : i32
        %scan3A_221 = arith.addi %scan3A_72, %scan3A_220 : i32
        %add3A_222 = vector.broadcast %scan3A_221 : i32 to vector<16xi32>
        %add3A_223 = arith.addi %mul3A_11, %add3A_222 : vector<16xi32>
        %add3A_224 = arith.constant 0 : i32
        %add3A_225 = vector.broadcast %add3A_224 : i32 to vector<16xi32>
        %add3A_226 = arith.addi %add3A_225, %shift_right_logical3A_6 : vector<16xi32>
        %get3A_227 = arith.index_cast %scan3A_221 : i32 to index
        %get3A_228 = arith.constant 0 : index
        %get3A_229 = tpu.vector_load %arg6[%get3A_227, %get3A_228] {strides = array<i32>} : memref<64x256xf32, #tpu.memory_space<vmem>>, vector<16xf32>,
        tpu.vector_store_idx %arg8[%add3A_226, %add3A_223], %get3A_229 : memref<128x128xf32, #tpu.memory_space<vmem>>[vector<16xi32>, vector<16xi32>], vector<16xf32>,
        %get3A_230 = arith.index_cast %scan3A_221 : i32 to index
        %get3A_231 = arith.constant 0 : index
        %get3A_232 = tpu.vector_load %arg7[%get3A_230, %get3A_231] {strides = array<i32>} : memref<64x256xf32, #tpu.memory_space<vmem>>, vector<16xf32>,
        tpu.vector_store_idx %arg9[%add3A_226, %add3A_223], %get3A_232 : memref<128x128xf32, #tpu.memory_space<vmem>>[vector<16xi32>, vector<16xi32>], vector<16xf32>,
        %add3A_233 = arith.constant 8 : i32
        %add3A_234 = vector.broadcast %add3A_233 : i32 to vector<16xi32>
        %add3A_235 = arith.addi %add3A_234, %shift_right_logical3A_6 : vector<16xi32>
        %get3A_236 = arith.index_cast %scan3A_221 : i32 to index
        %get3A_237 = arith.constant 16 : index
        %get3A_238 = tpu.vector_load %arg6[%get3A_236, %get3A_237] {strides = array<i32>} : memref<64x256xf32, #tpu.memory_space<vmem>>, vector<16xf32>,
        tpu.vector_store_idx %arg8[%add3A_235, %add3A_223], %get3A_238 : memref<128x128xf32, #tpu.memory_space<vmem>>[vector<16xi32>, vector<16xi32>], vector<16xf32>,
        %get3A_239 = arith.index_cast %scan3A_221 : i32 to index
        %get3A_240 = arith.constant 16 : index
        %get3A_241 = tpu.vector_load %arg7[%get3A_239, %get3A_240] {strides = array<i32>} : memref<64x256xf32, #tpu.memory_space<vmem>>, vector<16xf32>,
        tpu.vector_store_idx %arg9[%add3A_235, %add3A_223], %get3A_241 : memref<128x128xf32, #tpu.memory_space<vmem>>[vector<16xi32>, vector<16xi32>], vector<16xf32>,
        %add3A_242 = arith.constant 16 : i32
        %add3A_243 = vector.broadcast %add3A_242 : i32 to vector<16xi32>
        %add3A_244 = arith.addi %add3A_243, %shift_right_logical3A_6 : vector<16xi32>
        %get3A_245 = arith.index_cast %scan3A_221 : i32 to index
        %get3A_246 = arith.constant 32 : index
        %get3A_247 = tpu.vector_load %arg6[%get3A_245, %get3A_246] {strides = array<i32>} : memref<64x256xf32, #tpu.memory_space<vmem>>, vector<16xf32>,
        tpu.vector_store_idx %arg8[%add3A_244, %add3A_223], %get3A_247 : memref<128x128xf32, #tpu.memory_space<vmem>>[vector<16xi32>, vector<16xi32>], vector<16xf32>,
        %get3A_248 = arith.index_cast %scan3A_221 : i32 to index
        %get3A_249 = arith.constant 32 : index
        %get3A_250 = tpu.vector_load %arg7[%get3A_248, %get3A_249] {strides = array<i32>} : memref<64x256xf32, #tpu.memory_space<vmem>>, vector<16xf32>,
        tpu.vector_store_idx %arg9[%add3A_244, %add3A_223], %get3A_250 : memref<128x128xf32, #tpu.memory_space<vmem>>[vector<16xi32>, vector<16xi32>], vector<16xf32>,
        %add3A_251 = arith.constant 24 : i32
        %add3A_252 = vector.broadcast %add3A_251 : i32 to vector<16xi32>
        %add3A_253 = arith.addi %add3A_252, %shift_right_logical3A_6 : vector<16xi32>
        %get3A_254 = arith.index_cast %scan3A_221 : i32 to index
        %get3A_255 = arith.constant 48 : index
        %get3A_256 = tpu.vector_load %arg6[%get3A_254, %get3A_255] {strides = array<i32>} : memref<64x256xf32, #tpu.memory_space<vmem>>, vector<16xf32>,
        tpu.vector_store_idx %arg8[%add3A_253, %add3A_223], %get3A_256 : memref<128x128xf32, #tpu.memory_space<vmem>>[vector<16xi32>, vector<16xi32>], vector<16xf32>,
        %get3A_257 = arith.index_cast %scan3A_221 : i32 to index
        %get3A_258 = arith.constant 48 : index
        %get3A_259 = tpu.vector_load %arg7[%get3A_257, %get3A_258] {strides = array<i32>} : memref<64x256xf32, #tpu.memory_space<vmem>>, vector<16xf32>,
        tpu.vector_store_idx %arg9[%add3A_253, %add3A_223], %get3A_259 : memref<128x128xf32, #tpu.memory_space<vmem>>[vector<16xi32>, vector<16xi32>], vector<16xf32>,
        %add3A_260 = arith.constant 32 : i32
        %add3A_261 = vector.broadcast %add3A_260 : i32 to vector<16xi32>
        %add3A_262 = arith.addi %add3A_261, %shift_right_logical3A_6 : vector<16xi32>
        %get3A_263 = arith.index_cast %scan3A_221 : i32 to index
        %get3A_264 = arith.constant 64 : index
        %get3A_265 = tpu.vector_load %arg6[%get3A_263, %get3A_264] {strides = array<i32>} : memref<64x256xf32, #tpu.memory_space<vmem>>, vector<16xf32>,
        tpu.vector_store_idx %arg8[%add3A_262, %add3A_223], %get3A_265 : memref<128x128xf32, #tpu.memory_space<vmem>>[vector<16xi32>, vector<16xi32>], vector<16xf32>,
        %get3A_266 = arith.index_cast %scan3A_221 : i32 to index
        %get3A_267 = arith.constant 64 : index
        %get3A_268 = tpu.vector_load %arg7[%get3A_266, %get3A_267] {strides = array<i32>} : memref<64x256xf32, #tpu.memory_space<vmem>>, vector<16xf32>,
        tpu.vector_store_idx %arg9[%add3A_262, %add3A_223], %get3A_268 : memref<128x128xf32, #tpu.memory_space<vmem>>[vector<16xi32>, vector<16xi32>], vector<16xf32>,
        %add3A_269 = arith.constant 40 : i32
        %add3A_270 = vector.broadcast %add3A_269 : i32 to vector<16xi32>
        %add3A_271 = arith.addi %add3A_270, %shift_right_logical3A_6 : vector<16xi32>
        %get3A_272 = arith.index_cast %scan3A_221 : i32 to index
        %get3A_273 = arith.constant 80 : index
        %get3A_274 = tpu.vector_load %arg6[%get3A_272, %get3A_273] {strides = array<i32>} : memref<64x256xf32, #tpu.memory_space<vmem>>, vector<16xf32>,
        tpu.vector_store_idx %arg8[%add3A_271, %add3A_223], %get3A_274 : memref<128x128xf32, #tpu.memory_space<vmem>>[vector<16xi32>, vector<16xi32>], vector<16xf32>,
        %get3A_275 = arith.index_cast %scan3A_221 : i32 to index
        %get3A_276 = arith.constant 80 : index
        %get3A_277 = tpu.vector_load %arg7[%get3A_275, %get3A_276] {strides = array<i32>} : memref<64x256xf32, #tpu.memory_space<vmem>>, vector<16xf32>,
        tpu.vector_store_idx %arg9[%add3A_271, %add3A_223], %get3A_277 : memref<128x128xf32, #tpu.memory_space<vmem>>[vector<16xi32>, vector<16xi32>], vector<16xf32>,
        %add3A_278 = arith.constant 48 : i32
        %add3A_279 = vector.broadcast %add3A_278 : i32 to vector<16xi32>
        %add3A_280 = arith.addi %add3A_279, %shift_right_logical3A_6 : vector<16xi32>
        %get3A_281 = arith.index_cast %scan3A_221 : i32 to index
        %get3A_282 = arith.constant 96 : index
        %get3A_283 = tpu.vector_load %arg6[%get3A_281, %get3A_282] {strides = array<i32>} : memref<64x256xf32, #tpu.memory_space<vmem>>, vector<16xf32>,
        tpu.vector_store_idx %arg8[%add3A_280, %add3A_223], %get3A_283 : memref<128x128xf32, #tpu.memory_space<vmem>>[vector<16xi32>, vector<16xi32>], vector<16xf32>,
        %get3A_284 = arith.index_cast %scan3A_221 : i32 to index
        %get3A_285 = arith.constant 96 : index
        %get3A_286 = tpu.vector_load %arg7[%get3A_284, %get3A_285] {strides = array<i32>} : memref<64x256xf32, #tpu.memory_space<vmem>>, vector<16xf32>,
        tpu.vector_store_idx %arg9[%add3A_280, %add3A_223], %get3A_286 : memref<128x128xf32, #tpu.memory_space<vmem>>[vector<16xi32>, vector<16xi32>], vector<16xf32>,
        %add3A_287 = arith.constant 56 : i32
        %add3A_288 = vector.broadcast %add3A_287 : i32 to vector<16xi32>
        %add3A_289 = arith.addi %add3A_288, %shift_right_logical3A_6 : vector<16xi32>
        %get3A_290 = arith.index_cast %scan3A_221 : i32 to index
        %get3A_291 = arith.constant 112 : index
        %get3A_292 = tpu.vector_load %arg6[%get3A_290, %get3A_291] {strides = array<i32>} : memref<64x256xf32, #tpu.memory_space<vmem>>, vector<16xf32>,
        tpu.vector_store_idx %arg8[%add3A_289, %add3A_223], %get3A_292 : memref<128x128xf32, #tpu.memory_space<vmem>>[vector<16xi32>, vector<16xi32>], vector<16xf32>,
        %get3A_293 = arith.index_cast %scan3A_221 : i32 to index
        %get3A_294 = arith.constant 112 : index
        %get3A_295 = tpu.vector_load %arg7[%get3A_293, %get3A_294] {strides = array<i32>} : memref<64x256xf32, #tpu.memory_space<vmem>>, vector<16xf32>,
        tpu.vector_store_idx %arg9[%add3A_289, %add3A_223], %get3A_295 : memref<128x128xf32, #tpu.memory_space<vmem>>[vector<16xi32>, vector<16xi32>], vector<16xf32>,
        %add3A_296 = arith.constant 64 : i32
        %add3A_297 = vector.broadcast %add3A_296 : i32 to vector<16xi32>
        %add3A_298 = arith.addi %add3A_297, %shift_right_logical3A_6 : vector<16xi32>
        %get3A_299 = arith.index_cast %scan3A_221 : i32 to index
        %get3A_300 = arith.constant 128 : index
        %get3A_301 = tpu.vector_load %arg6[%get3A_299, %get3A_300] {strides = array<i32>} : memref<64x256xf32, #tpu.memory_space<vmem>>, vector<16xf32>,
        tpu.vector_store_idx %arg8[%add3A_298, %add3A_223], %get3A_301 : memref<128x128xf32, #tpu.memory_space<vmem>>[vector<16xi32>, vector<16xi32>], vector<16xf32>,
        %get3A_302 = arith.index_cast %scan3A_221 : i32 to index
        %get3A_303 = arith.constant 128 : index
        %get3A_304 = tpu.vector_load %arg7[%get3A_302, %get3A_303] {strides = array<i32>} : memref<64x256xf32, #tpu.memory_space<vmem>>, vector<16xf32>,
        tpu.vector_store_idx %arg9[%add3A_298, %add3A_223], %get3A_304 : memref<128x128xf32, #tpu.memory_space<vmem>>[vector<16xi32>, vector<16xi32>], vector<16xf32>,
        %add3A_305 = arith.constant 72 : i32
        %add3A_306 = vector.broadcast %add3A_305 : i32 to vector<16xi32>
        %add3A_307 = arith.addi %add3A_306, %shift_right_logical3A_6 : vector<16xi32>
        %get3A_308 = arith.index_cast %scan3A_221 : i32 to index
        %get3A_309 = arith.constant 144 : index
        %get3A_310 = tpu.vector_load %arg6[%get3A_308, %get3A_309] {strides = array<i32>} : memref<64x256xf32, #tpu.memory_space<vmem>>, vector<16xf32>,
        tpu.vector_store_idx %arg8[%add3A_307, %add3A_223], %get3A_310 : memref<128x128xf32, #tpu.memory_space<vmem>>[vector<16xi32>, vector<16xi32>], vector<16xf32>,
        %get3A_311 = arith.index_cast %scan3A_221 : i32 to index
        %get3A_312 = arith.constant 144 : index
        %get3A_313 = tpu.vector_load %arg7[%get3A_311, %get3A_312] {strides = array<i32>} : memref<64x256xf32, #tpu.memory_space<vmem>>, vector<16xf32>,
        tpu.vector_store_idx %arg9[%add3A_307, %add3A_223], %get3A_313 : memref<128x128xf32, #tpu.memory_space<vmem>>[vector<16xi32>, vector<16xi32>], vector<16xf32>,
        %add3A_314 = arith.constant 80 : i32
        %add3A_315 = vector.broadcast %add3A_314 : i32 to vector<16xi32>
        %add3A_316 = arith.addi %add3A_315, %shift_right_logical3A_6 : vector<16xi32>
        %get3A_317 = arith.index_cast %scan3A_221 : i32 to index
        %get3A_318 = arith.constant 160 : index
        %get3A_319 = tpu.vector_load %arg6[%get3A_317, %get3A_318] {strides = array<i32>} : memref<64x256xf32, #tpu.memory_space<vmem>>, vector<16xf32>,
        tpu.vector_store_idx %arg8[%add3A_316, %add3A_223], %get3A_319 : memref<128x128xf32, #tpu.memory_space<vmem>>[vector<16xi32>, vector<16xi32>], vector<16xf32>,
        %get3A_320 = arith.index_cast %scan3A_221 : i32 to index
        %get3A_321 = arith.constant 160 : index
        %get3A_322 = tpu.vector_load %arg7[%get3A_320, %get3A_321] {strides = array<i32>} : memref<64x256xf32, #tpu.memory_space<vmem>>, vector<16xf32>,
        tpu.vector_store_idx %arg9[%add3A_316, %add3A_223], %get3A_322 : memref<128x128xf32, #tpu.memory_space<vmem>>[vector<16xi32>, vector<16xi32>], vector<16xf32>,
        %add3A_323 = arith.constant 88 : i32
        %add3A_324 = vector.broadcast %add3A_323 : i32 to vector<16xi32>
        %add3A_325 = arith.addi %add3A_324, %shift_right_logical3A_6 : vector<16xi32>
        %get3A_326 = arith.index_cast %scan3A_221 : i32 to index
        %get3A_327 = arith.constant 176 : index
        %get3A_328 = tpu.vector_load %arg6[%get3A_326, %get3A_327] {strides = array<i32>} : memref<64x256xf32, #tpu.memory_space<vmem>>, vector<16xf32>,
        tpu.vector_store_idx %arg8[%add3A_325, %add3A_223], %get3A_328 : memref<128x128xf32, #tpu.memory_space<vmem>>[vector<16xi32>, vector<16xi32>], vector<16xf32>,
        %get3A_329 = arith.index_cast %scan3A_221 : i32 to index
        %get3A_330 = arith.constant 176 : index
        %get3A_331 = tpu.vector_load %arg7[%get3A_329, %get3A_330] {strides = array<i32>} : memref<64x256xf32, #tpu.memory_space<vmem>>, vector<16xf32>,
        tpu.vector_store_idx %arg9[%add3A_325, %add3A_223], %get3A_331 : memref<128x128xf32, #tpu.memory_space<vmem>>[vector<16xi32>, vector<16xi32>], vector<16xf32>,
        %add3A_332 = arith.constant 96 : i32
        %add3A_333 = vector.broadcast %add3A_332 : i32 to vector<16xi32>
        %add3A_334 = arith.addi %add3A_333, %shift_right_logical3A_6 : vector<16xi32>
        %get3A_335 = arith.index_cast %scan3A_221 : i32 to index
        %get3A_336 = arith.constant 192 : index
        %get3A_337 = tpu.vector_load %arg6[%get3A_335, %get3A_336] {strides = array<i32>} : memref<64x256xf32, #tpu.memory_space<vmem>>, vector<16xf32>,
        tpu.vector_store_idx %arg8[%add3A_334, %add3A_223], %get3A_337 : memref<128x128xf32, #tpu.memory_space<vmem>>[vector<16xi32>, vector<16xi32>], vector<16xf32>,
        %get3A_338 = arith.index_cast %scan3A_221 : i32 to index
        %get3A_339 = arith.constant 192 : index
        %get3A_340 = tpu.vector_load %arg7[%get3A_338, %get3A_339] {strides = array<i32>} : memref<64x256xf32, #tpu.memory_space<vmem>>, vector<16xf32>,
        tpu.vector_store_idx %arg9[%add3A_334, %add3A_223], %get3A_340 : memref<128x128xf32, #tpu.memory_space<vmem>>[vector<16xi32>, vector<16xi32>], vector<16xf32>,
        %add3A_341 = arith.constant 104 : i32
        %add3A_342 = vector.broadcast %add3A_341 : i32 to vector<16xi32>
        %add3A_343 = arith.addi %add3A_342, %shift_right_logical3A_6 : vector<16xi32>
        %get3A_344 = arith.index_cast %scan3A_221 : i32 to index
        %get3A_345 = arith.constant 208 : index
        %get3A_346 = tpu.vector_load %arg6[%get3A_344, %get3A_345] {strides = array<i32>} : memref<64x256xf32, #tpu.memory_space<vmem>>, vector<16xf32>,
        tpu.vector_store_idx %arg8[%add3A_343, %add3A_223], %get3A_346 : memref<128x128xf32, #tpu.memory_space<vmem>>[vector<16xi32>, vector<16xi32>], vector<16xf32>,
        %get3A_347 = arith.index_cast %scan3A_221 : i32 to index
        %get3A_348 = arith.constant 208 : index
        %get3A_349 = tpu.vector_load %arg7[%get3A_347, %get3A_348] {strides = array<i32>} : memref<64x256xf32, #tpu.memory_space<vmem>>, vector<16xf32>,
        tpu.vector_store_idx %arg9[%add3A_343, %add3A_223], %get3A_349 : memref<128x128xf32, #tpu.memory_space<vmem>>[vector<16xi32>, vector<16xi32>], vector<16xf32>,
        %add3A_350 = arith.constant 112 : i32
        %add3A_351 = vector.broadcast %add3A_350 : i32 to vector<16xi32>
        %add3A_352 = arith.addi %add3A_351, %shift_right_logical3A_6 : vector<16xi32>
        %get3A_353 = arith.index_cast %scan3A_221 : i32 to index
        %get3A_354 = arith.constant 224 : index
        %get3A_355 = tpu.vector_load %arg6[%get3A_353, %get3A_354] {strides = array<i32>} : memref<64x256xf32, #tpu.memory_space<vmem>>, vector<16xf32>,
        tpu.vector_store_idx %arg8[%add3A_352, %add3A_223], %get3A_355 : memref<128x128xf32, #tpu.memory_space<vmem>>[vector<16xi32>, vector<16xi32>], vector<16xf32>,
        %get3A_356 = arith.index_cast %scan3A_221 : i32 to index
        %get3A_357 = arith.constant 224 : index
        %get3A_358 = tpu.vector_load %arg7[%get3A_356, %get3A_357] {strides = array<i32>} : memref<64x256xf32, #tpu.memory_space<vmem>>, vector<16xf32>,
        tpu.vector_store_idx %arg9[%add3A_352, %add3A_223], %get3A_358 : memref<128x128xf32, #tpu.memory_space<vmem>>[vector<16xi32>, vector<16xi32>], vector<16xf32>,
        %add3A_359 = arith.constant 120 : i32
        %add3A_360 = vector.broadcast %add3A_359 : i32 to vector<16xi32>
        %add3A_361 = arith.addi %add3A_360, %shift_right_logical3A_6 : vector<16xi32>
        %get3A_362 = arith.index_cast %scan3A_221 : i32 to index
        %get3A_363 = arith.constant 240 : index
        %get3A_364 = tpu.vector_load %arg6[%get3A_362, %get3A_363] {strides = array<i32>} : memref<64x256xf32, #tpu.memory_space<vmem>>, vector<16xf32>,
        tpu.vector_store_idx %arg8[%add3A_361, %add3A_223], %get3A_364 : memref<128x128xf32, #tpu.memory_space<vmem>>[vector<16xi32>, vector<16xi32>], vector<16xf32>,
        %get3A_365 = arith.index_cast %scan3A_221 : i32 to index
        %get3A_366 = arith.constant 240 : index
        %get3A_367 = tpu.vector_load %arg7[%get3A_365, %get3A_366] {strides = array<i32>} : memref<64x256xf32, #tpu.memory_space<vmem>>, vector<16xf32>,
        tpu.vector_store_idx %arg9[%add3A_361, %add3A_223], %get3A_367 : memref<128x128xf32, #tpu.memory_space<vmem>>[vector<16xi32>, vector<16xi32>], vector<16xf32>,
        %scan3A_368 = arith.constant 0 : i32
        %scan3A_369 = arith.constant 2 : i32
        %scan3A_370 = arith.addi %scan3A_72, %scan3A_369 : i32
        %add3A_371 = vector.broadcast %scan3A_370 : i32 to vector<16xi32>
        %add3A_372 = arith.addi %mul3A_11, %add3A_371 : vector<16xi32>
        %add3A_373 = arith.constant 0 : i32
        %add3A_374 = vector.broadcast %add3A_373 : i32 to vector<16xi32>
        %add3A_375 = arith.addi %add3A_374, %shift_right_logical3A_6 : vector<16xi32>
        %get3A_376 = arith.index_cast %scan3A_370 : i32 to index
        %get3A_377 = arith.constant 0 : index
        %get3A_378 = tpu.vector_load %arg6[%get3A_376, %get3A_377] {strides = array<i32>} : memref<64x256xf32, #tpu.memory_space<vmem>>, vector<16xf32>,
        tpu.vector_store_idx %arg8[%add3A_375, %add3A_372], %get3A_378 : memref<128x128xf32, #tpu.memory_space<vmem>>[vector<16xi32>, vector<16xi32>], vector<16xf32>,
        %get3A_379 = arith.index_cast %scan3A_370 : i32 to index
        %get3A_380 = arith.constant 0 : index
        %get3A_381 = tpu.vector_load %arg7[%get3A_379, %get3A_380] {strides = array<i32>} : memref<64x256xf32, #tpu.memory_space<vmem>>, vector<16xf32>,
        tpu.vector_store_idx %arg9[%add3A_375, %add3A_372], %get3A_381 : memref<128x128xf32, #tpu.memory_space<vmem>>[vector<16xi32>, vector<16xi32>], vector<16xf32>,
        %add3A_382 = arith.constant 8 : i32
        %add3A_383 = vector.broadcast %add3A_382 : i32 to vector<16xi32>
        %add3A_384 = arith.addi %add3A_383, %shift_right_logical3A_6 : vector<16xi32>
        %get3A_385 = arith.index_cast %scan3A_370 : i32 to index
        %get3A_386 = arith.constant 16 : index
        %get3A_387 = tpu.vector_load %arg6[%get3A_385, %get3A_386] {strides = array<i32>} : memref<64x256xf32, #tpu.memory_space<vmem>>, vector<16xf32>,
        tpu.vector_store_idx %arg8[%add3A_384, %add3A_372], %get3A_387 : memref<128x128xf32, #tpu.memory_space<vmem>>[vector<16xi32>, vector<16xi32>], vector<16xf32>,
        %get3A_388 = arith.index_cast %scan3A_370 : i32 to index
        %get3A_389 = arith.constant 16 : index
        %get3A_390 = tpu.vector_load %arg7[%get3A_388, %get3A_389] {strides = array<i32>} : memref<64x256xf32, #tpu.memory_space<vmem>>, vector<16xf32>,
        tpu.vector_store_idx %arg9[%add3A_384, %add3A_372], %get3A_390 : memref<128x128xf32, #tpu.memory_space<vmem>>[vector<16xi32>, vector<16xi32>], vector<16xf32>,
        %add3A_391 = arith.constant 16 : i32
        %add3A_392 = vector.broadcast %add3A_391 : i32 to vector<16xi32>
        %add3A_393 = arith.addi %add3A_392, %shift_right_logical3A_6 : vector<16xi32>
        %get3A_394 = arith.index_cast %scan3A_370 : i32 to index
        %get3A_395 = arith.constant 32 : index
        %get3A_396 = tpu.vector_load %arg6[%get3A_394, %get3A_395] {strides = array<i32>} : memref<64x256xf32, #tpu.memory_space<vmem>>, vector<16xf32>,
        tpu.vector_store_idx %arg8[%add3A_393, %add3A_372], %get3A_396 : memref<128x128xf32, #tpu.memory_space<vmem>>[vector<16xi32>, vector<16xi32>], vector<16xf32>,
        %get3A_397 = arith.index_cast %scan3A_370 : i32 to index
        %get3A_398 = arith.constant 32 : index
        %get3A_399 = tpu.vector_load %arg7[%get3A_397, %get3A_398] {strides = array<i32>} : memref<64x256xf32, #tpu.memory_space<vmem>>, vector<16xf32>,
        tpu.vector_store_idx %arg9[%add3A_393, %add3A_372], %get3A_399 : memref<128x128xf32, #tpu.memory_space<vmem>>[vector<16xi32>, vector<16xi32>], vector<16xf32>,
        %add3A_400 = arith.constant 24 : i32
        %add3A_401 = vector.broadcast %add3A_400 : i32 to vector<16xi32>
        %add3A_402 = arith.addi %add3A_401, %shift_right_logical3A_6 : vector<16xi32>
        %get3A_403 = arith.index_cast %scan3A_370 : i32 to index
        %get3A_404 = arith.constant 48 : index
        %get3A_405 = tpu.vector_load %arg6[%get3A_403, %get3A_404] {strides = array<i32>} : memref<64x256xf32, #tpu.memory_space<vmem>>, vector<16xf32>,
        tpu.vector_store_idx %arg8[%add3A_402, %add3A_372], %get3A_405 : memref<128x128xf32, #tpu.memory_space<vmem>>[vector<16xi32>, vector<16xi32>], vector<16xf32>,
        %get3A_406 = arith.index_cast %scan3A_370 : i32 to index
        %get3A_407 = arith.constant 48 : index
        %get3A_408 = tpu.vector_load %arg7[%get3A_406, %get3A_407] {strides = array<i32>} : memref<64x256xf32, #tpu.memory_space<vmem>>, vector<16xf32>,
        tpu.vector_store_idx %arg9[%add3A_402, %add3A_372], %get3A_408 : memref<128x128xf32, #tpu.memory_space<vmem>>[vector<16xi32>, vector<16xi32>], vector<16xf32>,
        %add3A_409 = arith.constant 32 : i32
        %add3A_410 = vector.broadcast %add3A_409 : i32 to vector<16xi32>
        %add3A_411 = arith.addi %add3A_410, %shift_right_logical3A_6 : vector<16xi32>
        %get3A_412 = arith.index_cast %scan3A_370 : i32 to index
        %get3A_413 = arith.constant 64 : index
        %get3A_414 = tpu.vector_load %arg6[%get3A_412, %get3A_413] {strides = array<i32>} : memref<64x256xf32, #tpu.memory_space<vmem>>, vector<16xf32>,
        tpu.vector_store_idx %arg8[%add3A_411, %add3A_372], %get3A_414 : memref<128x128xf32, #tpu.memory_space<vmem>>[vector<16xi32>, vector<16xi32>], vector<16xf32>,
        %get3A_415 = arith.index_cast %scan3A_370 : i32 to index
        %get3A_416 = arith.constant 64 : index
        %get3A_417 = tpu.vector_load %arg7[%get3A_415, %get3A_416] {strides = array<i32>} : memref<64x256xf32, #tpu.memory_space<vmem>>, vector<16xf32>,
        tpu.vector_store_idx %arg9[%add3A_411, %add3A_372], %get3A_417 : memref<128x128xf32, #tpu.memory_space<vmem>>[vector<16xi32>, vector<16xi32>], vector<16xf32>,
        %add3A_418 = arith.constant 40 : i32
        %add3A_419 = vector.broadcast %add3A_418 : i32 to vector<16xi32>
        %add3A_420 = arith.addi %add3A_419, %shift_right_logical3A_6 : vector<16xi32>
        %get3A_421 = arith.index_cast %scan3A_370 : i32 to index
        %get3A_422 = arith.constant 80 : index
        %get3A_423 = tpu.vector_load %arg6[%get3A_421, %get3A_422] {strides = array<i32>} : memref<64x256xf32, #tpu.memory_space<vmem>>, vector<16xf32>,
        tpu.vector_store_idx %arg8[%add3A_420, %add3A_372], %get3A_423 : memref<128x128xf32, #tpu.memory_space<vmem>>[vector<16xi32>, vector<16xi32>], vector<16xf32>,
        %get3A_424 = arith.index_cast %scan3A_370 : i32 to index
        %get3A_425 = arith.constant 80 : index
        %get3A_426 = tpu.vector_load %arg7[%get3A_424, %get3A_425] {strides = array<i32>} : memref<64x256xf32, #tpu.memory_space<vmem>>, vector<16xf32>,
        tpu.vector_store_idx %arg9[%add3A_420, %add3A_372], %get3A_426 : memref<128x128xf32, #tpu.memory_space<vmem>>[vector<16xi32>, vector<16xi32>], vector<16xf32>,
        %add3A_427 = arith.constant 48 : i32
        %add3A_428 = vector.broadcast %add3A_427 : i32 to vector<16xi32>
        %add3A_429 = arith.addi %add3A_428, %shift_right_logical3A_6 : vector<16xi32>
        %get3A_430 = arith.index_cast %scan3A_370 : i32 to index
        %get3A_431 = arith.constant 96 : index
        %get3A_432 = tpu.vector_load %arg6[%get3A_430, %get3A_431] {strides = array<i32>} : memref<64x256xf32, #tpu.memory_space<vmem>>, vector<16xf32>,
        tpu.vector_store_idx %arg8[%add3A_429, %add3A_372], %get3A_432 : memref<128x128xf32, #tpu.memory_space<vmem>>[vector<16xi32>, vector<16xi32>], vector<16xf32>,
        %get3A_433 = arith.index_cast %scan3A_370 : i32 to index
        %get3A_434 = arith.constant 96 : index
        %get3A_435 = tpu.vector_load %arg7[%get3A_433, %get3A_434] {strides = array<i32>} : memref<64x256xf32, #tpu.memory_space<vmem>>, vector<16xf32>,
        tpu.vector_store_idx %arg9[%add3A_429, %add3A_372], %get3A_435 : memref<128x128xf32, #tpu.memory_space<vmem>>[vector<16xi32>, vector<16xi32>], vector<16xf32>,
        %add3A_436 = arith.constant 56 : i32
        %add3A_437 = vector.broadcast %add3A_436 : i32 to vector<16xi32>
        %add3A_438 = arith.addi %add3A_437, %shift_right_logical3A_6 : vector<16xi32>
        %get3A_439 = arith.index_cast %scan3A_370 : i32 to index
        %get3A_440 = arith.constant 112 : index
        %get3A_441 = tpu.vector_load %arg6[%get3A_439, %get3A_440] {strides = array<i32>} : memref<64x256xf32, #tpu.memory_space<vmem>>, vector<16xf32>,
        tpu.vector_store_idx %arg8[%add3A_438, %add3A_372], %get3A_441 : memref<128x128xf32, #tpu.memory_space<vmem>>[vector<16xi32>, vector<16xi32>], vector<16xf32>,
        %get3A_442 = arith.index_cast %scan3A_370 : i32 to index
        %get3A_443 = arith.constant 112 : index
        %get3A_444 = tpu.vector_load %arg7[%get3A_442, %get3A_443] {strides = array<i32>} : memref<64x256xf32, #tpu.memory_space<vmem>>, vector<16xf32>,
        tpu.vector_store_idx %arg9[%add3A_438, %add3A_372], %get3A_444 : memref<128x128xf32, #tpu.memory_space<vmem>>[vector<16xi32>, vector<16xi32>], vector<16xf32>,
        %add3A_445 = arith.constant 64 : i32
        %add3A_446 = vector.broadcast %add3A_445 : i32 to vector<16xi32>
        %add3A_447 = arith.addi %add3A_446, %shift_right_logical3A_6 : vector<16xi32>
        %get3A_448 = arith.index_cast %scan3A_370 : i32 to index
        %get3A_449 = arith.constant 128 : index
        %get3A_450 = tpu.vector_load %arg6[%get3A_448, %get3A_449] {strides = array<i32>} : memref<64x256xf32, #tpu.memory_space<vmem>>, vector<16xf32>,
        tpu.vector_store_idx %arg8[%add3A_447, %add3A_372], %get3A_450 : memref<128x128xf32, #tpu.memory_space<vmem>>[vector<16xi32>, vector<16xi32>], vector<16xf32>,
        %get3A_451 = arith.index_cast %scan3A_370 : i32 to index
        %get3A_452 = arith.constant 128 : index
        %get3A_453 = tpu.vector_load %arg7[%get3A_451, %get3A_452] {strides = array<i32>} : memref<64x256xf32, #tpu.memory_space<vmem>>, vector<16xf32>,
        tpu.vector_store_idx %arg9[%add3A_447, %add3A_372], %get3A_453 : memref<128x128xf32, #tpu.memory_space<vmem>>[vector<16xi32>, vector<16xi32>], vector<16xf32>,
        %add3A_454 = arith.constant 72 : i32
        %add3A_455 = vector.broadcast %add3A_454 : i32 to vector<16xi32>
        %add3A_456 = arith.addi %add3A_455, %shift_right_logical3A_6 : vector<16xi32>
        %get3A_457 = arith.index_cast %scan3A_370 : i32 to index
        %get3A_458 = arith.constant 144 : index
        %get3A_459 = tpu.vector_load %arg6[%get3A_457, %get3A_458] {strides = array<i32>} : memref<64x256xf32, #tpu.memory_space<vmem>>, vector<16xf32>,
        tpu.vector_store_idx %arg8[%add3A_456, %add3A_372], %get3A_459 : memref<128x128xf32, #tpu.memory_space<vmem>>[vector<16xi32>, vector<16xi32>], vector<16xf32>,
        %get3A_460 = arith.index_cast %scan3A_370 : i32 to index
        %get3A_461 = arith.constant 144 : index
        %get3A_462 = tpu.vector_load %arg7[%get3A_460, %get3A_461] {strides = array<i32>} : memref<64x256xf32, #tpu.memory_space<vmem>>, vector<16xf32>,
        tpu.vector_store_idx %arg9[%add3A_456, %add3A_372], %get3A_462 : memref<128x128xf32, #tpu.memory_space<vmem>>[vector<16xi32>, vector<16xi32>], vector<16xf32>,
        %add3A_463 = arith.constant 80 : i32
        %add3A_464 = vector.broadcast %add3A_463 : i32 to vector<16xi32>
        %add3A_465 = arith.addi %add3A_464, %shift_right_logical3A_6 : vector<16xi32>
        %get3A_466 = arith.index_cast %scan3A_370 : i32 to index
        %get3A_467 = arith.constant 160 : index
        %get3A_468 = tpu.vector_load %arg6[%get3A_466, %get3A_467] {strides = array<i32>} : memref<64x256xf32, #tpu.memory_space<vmem>>, vector<16xf32>,
        tpu.vector_store_idx %arg8[%add3A_465, %add3A_372], %get3A_468 : memref<128x128xf32, #tpu.memory_space<vmem>>[vector<16xi32>, vector<16xi32>], vector<16xf32>,
        %get3A_469 = arith.index_cast %scan3A_370 : i32 to index
        %get3A_470 = arith.constant 160 : index
        %get3A_471 = tpu.vector_load %arg7[%get3A_469, %get3A_470] {strides = array<i32>} : memref<64x256xf32, #tpu.memory_space<vmem>>, vector<16xf32>,
        tpu.vector_store_idx %arg9[%add3A_465, %add3A_372], %get3A_471 : memref<128x128xf32, #tpu.memory_space<vmem>>[vector<16xi32>, vector<16xi32>], vector<16xf32>,
        %add3A_472 = arith.constant 88 : i32
        %add3A_473 = vector.broadcast %add3A_472 : i32 to vector<16xi32>
        %add3A_474 = arith.addi %add3A_473, %shift_right_logical3A_6 : vector<16xi32>
        %get3A_475 = arith.index_cast %scan3A_370 : i32 to index
        %get3A_476 = arith.constant 176 : index
        %get3A_477 = tpu.vector_load %arg6[%get3A_475, %get3A_476] {strides = array<i32>} : memref<64x256xf32, #tpu.memory_space<vmem>>, vector<16xf32>,
        tpu.vector_store_idx %arg8[%add3A_474, %add3A_372], %get3A_477 : memref<128x128xf32, #tpu.memory_space<vmem>>[vector<16xi32>, vector<16xi32>], vector<16xf32>,
        %get3A_478 = arith.index_cast %scan3A_370 : i32 to index
        %get3A_479 = arith.constant 176 : index
        %get3A_480 = tpu.vector_load %arg7[%get3A_478, %get3A_479] {strides = array<i32>} : memref<64x256xf32, #tpu.memory_space<vmem>>, vector<16xf32>,
        tpu.vector_store_idx %arg9[%add3A_474, %add3A_372], %get3A_480 : memref<128x128xf32, #tpu.memory_space<vmem>>[vector<16xi32>, vector<16xi32>], vector<16xf32>,
        %add3A_481 = arith.constant 96 : i32
        %add3A_482 = vector.broadcast %add3A_481 : i32 to vector<16xi32>
        %add3A_483 = arith.addi %add3A_482, %shift_right_logical3A_6 : vector<16xi32>
        %get3A_484 = arith.index_cast %scan3A_370 : i32 to index
        %get3A_485 = arith.constant 192 : index
        %get3A_486 = tpu.vector_load %arg6[%get3A_484, %get3A_485] {strides = array<i32>} : memref<64x256xf32, #tpu.memory_space<vmem>>, vector<16xf32>,
        tpu.vector_store_idx %arg8[%add3A_483, %add3A_372], %get3A_486 : memref<128x128xf32, #tpu.memory_space<vmem>>[vector<16xi32>, vector<16xi32>], vector<16xf32>,
        %get3A_487 = arith.index_cast %scan3A_370 : i32 to index
        %get3A_488 = arith.constant 192 : index
        %get3A_489 = tpu.vector_load %arg7[%get3A_487, %get3A_488] {strides = array<i32>} : memref<64x256xf32, #tpu.memory_space<vmem>>, vector<16xf32>,
        tpu.vector_store_idx %arg9[%add3A_483, %add3A_372], %get3A_489 : memref<128x128xf32, #tpu.memory_space<vmem>>[vector<16xi32>, vector<16xi32>], vector<16xf32>,
        %add3A_490 = arith.constant 104 : i32
        %add3A_491 = vector.broadcast %add3A_490 : i32 to vector<16xi32>
        %add3A_492 = arith.addi %add3A_491, %shift_right_logical3A_6 : vector<16xi32>
        %get3A_493 = arith.index_cast %scan3A_370 : i32 to index
        %get3A_494 = arith.constant 208 : index
        %get3A_495 = tpu.vector_load %arg6[%get3A_493, %get3A_494] {strides = array<i32>} : memref<64x256xf32, #tpu.memory_space<vmem>>, vector<16xf32>,
        tpu.vector_store_idx %arg8[%add3A_492, %add3A_372], %get3A_495 : memref<128x128xf32, #tpu.memory_space<vmem>>[vector<16xi32>, vector<16xi32>], vector<16xf32>,
        %get3A_496 = arith.index_cast %scan3A_370 : i32 to index
        %get3A_497 = arith.constant 208 : index
        %get3A_498 = tpu.vector_load %arg7[%get3A_496, %get3A_497] {strides = array<i32>} : memref<64x256xf32, #tpu.memory_space<vmem>>, vector<16xf32>,
        tpu.vector_store_idx %arg9[%add3A_492, %add3A_372], %get3A_498 : memref<128x128xf32, #tpu.memory_space<vmem>>[vector<16xi32>, vector<16xi32>], vector<16xf32>,
        %add3A_499 = arith.constant 112 : i32
        %add3A_500 = vector.broadcast %add3A_499 : i32 to vector<16xi32>
        %add3A_501 = arith.addi %add3A_500, %shift_right_logical3A_6 : vector<16xi32>
        %get3A_502 = arith.index_cast %scan3A_370 : i32 to index
        %get3A_503 = arith.constant 224 : index
        %get3A_504 = tpu.vector_load %arg6[%get3A_502, %get3A_503] {strides = array<i32>} : memref<64x256xf32, #tpu.memory_space<vmem>>, vector<16xf32>,
        tpu.vector_store_idx %arg8[%add3A_501, %add3A_372], %get3A_504 : memref<128x128xf32, #tpu.memory_space<vmem>>[vector<16xi32>, vector<16xi32>], vector<16xf32>,
        %get3A_505 = arith.index_cast %scan3A_370 : i32 to index
        %get3A_506 = arith.constant 224 : index
        %get3A_507 = tpu.vector_load %arg7[%get3A_505, %get3A_506] {strides = array<i32>} : memref<64x256xf32, #tpu.memory_space<vmem>>, vector<16xf32>,
        tpu.vector_store_idx %arg9[%add3A_501, %add3A_372], %get3A_507 : memref<128x128xf32, #tpu.memory_space<vmem>>[vector<16xi32>, vector<16xi32>], vector<16xf32>,
        %add3A_508 = arith.constant 120 : i32
        %add3A_509 = vector.broadcast %add3A_508 : i32 to vector<16xi32>
        %add3A_510 = arith.addi %add3A_509, %shift_right_logical3A_6 : vector<16xi32>
        %get3A_511 = arith.index_cast %scan3A_370 : i32 to index
        %get3A_512 = arith.constant 240 : index
        %get3A_513 = tpu.vector_load %arg6[%get3A_511, %get3A_512] {strides = array<i32>} : memref<64x256xf32, #tpu.memory_space<vmem>>, vector<16xf32>,
        tpu.vector_store_idx %arg8[%add3A_510, %add3A_372], %get3A_513 : memref<128x128xf32, #tpu.memory_space<vmem>>[vector<16xi32>, vector<16xi32>], vector<16xf32>,
        %get3A_514 = arith.index_cast %scan3A_370 : i32 to index
        %get3A_515 = arith.constant 240 : index
        %get3A_516 = tpu.vector_load %arg7[%get3A_514, %get3A_515] {strides = array<i32>} : memref<64x256xf32, #tpu.memory_space<vmem>>, vector<16xf32>,
        tpu.vector_store_idx %arg9[%add3A_510, %add3A_372], %get3A_516 : memref<128x128xf32, #tpu.memory_space<vmem>>[vector<16xi32>, vector<16xi32>], vector<16xf32>,
        %scan3A_517 = arith.constant 0 : i32
        %scan3A_518 = arith.constant 3 : i32
        %scan3A_519 = arith.addi %scan3A_72, %scan3A_518 : i32
        %add3A_520 = vector.broadcast %scan3A_519 : i32 to vector<16xi32>
        %add3A_521 = arith.addi %mul3A_11, %add3A_520 : vector<16xi32>
        %add3A_522 = arith.constant 0 : i32
        %add3A_523 = vector.broadcast %add3A_522 : i32 to vector<16xi32>
        %add3A_524 = arith.addi %add3A_523, %shift_right_logical3A_6 : vector<16xi32>
        %get3A_525 = arith.index_cast %scan3A_519 : i32 to index
        %get3A_526 = arith.constant 0 : index
        %get3A_527 = tpu.vector_load %arg6[%get3A_525, %get3A_526] {strides = array<i32>} : memref<64x256xf32, #tpu.memory_space<vmem>>, vector<16xf32>,
        tpu.vector_store_idx %arg8[%add3A_524, %add3A_521], %get3A_527 : memref<128x128xf32, #tpu.memory_space<vmem>>[vector<16xi32>, vector<16xi32>], vector<16xf32>,
        %get3A_528 = arith.index_cast %scan3A_519 : i32 to index
        %get3A_529 = arith.constant 0 : index
        %get3A_530 = tpu.vector_load %arg7[%get3A_528, %get3A_529] {strides = array<i32>} : memref<64x256xf32, #tpu.memory_space<vmem>>, vector<16xf32>,
        tpu.vector_store_idx %arg9[%add3A_524, %add3A_521], %get3A_530 : memref<128x128xf32, #tpu.memory_space<vmem>>[vector<16xi32>, vector<16xi32>], vector<16xf32>,
        %add3A_531 = arith.constant 8 : i32
        %add3A_532 = vector.broadcast %add3A_531 : i32 to vector<16xi32>
        %add3A_533 = arith.addi %add3A_532, %shift_right_logical3A_6 : vector<16xi32>
        %get3A_534 = arith.index_cast %scan3A_519 : i32 to index
        %get3A_535 = arith.constant 16 : index
        %get3A_536 = tpu.vector_load %arg6[%get3A_534, %get3A_535] {strides = array<i32>} : memref<64x256xf32, #tpu.memory_space<vmem>>, vector<16xf32>,
        tpu.vector_store_idx %arg8[%add3A_533, %add3A_521], %get3A_536 : memref<128x128xf32, #tpu.memory_space<vmem>>[vector<16xi32>, vector<16xi32>], vector<16xf32>,
        %get3A_537 = arith.index_cast %scan3A_519 : i32 to index
        %get3A_538 = arith.constant 16 : index
        %get3A_539 = tpu.vector_load %arg7[%get3A_537, %get3A_538] {strides = array<i32>} : memref<64x256xf32, #tpu.memory_space<vmem>>, vector<16xf32>,
        tpu.vector_store_idx %arg9[%add3A_533, %add3A_521], %get3A_539 : memref<128x128xf32, #tpu.memory_space<vmem>>[vector<16xi32>, vector<16xi32>], vector<16xf32>,
        %add3A_540 = arith.constant 16 : i32
        %add3A_541 = vector.broadcast %add3A_540 : i32 to vector<16xi32>
        %add3A_542 = arith.addi %add3A_541, %shift_right_logical3A_6 : vector<16xi32>
        %get3A_543 = arith.index_cast %scan3A_519 : i32 to index
        %get3A_544 = arith.constant 32 : index
        %get3A_545 = tpu.vector_load %arg6[%get3A_543, %get3A_544] {strides = array<i32>} : memref<64x256xf32, #tpu.memory_space<vmem>>, vector<16xf32>,
        tpu.vector_store_idx %arg8[%add3A_542, %add3A_521], %get3A_545 : memref<128x128xf32, #tpu.memory_space<vmem>>[vector<16xi32>, vector<16xi32>], vector<16xf32>,
        %get3A_546 = arith.index_cast %scan3A_519 : i32 to index
        %get3A_547 = arith.constant 32 : index
        %get3A_548 = tpu.vector_load %arg7[%get3A_546, %get3A_547] {strides = array<i32>} : memref<64x256xf32, #tpu.memory_space<vmem>>, vector<16xf32>,
        tpu.vector_store_idx %arg9[%add3A_542, %add3A_521], %get3A_548 : memref<128x128xf32, #tpu.memory_space<vmem>>[vector<16xi32>, vector<16xi32>], vector<16xf32>,
        %add3A_549 = arith.constant 24 : i32
        %add3A_550 = vector.broadcast %add3A_549 : i32 to vector<16xi32>
        %add3A_551 = arith.addi %add3A_550, %shift_right_logical3A_6 : vector<16xi32>
        %get3A_552 = arith.index_cast %scan3A_519 : i32 to index
        %get3A_553 = arith.constant 48 : index
        %get3A_554 = tpu.vector_load %arg6[%get3A_552, %get3A_553] {strides = array<i32>} : memref<64x256xf32, #tpu.memory_space<vmem>>, vector<16xf32>,
        tpu.vector_store_idx %arg8[%add3A_551, %add3A_521], %get3A_554 : memref<128x128xf32, #tpu.memory_space<vmem>>[vector<16xi32>, vector<16xi32>], vector<16xf32>,
        %get3A_555 = arith.index_cast %scan3A_519 : i32 to index
        %get3A_556 = arith.constant 48 : index
        %get3A_557 = tpu.vector_load %arg7[%get3A_555, %get3A_556] {strides = array<i32>} : memref<64x256xf32, #tpu.memory_space<vmem>>, vector<16xf32>,
        tpu.vector_store_idx %arg9[%add3A_551, %add3A_521], %get3A_557 : memref<128x128xf32, #tpu.memory_space<vmem>>[vector<16xi32>, vector<16xi32>], vector<16xf32>,
        %add3A_558 = arith.constant 32 : i32
        %add3A_559 = vector.broadcast %add3A_558 : i32 to vector<16xi32>
        %add3A_560 = arith.addi %add3A_559, %shift_right_logical3A_6 : vector<16xi32>
        %get3A_561 = arith.index_cast %scan3A_519 : i32 to index
        %get3A_562 = arith.constant 64 : index
        %get3A_563 = tpu.vector_load %arg6[%get3A_561, %get3A_562] {strides = array<i32>} : memref<64x256xf32, #tpu.memory_space<vmem>>, vector<16xf32>,
        tpu.vector_store_idx %arg8[%add3A_560, %add3A_521], %get3A_563 : memref<128x128xf32, #tpu.memory_space<vmem>>[vector<16xi32>, vector<16xi32>], vector<16xf32>,
        %get3A_564 = arith.index_cast %scan3A_519 : i32 to index
        %get3A_565 = arith.constant 64 : index
        %get3A_566 = tpu.vector_load %arg7[%get3A_564, %get3A_565] {strides = array<i32>} : memref<64x256xf32, #tpu.memory_space<vmem>>, vector<16xf32>,
        tpu.vector_store_idx %arg9[%add3A_560, %add3A_521], %get3A_566 : memref<128x128xf32, #tpu.memory_space<vmem>>[vector<16xi32>, vector<16xi32>], vector<16xf32>,
        %add3A_567 = arith.constant 40 : i32
        %add3A_568 = vector.broadcast %add3A_567 : i32 to vector<16xi32>
        %add3A_569 = arith.addi %add3A_568, %shift_right_logical3A_6 : vector<16xi32>
        %get3A_570 = arith.index_cast %scan3A_519 : i32 to index
        %get3A_571 = arith.constant 80 : index
        %get3A_572 = tpu.vector_load %arg6[%get3A_570, %get3A_571] {strides = array<i32>} : memref<64x256xf32, #tpu.memory_space<vmem>>, vector<16xf32>,
        tpu.vector_store_idx %arg8[%add3A_569, %add3A_521], %get3A_572 : memref<128x128xf32, #tpu.memory_space<vmem>>[vector<16xi32>, vector<16xi32>], vector<16xf32>,
        %get3A_573 = arith.index_cast %scan3A_519 : i32 to index
        %get3A_574 = arith.constant 80 : index
        %get3A_575 = tpu.vector_load %arg7[%get3A_573, %get3A_574] {strides = array<i32>} : memref<64x256xf32, #tpu.memory_space<vmem>>, vector<16xf32>,
        tpu.vector_store_idx %arg9[%add3A_569, %add3A_521], %get3A_575 : memref<128x128xf32, #tpu.memory_space<vmem>>[vector<16xi32>, vector<16xi32>], vector<16xf32>,
        %add3A_576 = arith.constant 48 : i32
        %add3A_577 = vector.broadcast %add3A_576 : i32 to vector<16xi32>
        %add3A_578 = arith.addi %add3A_577, %shift_right_logical3A_6 : vector<16xi32>
        %get3A_579 = arith.index_cast %scan3A_519 : i32 to index
        %get3A_580 = arith.constant 96 : index
        %get3A_581 = tpu.vector_load %arg6[%get3A_579, %get3A_580] {strides = array<i32>} : memref<64x256xf32, #tpu.memory_space<vmem>>, vector<16xf32>,
        tpu.vector_store_idx %arg8[%add3A_578, %add3A_521], %get3A_581 : memref<128x128xf32, #tpu.memory_space<vmem>>[vector<16xi32>, vector<16xi32>], vector<16xf32>,
        %get3A_582 = arith.index_cast %scan3A_519 : i32 to index
        %get3A_583 = arith.constant 96 : index
        %get3A_584 = tpu.vector_load %arg7[%get3A_582, %get3A_583] {strides = array<i32>} : memref<64x256xf32, #tpu.memory_space<vmem>>, vector<16xf32>,
        tpu.vector_store_idx %arg9[%add3A_578, %add3A_521], %get3A_584 : memref<128x128xf32, #tpu.memory_space<vmem>>[vector<16xi32>, vector<16xi32>], vector<16xf32>,
        %add3A_585 = arith.constant 56 : i32
        %add3A_586 = vector.broadcast %add3A_585 : i32 to vector<16xi32>
        %add3A_587 = arith.addi %add3A_586, %shift_right_logical3A_6 : vector<16xi32>
        %get3A_588 = arith.index_cast %scan3A_519 : i32 to index
        %get3A_589 = arith.constant 112 : index
        %get3A_590 = tpu.vector_load %arg6[%get3A_588, %get3A_589] {strides = array<i32>} : memref<64x256xf32, #tpu.memory_space<vmem>>, vector<16xf32>,
        tpu.vector_store_idx %arg8[%add3A_587, %add3A_521], %get3A_590 : memref<128x128xf32, #tpu.memory_space<vmem>>[vector<16xi32>, vector<16xi32>], vector<16xf32>,
        %get3A_591 = arith.index_cast %scan3A_519 : i32 to index
        %get3A_592 = arith.constant 112 : index
        %get3A_593 = tpu.vector_load %arg7[%get3A_591, %get3A_592] {strides = array<i32>} : memref<64x256xf32, #tpu.memory_space<vmem>>, vector<16xf32>,
        tpu.vector_store_idx %arg9[%add3A_587, %add3A_521], %get3A_593 : memref<128x128xf32, #tpu.memory_space<vmem>>[vector<16xi32>, vector<16xi32>], vector<16xf32>,
        %add3A_594 = arith.constant 64 : i32
        %add3A_595 = vector.broadcast %add3A_594 : i32 to vector<16xi32>
        %add3A_596 = arith.addi %add3A_595, %shift_right_logical3A_6 : vector<16xi32>
        %get3A_597 = arith.index_cast %scan3A_519 : i32 to index
        %get3A_598 = arith.constant 128 : index
        %get3A_599 = tpu.vector_load %arg6[%get3A_597, %get3A_598] {strides = array<i32>} : memref<64x256xf32, #tpu.memory_space<vmem>>, vector<16xf32>,
        tpu.vector_store_idx %arg8[%add3A_596, %add3A_521], %get3A_599 : memref<128x128xf32, #tpu.memory_space<vmem>>[vector<16xi32>, vector<16xi32>], vector<16xf32>,
        %get3A_600 = arith.index_cast %scan3A_519 : i32 to index
        %get3A_601 = arith.constant 128 : index
        %get3A_602 = tpu.vector_load %arg7[%get3A_600, %get3A_601] {strides = array<i32>} : memref<64x256xf32, #tpu.memory_space<vmem>>, vector<16xf32>,
        tpu.vector_store_idx %arg9[%add3A_596, %add3A_521], %get3A_602 : memref<128x128xf32, #tpu.memory_space<vmem>>[vector<16xi32>, vector<16xi32>], vector<16xf32>,
        %add3A_603 = arith.constant 72 : i32
        %add3A_604 = vector.broadcast %add3A_603 : i32 to vector<16xi32>
        %add3A_605 = arith.addi %add3A_604, %shift_right_logical3A_6 : vector<16xi32>
        %get3A_606 = arith.index_cast %scan3A_519 : i32 to index
        %get3A_607 = arith.constant 144 : index
        %get3A_608 = tpu.vector_load %arg6[%get3A_606, %get3A_607] {strides = array<i32>} : memref<64x256xf32, #tpu.memory_space<vmem>>, vector<16xf32>,
        tpu.vector_store_idx %arg8[%add3A_605, %add3A_521], %get3A_608 : memref<128x128xf32, #tpu.memory_space<vmem>>[vector<16xi32>, vector<16xi32>], vector<16xf32>,
        %get3A_609 = arith.index_cast %scan3A_519 : i32 to index
        %get3A_610 = arith.constant 144 : index
        %get3A_611 = tpu.vector_load %arg7[%get3A_609, %get3A_610] {strides = array<i32>} : memref<64x256xf32, #tpu.memory_space<vmem>>, vector<16xf32>,
        tpu.vector_store_idx %arg9[%add3A_605, %add3A_521], %get3A_611 : memref<128x128xf32, #tpu.memory_space<vmem>>[vector<16xi32>, vector<16xi32>], vector<16xf32>,
        %add3A_612 = arith.constant 80 : i32
        %add3A_613 = vector.broadcast %add3A_612 : i32 to vector<16xi32>
        %add3A_614 = arith.addi %add3A_613, %shift_right_logical3A_6 : vector<16xi32>
        %get3A_615 = arith.index_cast %scan3A_519 : i32 to index
        %get3A_616 = arith.constant 160 : index
        %get3A_617 = tpu.vector_load %arg6[%get3A_615, %get3A_616] {strides = array<i32>} : memref<64x256xf32, #tpu.memory_space<vmem>>, vector<16xf32>,
        tpu.vector_store_idx %arg8[%add3A_614, %add3A_521], %get3A_617 : memref<128x128xf32, #tpu.memory_space<vmem>>[vector<16xi32>, vector<16xi32>], vector<16xf32>,
        %get3A_618 = arith.index_cast %scan3A_519 : i32 to index
        %get3A_619 = arith.constant 160 : index
        %get3A_620 = tpu.vector_load %arg7[%get3A_618, %get3A_619] {strides = array<i32>} : memref<64x256xf32, #tpu.memory_space<vmem>>, vector<16xf32>,
        tpu.vector_store_idx %arg9[%add3A_614, %add3A_521], %get3A_620 : memref<128x128xf32, #tpu.memory_space<vmem>>[vector<16xi32>, vector<16xi32>], vector<16xf32>,
        %add3A_621 = arith.constant 88 : i32
        %add3A_622 = vector.broadcast %add3A_621 : i32 to vector<16xi32>
        %add3A_623 = arith.addi %add3A_622, %shift_right_logical3A_6 : vector<16xi32>
        %get3A_624 = arith.index_cast %scan3A_519 : i32 to index
        %get3A_625 = arith.constant 176 : index
        %get3A_626 = tpu.vector_load %arg6[%get3A_624, %get3A_625] {strides = array<i32>} : memref<64x256xf32, #tpu.memory_space<vmem>>, vector<16xf32>,
        tpu.vector_store_idx %arg8[%add3A_623, %add3A_521], %get3A_626 : memref<128x128xf32, #tpu.memory_space<vmem>>[vector<16xi32>, vector<16xi32>], vector<16xf32>,
        %get3A_627 = arith.index_cast %scan3A_519 : i32 to index
        %get3A_628 = arith.constant 176 : index
        %get3A_629 = tpu.vector_load %arg7[%get3A_627, %get3A_628] {strides = array<i32>} : memref<64x256xf32, #tpu.memory_space<vmem>>, vector<16xf32>,
        tpu.vector_store_idx %arg9[%add3A_623, %add3A_521], %get3A_629 : memref<128x128xf32, #tpu.memory_space<vmem>>[vector<16xi32>, vector<16xi32>], vector<16xf32>,
        %add3A_630 = arith.constant 96 : i32
        %add3A_631 = vector.broadcast %add3A_630 : i32 to vector<16xi32>
        %add3A_632 = arith.addi %add3A_631, %shift_right_logical3A_6 : vector<16xi32>
        %get3A_633 = arith.index_cast %scan3A_519 : i32 to index
        %get3A_634 = arith.constant 192 : index
        %get3A_635 = tpu.vector_load %arg6[%get3A_633, %get3A_634] {strides = array<i32>} : memref<64x256xf32, #tpu.memory_space<vmem>>, vector<16xf32>,
        tpu.vector_store_idx %arg8[%add3A_632, %add3A_521], %get3A_635 : memref<128x128xf32, #tpu.memory_space<vmem>>[vector<16xi32>, vector<16xi32>], vector<16xf32>,
        %get3A_636 = arith.index_cast %scan3A_519 : i32 to index
        %get3A_637 = arith.constant 192 : index
        %get3A_638 = tpu.vector_load %arg7[%get3A_636, %get3A_637] {strides = array<i32>} : memref<64x256xf32, #tpu.memory_space<vmem>>, vector<16xf32>,
        tpu.vector_store_idx %arg9[%add3A_632, %add3A_521], %get3A_638 : memref<128x128xf32, #tpu.memory_space<vmem>>[vector<16xi32>, vector<16xi32>], vector<16xf32>,
        %add3A_639 = arith.constant 104 : i32
        %add3A_640 = vector.broadcast %add3A_639 : i32 to vector<16xi32>
        %add3A_641 = arith.addi %add3A_640, %shift_right_logical3A_6 : vector<16xi32>
        %get3A_642 = arith.index_cast %scan3A_519 : i32 to index
        %get3A_643 = arith.constant 208 : index
        %get3A_644 = tpu.vector_load %arg6[%get3A_642, %get3A_643] {strides = array<i32>} : memref<64x256xf32, #tpu.memory_space<vmem>>, vector<16xf32>,
        tpu.vector_store_idx %arg8[%add3A_641, %add3A_521], %get3A_644 : memref<128x128xf32, #tpu.memory_space<vmem>>[vector<16xi32>, vector<16xi32>], vector<16xf32>,
        %get3A_645 = arith.index_cast %scan3A_519 : i32 to index
        %get3A_646 = arith.constant 208 : index
        %get3A_647 = tpu.vector_load %arg7[%get3A_645, %get3A_646] {strides = array<i32>} : memref<64x256xf32, #tpu.memory_space<vmem>>, vector<16xf32>,
        tpu.vector_store_idx %arg9[%add3A_641, %add3A_521], %get3A_647 : memref<128x128xf32, #tpu.memory_space<vmem>>[vector<16xi32>, vector<16xi32>], vector<16xf32>,
        %add3A_648 = arith.constant 112 : i32
        %add3A_649 = vector.broadcast %add3A_648 : i32 to vector<16xi32>
        %add3A_650 = arith.addi %add3A_649, %shift_right_logical3A_6 : vector<16xi32>
        %get3A_651 = arith.index_cast %scan3A_519 : i32 to index
        %get3A_652 = arith.constant 224 : index
        %get3A_653 = tpu.vector_load %arg6[%get3A_651, %get3A_652] {strides = array<i32>} : memref<64x256xf32, #tpu.memory_space<vmem>>, vector<16xf32>,
        tpu.vector_store_idx %arg8[%add3A_650, %add3A_521], %get3A_653 : memref<128x128xf32, #tpu.memory_space<vmem>>[vector<16xi32>, vector<16xi32>], vector<16xf32>,
        %get3A_654 = arith.index_cast %scan3A_519 : i32 to index
        %get3A_655 = arith.constant 224 : index
        %get3A_656 = tpu.vector_load %arg7[%get3A_654, %get3A_655] {strides = array<i32>} : memref<64x256xf32, #tpu.memory_space<vmem>>, vector<16xf32>,
        tpu.vector_store_idx %arg9[%add3A_650, %add3A_521], %get3A_656 : memref<128x128xf32, #tpu.memory_space<vmem>>[vector<16xi32>, vector<16xi32>], vector<16xf32>,
        %add3A_657 = arith.constant 120 : i32
        %add3A_658 = vector.broadcast %add3A_657 : i32 to vector<16xi32>
        %add3A_659 = arith.addi %add3A_658, %shift_right_logical3A_6 : vector<16xi32>
        %get3A_660 = arith.index_cast %scan3A_519 : i32 to index
        %get3A_661 = arith.constant 240 : index
        %get3A_662 = tpu.vector_load %arg6[%get3A_660, %get3A_661] {strides = array<i32>} : memref<64x256xf32, #tpu.memory_space<vmem>>, vector<16xf32>,
        tpu.vector_store_idx %arg8[%add3A_659, %add3A_521], %get3A_662 : memref<128x128xf32, #tpu.memory_space<vmem>>[vector<16xi32>, vector<16xi32>], vector<16xf32>,
        %get3A_663 = arith.index_cast %scan3A_519 : i32 to index
        %get3A_664 = arith.constant 240 : index
        %get3A_665 = tpu.vector_load %arg7[%get3A_663, %get3A_664] {strides = array<i32>} : memref<64x256xf32, #tpu.memory_space<vmem>>, vector<16xf32>,
        tpu.vector_store_idx %arg9[%add3A_659, %add3A_521], %get3A_665 : memref<128x128xf32, #tpu.memory_space<vmem>>[vector<16xi32>, vector<16xi32>], vector<16xf32>,
        %scan3A_666 = arith.constant 0 : i32
        scf.yield %scan3A_666 : i32
      }
      %scan3A_54 = arith.constant 64 : i32
      %mul3A_55 = arith.constant 128 : i32
      %mul3A_56 = arith.muli %add3A_32, %mul3A_55 : i32
      %dma_start3A = arith.constant 0 : i32
      %dma_start3A_57 = tpu.memref_slice %arg4[%mul3A_56, %dma_start3A] : memref<500000x128xf32, #tpu.memory_space<hbm>> -> memref<128x128xf32, #tpu.memory_space<hbm>>
      %dma_start3A_58 = arith.constant 0 : i32
      %dma_start3A_59 = tpu.memref_slice %arg4[%mul3A_56, %dma_start3A_58] : memref<500000x128xf32, #tpu.memory_space<hbm>> -> memref<128x128xf32, #tpu.memory_space<hbm>>
      tpu.enqueue_dma source(%arg8 : memref<128x128xf32, #tpu.memory_space<vmem>>) target(%dma_start3A_59 : memref<128x128xf32, #tpu.memory_space<hbm>>) target_semaphore(%arg11 : memref<!tpu.dma_semaphore, #tpu.memory_space<semaphore_mem>>)
      %mul3A_60 = arith.constant 128 : i32
      %mul3A_61 = arith.muli %add3A_32, %mul3A_60 : i32
      %dma_start3A_62 = arith.constant 0 : i32
      %dma_start3A_63 = tpu.memref_slice %arg5[%mul3A_61, %dma_start3A_62] : memref<500000x128xf32, #tpu.memory_space<hbm>> -> memref<128x128xf32, #tpu.memory_space<hbm>>
      %dma_start3A_64 = arith.constant 0 : i32
      %dma_start3A_65 = tpu.memref_slice %arg5[%mul3A_61, %dma_start3A_64] : memref<500000x128xf32, #tpu.memory_space<hbm>> -> memref<128x128xf32, #tpu.memory_space<hbm>>
      tpu.enqueue_dma source(%arg9 : memref<128x128xf32, #tpu.memory_space<vmem>>) target(%dma_start3A_65 : memref<128x128xf32, #tpu.memory_space<hbm>>) target_semaphore(%arg11 : memref<!tpu.dma_semaphore, #tpu.memory_space<semaphore_mem>>)
      %add3A_66 = arith.constant 1 : i32
      %add3A_67 = arith.addi %while3A_30, %add3A_66 : i32
      %lt3A = arith.cmpi slt, %add3A_67, %min3A : i32
      %convert_element_type3A_68 = arith.extui %lt3A : i1 to i32
      %cond3A_69 = arith.constant 0 : i32
      %cond3A_70 = arith.cmpi ne, %convert_element_type3A_68, %cond3A_69 : i32
      scf.if %cond3A_70 {
        %add3A_72 = arith.constant 1 : i32
        %add3A_73 = arith.addi %add3A_32, %add3A_72 : i32
        %mul3A_74 = arith.constant 256 : i32
        %mul3A_75 = arith.muli %add3A_73, %mul3A_74 : i32
        %dma_start3A_76 = arith.constant 0 : i32
        %dma_start3A_77 = tpu.memref_slice %arg2[%dma_start3A_76, %mul3A_75] : memref<64x1000000xf32, #tpu.memory_space<hbm>> -> memref<64x256xf32, #tpu.memory_space<hbm>>
        %dma_start3A_78 = arith.constant 0 : i32
        %dma_start3A_79 = tpu.memref_slice %arg2[%dma_start3A_78, %mul3A_75] : memref<64x1000000xf32, #tpu.memory_space<hbm>> -> memref<64x256xf32, #tpu.memory_space<hbm>>
        tpu.enqueue_dma source(%dma_start3A_79 : memref<64x256xf32, #tpu.memory_space<hbm>>) target(%arg6 : memref<64x256xf32, #tpu.memory_space<vmem>>) target_semaphore(%arg10 : memref<!tpu.dma_semaphore, #tpu.memory_space<semaphore_mem>>)
        %mul3A_80 = arith.constant 256 : i32
        %mul3A_81 = arith.muli %add3A_73, %mul3A_80 : i32
        %dma_start3A_82 = arith.constant 0 : i32
        %dma_start3A_83 = tpu.memref_slice %arg3[%dma_start3A_82, %mul3A_81] : memref<64x1000000xf32, #tpu.memory_space<hbm>> -> memref<64x256xf32, #tpu.memory_space<hbm>>
        %dma_start3A_84 = arith.constant 0 : i32
        %dma_start3A_85 = tpu.memref_slice %arg3[%dma_start3A_84, %mul3A_81] : memref<64x1000000xf32, #tpu.memory_space<hbm>> -> memref<64x256xf32, #tpu.memory_space<hbm>>
        tpu.enqueue_dma source(%dma_start3A_85 : memref<64x256xf32, #tpu.memory_space<hbm>>) target(%arg7 : memref<64x256xf32, #tpu.memory_space<vmem>>) target_semaphore(%arg10 : memref<!tpu.dma_semaphore, #tpu.memory_space<semaphore_mem>>)
      } else {
      }
      %while3A_71 = arith.constant 0 : i32
      scf.yield %while3A_71 : i32
    }
    %gt3A_25 = arith.constant 0 : i32
    %gt3A_26 = arith.cmpi sgt, %min3A, %gt3A_25 : i32
    %convert_element_type3A_27 = arith.extui %gt3A_26 : i1 to i32
    %cond3A_28 = arith.constant 0 : i32
    %cond3A_29 = arith.cmpi ne, %convert_element_type3A_27, %cond3A_28 : i32
    scf.if %cond3A_29 {
      %add3A_30 = arith.addi %mul3A_2, %min3A : i32
      %sub3A_31 = arith.constant 1 : i32
      %sub3A_32 = arith.subi %add3A_30, %sub3A_31 : i32
      %mul3A_33 = arith.constant 128 : i32
      %mul3A_34 = arith.muli %sub3A_32, %mul3A_33 : i32
      %dma_wait3A = arith.constant 0 : i32
      %dma_wait3A_35 = tpu.memref_slice %arg4[%mul3A_34, %dma_wait3A] : memref<500000x128xf32, #tpu.memory_space<hbm>> -> memref<128x128xf32, #tpu.memory_space<hbm>>
      %dma_wait3A_36 = arith.constant 0 : i32
      %dma_wait3A_37 = tpu.memref_slice %arg4[%mul3A_34, %dma_wait3A_36] : memref<500000x128xf32, #tpu.memory_space<hbm>> -> memref<128x128xf32, #tpu.memory_space<hbm>>
      tpu.wait_dma2 semaphore(%arg11 : memref<!tpu.dma_semaphore, #tpu.memory_space<semaphore_mem>>) src(%arg8 : memref<128x128xf32, #tpu.memory_space<vmem>>) dst(%dma_wait3A_37 : memref<128x128xf32, #tpu.memory_space<hbm>>)
      %mul3A_38 = arith.constant 128 : i32
      %mul3A_39 = arith.muli %sub3A_32, %mul3A_38 : i32
      %dma_wait3A_40 = arith.constant 0 : i32
      %dma_wait3A_41 = tpu.memref_slice %arg5[%mul3A_39, %dma_wait3A_40] : memref<500000x128xf32, #tpu.memory_space<hbm>> -> memref<128x128xf32, #tpu.memory_space<hbm>>
      %dma_wait3A_42 = arith.constant 0 : i32
      %dma_wait3A_43 = tpu.memref_slice %arg5[%mul3A_39, %dma_wait3A_42] : memref<500000x128xf32, #tpu.memory_space<hbm>> -> memref<128x128xf32, #tpu.memory_space<hbm>>
      tpu.wait_dma2 semaphore(%arg11 : memref<!tpu.dma_semaphore, #tpu.memory_space<semaphore_mem>>) src(%arg9 : memref<128x128xf32, #tpu.memory_space<vmem>>) dst(%dma_wait3A_43 : memref<128x128xf32, #tpu.memory_space<hbm>>)
    } else {
    }
    return
  }
}

</mosaic_0001>

<sc_bundles>
// kernel: _gmf.4.cloned.1.call-start
scs
__scs_entry_jumppad:
0x0: {  	(pc) =	sbr.rel $0x88, $3  }
0x1: {  	(tag) =	ssettag $0x0;
	lr =	simm.s32 $0x1  }
0x2: {  	[smem:$0x3F9C] =	sst lr;
	_ =	strace $0xD0000000  }
0x3: {  	_ = 	snop  }
0x4: {  	_ = 	snop  }
0x5: {  	_ = 	snop  }
0x6: {  	_ = 	snop  }
0x7: {  	_ = 	snop  }
__scs_overlays_trampoline_lowered:
0x8: {  	[smem:$0x3FAB] =	sst s0  }
0x9: {  	[smem:$0x3FAC] =	sst s1  }
0xa: {  	[smem:$0x3FAD] =	sst s2  }
0xb: {  	[smem:$0x3FAE] =	sst s3  }
0xc: {  	[smem:$0x3FAF] =	sst s4  }
0xd: {  	[smem:$0x3FB0] =	sst s5  }
0xe: {  	[smem:$0x3FB1] =	sst s6  }
0xf: {  	[smem:$0x3FB2] =	sst s7  }
0x10: {  	[smem:$0x3FB3] =	sst s8  }
0x11: {  	[smem:$0x3FB4] =	sst s9;
	s0 =	simm.s32 @!p0 $0x0  }
0x12: {  	s1 =	sld [smem:$0x3F9A];
	s0 =	simm.s32 @p0 $0x1  }
0x13: {  	[smem:$0x3FB5] =	sst s0;
	s0 =	simm.s32 @!p1 $0x0  }
0x14: {  	s2 =	sld [smem:$0x3F99];
	s0 =	simm.s32 @p1 $0x1  }
0x15: {  	[smem:$0x3FB6] =	sst s0;
	s0 =	simm.s32 @!p2 $0x0  }
0x16: {  	s3 =	sld [smem:$0x3FDB];
	s0 =	simm.s32 @p2 $0x1  }
0x17: {  	s4 =	simm.s32 $0x1BF5;
	[smem:$0x3FB8] =	sst s0  }
0x18: {  	s0 =	sld [smem:$0x3F9B];
	_ =	swait.ge [sflag:s4], $0x0  }
0x19: {  	s7 =	sld [smem:$0x3F9C]  }
0x1a: {  	s8 =	sadd.s32 $0xFFFFE003, lr  }
0x1b: {  	s9 =	sadd.s32 $0xFFFFFEF7, lr;
	s5 =	simm.s32 $0xFFFFFFFF;
	p2 =	slt.u32 s8, $0xFFFFF086  }
0x1c: {  	p1 =	slt.u32 s9, $0xF7A;
	s5 =	simm.s32 @!p2 $0x0  }
0x1d: {  	s5 =	simm.s32 @p1 $0x1;
	p0 =	seq.s32 s7, s2  }
0x1e: {  	s7 =	smul.u32 @!p0 $0xF7A, s2;
	p2 =	seq.s32 @!p0 s5, $0x0  }
0x1f: {  	s9 =	smul.u32 $0xF7A, s1;
	s8 =	simm.s32 @!p0 $0x1BF5;
	p2 =	por !p2, p0  }
0x20: {  	[sflag:s8] =	ssyncset.s32 @!p0 $0xFFFFF086;
	s6 =	sadd.s32 @!p0 s3, s7;
	s7 =	simm.s32 @!p0 $0x108  }
0x21: {  	s3 =	sadd.s32 s3, s9;
	s6 =	sadd.s32 @!p0 $0x88, s6;
	s7 =	simm.s32 @p2 $0x1082  }
0x22: {  	[simem:s7], [sflag:s8] =	dma.local @!p0 [hbm:s6], $0xF7A  }
0x23: {  	s9 =	sor.u32 $0xD0000000, s2;
	s6 =	simm.s32 $0x108;
	_ =	swait.ge @!p0 [sflag:s8], $0x0  }
0x24: {  	s3 =	sadd.s32 $0x88, s3;
	s6 =	simm.s32 @!p1 $0x1082;
	[sflag:s4] =	ssyncset.s32 $0xFFFFF086  }
0x25: {  	[simem:s6], [sflag:s4] =	dma.local [hbm:s3], $0xF7A  }
0x26: {  	[smem:$0x3F9C] =	sst s1;
	(tag) =	ssettag s2;
	_ =	strace s9  }
0x27: {  	s1 =	sld [smem:$0x3FAC]  }
0x28: {  	s2 =	sld [smem:$0x3FAD]  }
0x29: {  	s4 =	sld [smem:$0x3FAF]  }
0x2a: {  	p0 =	seq.s32 s5, $0x0;
	s5 =	sld [smem:$0x3FB0]  }
0x2b: {  	s6 =	sld [smem:$0x3FB1]  }
0x2c: {  	s7 =	sld [smem:$0x3FB2]  }
0x2d: {  	s3 =	simm.s32 $0x108;
	s8 =	sld [smem:$0x3FB3]  }
0x2e: {  	s3 =	simm.s32 @!p0 $0x1082;
	s9 =	sld [smem:$0x3FB4]  }
0x2f: {  	lr =	sadd.s32 s0, s3;
	s0 =	sld [smem:$0x3FAB]  }
0x30: {  	s3 =	sld [smem:$0x3FAE]  }
0x31: {  	[smem:$0x3FB7] =	sst s10  }
0x32: {  	s10 =	sld [smem:$0x3FB5];
	_ =	sdelay $0x3  }
0x33: {  	p0 =	seq.s32 s10, $0x1;
	s10 =	sld [smem:$0x3FB7];
	_ =	sdelay $0x3  }
0x34: {  	[smem:$0x3FB7] =	sst s10  }
0x35: {  	s10 =	sld [smem:$0x3FB6];
	_ =	sdelay $0x3  }
0x36: {  	p1 =	seq.s32 s10, $0x1;
	s10 =	sld [smem:$0x3FB7];
	_ =	sdelay $0x3  }
0x37: {  	[smem:$0x3FB7] =	sst s10  }
0x38: {  	s10 =	sld [smem:$0x3FB8]  }
0x39: {  	_ = 	snop;
	(pc) =	sbr.ind lr, $3  }
0x3a: {  	_ = 	snop  }
0x3b: {  	_ = 	snop  }
0x3c: {  	p2 =	seq.s32 s10, $0x1;
	s10 =	sld [smem:$0x3FB7]  }
0x3d: {  	_ =	shalt  }
0x3e: {  	_ =	shalt  }
0x3f: {  	_ =	shalt  }
0x40: {  	_ =	shalt  }
0x41: {  	_ =	shalt  }
0x42: {  	_ =	shalt  }
0x43: {  	_ =	shalt  }
0x44: {  	_ =	shalt  }
0x45: {  	_ =	shalt  }
0x46: {  	_ =	shalt  }
0x47: {  	_ =	shalt  }
0x48: {  	_ =	shalt  }
0x49: {  	_ =	shalt  }
0x4a: {  	_ =	shalt  }
0x4b: {  	_ =	shalt  }
0x4c: {  	_ =	shalt  }
0x4d: {  	_ =	shalt  }
0x4e: {  	_ =	shalt  }
0x4f: {  	_ =	shalt  }
0x50: {  	_ =	shalt  }
0x51: {  	_ =	shalt  }
0x52: {  	_ =	shalt  }
0x53: {  	_ =	shalt  }
0x54: {  	_ =	shalt  }
0x55: {  	_ =	shalt  }
0x56: {  	_ =	shalt  }
0x57: {  	_ =	shalt  }
0x58: {  	_ =	shalt  }
0x59: {  	_ =	shalt  }
0x5a: {  	_ =	shalt  }
0x5b: {  	_ =	shalt  }
0x5c: {  	_ =	shalt  }
0x5d: {  	_ =	shalt  }
0x5e: {  	_ =	shalt  }
0x5f: {  	_ =	shalt  }
0x60: {  	_ =	shalt  }
0x61: {  	_ =	shalt  }
0x62: {  	_ =	shalt  }
0x63: {  	_ =	shalt  }
0x64: {  	_ =	shalt  }
0x65: {  	_ =	shalt  }
0x66: {  	_ =	shalt  }
0x67: {  	_ =	shalt  }
0x68: {  	_ =	shalt  }
0x69: {  	_ =	shalt  }
0x6a: {  	_ =	shalt  }
0x6b: {  	_ =	shalt  }
0x6c: {  	_ =	shalt  }
0x6d: {  	_ =	shalt  }
0x6e: {  	_ =	shalt  }
0x6f: {  	_ =	shalt  }
0x70: {  	_ =	shalt  }
0x71: {  	_ =	shalt  }
0x72: {  	_ =	shalt  }
0x73: {  	_ =	shalt  }
0x74: {  	_ =	shalt  }
0x75: {  	_ =	shalt  }
0x76: {  	_ =	shalt  }
0x77: {  	_ =	shalt  }
0x78: {  	_ =	shalt  }
0x79: {  	_ =	shalt  }
0x7a: {  	_ =	shalt  }
0x7b: {  	_ =	shalt  }
0x7c: {  	_ =	shalt  }
0x7d: {  	_ =	shalt  }
0x7e: {  	_ =	shalt  }
0x7f: {  	_ =	shalt  }
0x80: {  	_ =	shalt  }
0x81: {  	_ =	shalt  }
0x82: {  	_ =	shalt  }
0x83: {  	_ =	shalt  }
0x84: {  	_ =	shalt  }
0x85: {  	_ =	shalt  }
0x86: {  	_ =	shalt  }
0x87: {  	_ =	shalt  }
.Lfunc_end0:
.L_simem_size_0:
called_computation_lowered:
.L_overlay_start_0:
0x88: {  	s2 =	sld [smem:$0x3FD9]  }
0x89: {  	s3 =	sld [smem:$0x3FFE];
	_ =	sdelay $0x1  }
0x8a: {  	s1 =	srdreg.scid  }
0x8b: {  	s0 =	sand.u32 $0x1, s1  }
0x8c: {  	s17 =	sshll.u32 s0, $0xA;
	s2 =	sadd.s32 s3, s2  }
0x8d: {  	s2 =	sadd.s32 s2, s17  }
0x8e: {  	[smem:$0x3FC3] =	sst s2  }
0x8f: {  	_ = 	snop  }
0x90: {  	s2 =	sld [smem:$0x3FC7]  }
0x91: {  	s18 =	sld [smem:$0x3FC6];
	(tm) =	ssettm $0x1  }
0x92: {  	s4 =	sld [smem:$0x3FFB];
	_ =	sdelay $0x3  }
0x93: {  	_ =	strace s4  }
0x94: {  	s4 =	sld [smem:$0x3FFC];
	_ =	sdelay $0x3  }
0x95: {  	_ =	strace s4  }
0x96: {  	s4 =	sld [smem:$0x3FFD];
	_ =	sdelay $0x3  }
0x97: {  	_ =	strace s4  }
0x98: {  	_ =	strace $0x8FFFFFFF  }
0x99: {  	s19 =	sld [smem:$0x3FDB];
	_ =	sdelay $0x1  }
0x9a: {  	s5 =	simm.s32 $_scs_section_size  }
0x9b: {  	s6 =	simm.s32 $_size__tile_overlayer_lowered;
	s7 =	simm.s32 $_tile_overlayer_lowered  }
0x9c: {  	s22 =	simm.s32 $0x1BFF;
	s21 =	sshll.u32 s7, $0x1;
	s4 =	sadd.s32 s5, s19  }
0x9d: {  	s8 =	simm.s32 $0x0;
	s20 =	sshll.u32 s6, $0x1;
	s6 =	sadd.s32 s21, s4  }
0x9e: {  	[timem:s8], [sflag:s22] =	dma.local [hbm:s6], s20  }
0x9f: {  	_ =	swait.ge [sflag:s22], s20  }
0xa0: {  	s5 =	ssub.s32 $0x0, s20;
	[sflag:s22] =	ssyncset.done $0x0  }
0xa1: {  	[sflag:s22] =	ssyncadd.s32 s5;
	_ =	sdelay $0x1  }
0xa2: {  	s23 =	simm.s32 $0x1B8B  }
0xa3: {  	_ =	swait.ge [sflag:s23], $0x1  }
0xa4: {  	[sflag:s23] =	ssyncset.done $0x0  }
0xa5: {  	s25 =	simm.s32 $0x1B8E;
	s24 =	sld [smem:$0x3FFE];
	[sflag:s23] =	ssyncadd.s32 $0xFFFFFFFF  }
0xa6: {  	s26 =	simm.s32 $execute0_lowered;
	[smem:$0x3FD2] =	sst s25  }
0xa7: {  	s6 =	sshll.u32 s26, $0x1;
	_ =	strace $0x80000046;
	[dreg:$0x1] =	wrdreg $0xFFFFFFFF  }
0xa8: {  	s28 =	simm.s32 $_size_execute0_lowered;
	s4 =	sadd.s32 s4, s6;
	[dreg:$0x0] =	wrdreg $0x0  }
0xa9: {  	s6 =	sshll.u32 s28, $0x1;
	[dreg:$0x2] =	wrdreg s4  }
0xaa: {  	[dreg:$0x3] =	wrdreg s6  }
0xab: {  	[dreg:$0x4] =	wrdreg $0xC0  }
0xac: {  	_ =	task [dreg:s8], $0x5FFFF  }
0xad: {  	[dreg:$0x1] =	wrdreg $0xFFFFFFFF  }
0xae: {  	[dreg:$0x0] =	wrdreg $0x60  }
0xaf: {  	[dreg:$0x2] =	wrdreg s2  }
0xb0: {  	[dreg:$0x3] =	wrdreg s18  }
0xb1: {  	[dreg:$0x4] =	wrdreg s24  }
0xb2: {  	[dreg:$0x5] =	wrdreg $0x9  }
0xb3: {  	_ =	task.clear_ibuf [dreg:s8], $0x6FFFF;
	_ =	strace $0x90000046  }
0xb4: {  	s29 =	simm.s32 $0x9;
	_ =	strace $0x80000048  }
0xb5: {  	_ =	swait.ge [sflag:s29], $0x1  }
0xb6: {  	[sflag:s29] =	ssyncadd.s32 $0xFFFFFFFF  }
0xb7: {  	_ =	strace $0x90000048  }
0xb8: {  	_ =	sfence  }
0xb9: {  	s30 =	sld [smem:$0x0];
	_ =	sdelay $0x2  }
0xba: {  	s31 =	sshll.u32 s1, $0xD;
	s1 =	sshrl.u32 s1, $0x2  }
0xbb: {  	s3 =	sand.u32 $0x4000, s31;
	s1 =	sadd.s32 s1, s30  }
0xbc: {  	s0 =	sor.u32 s3, s0;
	s1 =	sshll.u32 s1, $0x11  }
0xbd: {  	s0 =	sor.u32 s1, s0  }
0xbe: {  	s0 =	sadd.s32 $0x8F2B, s0  }
0xbf: {  	[sflag:s0] =	ssyncadd.remote.s32 $0x1  }
0xc0: {  	_ =	sfence.sel $0xFFFF  }
0xc1: {  	[dreg:$0x0] =	wrdreg $0xFFFFFFFF;
	(pc) =	sbr.abs _section_cstart, $3  }
0xc2: {  	[dreg:$0x1] =	wrdreg $0xFFFFFFFF  }
0xc3: {  	_ =	task.clear_ibuf [dreg:s8], $0x2FFFF;
	_ =	strace $0x9FFFFFFF  }
0xc4: {  	(tm) =	ssettm $0x7FFFFFFF  }
0xc5: {  	_ =	shalt  }
tec
execute0_lowered:
.L_overlay_start_1:
0x0: {  	(tag) =	ssettag $0x1  }
0x1: {  	s1 =	rddreg [dreg:$0x0]  }
0x2: {  	s2 =	srdreg.scid;
	s3 =	rddreg [dreg:$0x1]  }
0x3: {  	s0 =	stileid.u32;
	s7 =	rddreg [dreg:$0x2];
	s4 =	simm.s32 $0x0  }
0x4: {  	s15 =	simm.s32 $0x4000;
	s16 =	simm.s32 $0x1;
	s17 =	simm.s32 $0x8000  }
0x5: {  	s18 =	simm.s32 $0xC000;
	s19 =	simm.s32 $0x2;
	s20 =	simm.s32 $0x0  }
0x6: {  	v0 =	vlaneseq.u32;
	s6 =	sand.u32 $0x1, s2;
	s31 =	sshll.u32 s0, $0x1;
	s11 =	smul.u32 $0xFFFFFF0A, s0  }
0x7: {  	[smem:$0x7FF] =	sst s4;
	v0 =	vmul.u32 $0x40, v0;
	s8 =	sor.u32 s6, s31;
	s9 =	smul.u32 $0xFFFFFF85, s6  }
0x8: {  	_ =	strace $0x80000047;
	s10 =	ssub.s32 $0x2, s6;
	s5 =	smul.u32 $0x7B, s8  }
0x9: {  	s6 =	sadd.s32 $0xC00, s7;
	s12 =	sshrl.u32 s10, $0x1;
	s14 =	smul.u32 $0x7B00, s8;
	v1 =	vor.u32 $0x400, v0;
	v2 =	vor.u32 $0x800, v0;
	v3 =	vor.u32 $0xC00, v0  }
0xa: {  	s7 =	sadd.s32 $0x7A1E00, s7;
	v4 =	vor.u32 $0x1000, v0;
	v5 =	vor.u32 $0x1400, v0;
	v6 =	vor.u32 $0x1800, v0;
	s9 =	sadd.s32 s11, s9;
	s12 =	ssub.s32 s10, s12  }
0xb: {  	v7 =	vor.u32 $0x1C00, v0;
	v8 =	vor.u32 $0x2000, v0;
	v9 =	vor.u32 $0x2400, v0;
	s13 =	ssub.s32 $0xF42, s5;
	s11 =	sadd.s32 $0xF42, s9;
	s9 =	sadd.s32 s1, s14  }
0xc: {  	v10 =	vor.u32 $0x2800, v0;
	v11 =	vor.u32 $0x2C00, v0;
	v12 =	vor.u32 $0x3000, v0;
	s10 =	sadd.s32 s3, s14;
	s12 =	smax.u32 s12, $0x1;
	s14 =	simm.s32 $0x7A1400  }
0xd: {  	v13 =	vor.u32 $0x3400, v0;
	v14 =	vor.u32 $0x3800, v0;
	v15 =	vor.u32 $0x3C00, v0;
	s8 =	smin.u32 s13, $0x7B;
	s11 =	smin.u32 s11, $0x7B;
	s13 =	simm.s32 $0x800  }
.LBB2_1:
0xe: {  	[tilespmem:s4], [sflag:$0x1] =	stream.strided.gather [hbm4b:s9+s13], $0x4000, s14, s13, $0x38;
	[tilespmem:$0x10000] =	vst v63  }
0xf: {  	s21 =	simm.s32 $0x0  }
0x10: {  	[tilespmem:s15], [sflag:$0x1] =	stream.strided.gather [hbm4b:s10+s13], $0x4000, s14, s13, $0x38;
	[tilespmem:$0x10000] =	vst v63  }
.LBB2_2:
0x11: {  	_ =	swait.ge [sflag:s16], $0x4000  }
0x12: {  	[sflag:s16] =	ssyncset.done $0x0  }
0x13: {  	[sflag:s16] =	ssyncadd.s32 $0xFFFFC000  }
0x14: {  	_ =	swait.ge [sflag:s16], $0x4000  }
0x15: {  	p0 =	seq.s32 s21, $0x0;
	[sflag:s16] =	ssyncset.done $0x0  }
0x16: {  	s23 =	simm.s32 @!p0 $0x2;
	[sflag:s16] =	ssyncadd.s32 $0xFFFFC000  }
0x17: {  	_ =	swait.ge @!p0 [sflag:s23], $0x4000  }
0x18: {  	[sflag:s23] =	ssyncset.done @!p0 $0x0  }
0x19: {  	s22 =	sadd.s32 s5, s21;
	[sflag:s23] =	ssyncadd.s32 @!p0 $0xFFFFC000  }
0x1a: {  	s24 =	simm.s32 $0x0;
	s25 =	simm.s32 $0x0;
	_ =	swait.ge @!p0 [sflag:s23], $0x4000  }
0x1b: {  	s26 =	simm.s32 $0x0;
	s28 =	simm.s32 $0x0;
	[sflag:s23] =	ssyncset.done @!p0 $0x0  }
0x1c: {  	[sflag:s23] =	ssyncadd.s32 @!p0 $0xFFFFC000;
	s23 =	simm.s32 $0x180;
	p0 =	por $0x0, $0x0  }
.LBB2_3:
0x1d: {  	s30 =	sadd.s32 $0xFFFFFE80, s23  }
0x1e: {  	s29 =	sand.u32 $0x3800, s25;
	s30 =	sand.u32 $0x200, s30  }
0x1f: {  	s30 =	sor.u32 s30, s29  }
0x20: {  	v17 =	vor.u32 s28, v0;
	v16 =	vld [tilespmem:s30+$0x0];
	_ =	sdelay $0x4  }
0x21: {  	[tilespmem:v17+s17+$0x0] =	vst.idx.msk $0xffff, v16  }
0x22: {  	v16 =	vld [tilespmem:s30+$0x4000];
	_ =	sdelay $0x4  }
0x23: {  	[tilespmem:v17+s18+$0x0] =	vst.idx.msk $0xffff, v16  }
0x24: {  	v17 =	vor.u32 s28, v1;
	v16 =	vld [tilespmem:s30+$0x10];
	_ =	sdelay $0x4  }
0x25: {  	[tilespmem:v17+s17+$0x0] =	vst.idx.msk $0xffff, v16  }
0x26: {  	v16 =	vld [tilespmem:s30+$0x4010];
	_ =	sdelay $0x4  }
0x27: {  	[tilespmem:v17+s18+$0x0] =	vst.idx.msk $0xffff, v16  }
0x28: {  	v17 =	vor.u32 s28, v2;
	v16 =	vld [tilespmem:s30+$0x20];
	_ =	sdelay $0x4  }
0x29: {  	[tilespmem:v17+s17+$0x0] =	vst.idx.msk $0xffff, v16  }
0x2a: {  	v16 =	vld [tilespmem:s30+$0x4020];
	_ =	sdelay $0x4  }
0x2b: {  	[tilespmem:v17+s18+$0x0] =	vst.idx.msk $0xffff, v16  }
0x2c: {  	v17 =	vor.u32 s28, v3;
	v16 =	vld [tilespmem:s30+$0x30];
	_ =	sdelay $0x4  }
0x2d: {  	[tilespmem:v17+s17+$0x0] =	vst.idx.msk $0xffff, v16  }
0x2e: {  	v16 =	vld [tilespmem:s30+$0x4030];
	_ =	sdelay $0x4  }
0x2f: {  	[tilespmem:v17+s18+$0x0] =	vst.idx.msk $0xffff, v16  }
0x30: {  	v17 =	vor.u32 s28, v4;
	v16 =	vld [tilespmem:s30+$0x40];
	_ =	sdelay $0x4  }
0x31: {  	[tilespmem:v17+s17+$0x0] =	vst.idx.msk $0xffff, v16  }
0x32: {  	v16 =	vld [tilespmem:s30+$0x4040];
	_ =	sdelay $0x4  }
0x33: {  	[tilespmem:v17+s18+$0x0] =	vst.idx.msk $0xffff, v16  }
0x34: {  	v17 =	vor.u32 s28, v5;
	v16 =	vld [tilespmem:s30+$0x50];
	_ =	sdelay $0x4  }
0x35: {  	[tilespmem:v17+s17+$0x0] =	vst.idx.msk $0xffff, v16  }
0x36: {  	v16 =	vld [tilespmem:s30+$0x4050];
	_ =	sdelay $0x4  }
0x37: {  	[tilespmem:v17+s18+$0x0] =	vst.idx.msk $0xffff, v16  }
0x38: {  	v17 =	vor.u32 s28, v6;
	v16 =	vld [tilespmem:s30+$0x60];
	_ =	sdelay $0x4  }
0x39: {  	[tilespmem:v17+s17+$0x0] =	vst.idx.msk $0xffff, v16  }
0x3a: {  	v16 =	vld [tilespmem:s30+$0x4060];
	_ =	sdelay $0x4  }
0x3b: {  	[tilespmem:v17+s18+$0x0] =	vst.idx.msk $0xffff, v16  }
0x3c: {  	v17 =	vor.u32 s28, v7;
	v16 =	vld [tilespmem:s30+$0x70];
	_ =	sdelay $0x4  }
0x3d: {  	[tilespmem:v17+s17+$0x0] =	vst.idx.msk $0xffff, v16  }
0x3e: {  	v16 =	vld [tilespmem:s30+$0x4070]  }
0x3f: {  	s30 =	simm.s32 $0x1  }
0x40: {  	s30 =	simm.s32 @!p0 $0x0  }
0x41: {  	s30 =	sshll.u32 s30, $0x9  }
0x42: {  	s30 =	sadd.s32 s30, s25  }
0x43: {  	s31 =	sor.u32 $0x400, s30;
	[tilespmem:v17+s18+$0x0] =	vst.idx.msk $0xffff, v16  }
0x44: {  	v17 =	vor.u32 s28, v8;
	v16 =	vld [tilespmem:s31+$0x0];
	_ =	sdelay $0x4  }
0x45: {  	[tilespmem:v17+s17+$0x0] =	vst.idx.msk $0xffff, v16  }
0x46: {  	v16 =	vld [tilespmem:s31+$0x4000];
	_ =	sdelay $0x4  }
0x47: {  	s0 =	sor.u32 $0x410, s30;
	[tilespmem:v17+s18+$0x0] =	vst.idx.msk $0xffff, v16  }
0x48: {  	v17 =	vor.u32 s28, v9;
	v16 =	vld [tilespmem:s0+$0x0];
	_ =	sdelay $0x4  }
0x49: {  	[tilespmem:v17+s17+$0x0] =	vst.idx.msk $0xffff, v16  }
0x4a: {  	v16 =	vld [tilespmem:s0+$0x4000];
	_ =	sdelay $0x4  }
0x4b: {  	s2 =	sor.u32 $0x420, s30;
	[tilespmem:v17+s18+$0x0] =	vst.idx.msk $0xffff, v16  }
0x4c: {  	v17 =	vor.u32 s28, v10;
	v16 =	vld [tilespmem:s2+$0x0];
	_ =	sdelay $0x4  }
0x4d: {  	[tilespmem:v17+s17+$0x0] =	vst.idx.msk $0xffff, v16  }
0x4e: {  	v16 =	vld [tilespmem:s2+$0x4000];
	_ =	sdelay $0x4  }
0x4f: {  	s0 =	sor.u32 $0x430, s30;
	[tilespmem:v17+s18+$0x0] =	vst.idx.msk $0xffff, v16  }
0x50: {  	v17 =	vor.u32 s28, v11;
	v16 =	vld [tilespmem:s0+$0x0];
	_ =	sdelay $0x4  }
0x51: {  	[tilespmem:v17+s17+$0x0] =	vst.idx.msk $0xffff, v16  }
0x52: {  	v16 =	vld [tilespmem:s0+$0x4000];
	_ =	sdelay $0x4  }
0x53: {  	s2 =	sor.u32 $0x440, s30;
	[tilespmem:v17+s18+$0x0] =	vst.idx.msk $0xffff, v16  }
0x54: {  	v17 =	vor.u32 s28, v12;
	v16 =	vld [tilespmem:s2+$0x0];
	_ =	sdelay $0x4  }
0x55: {  	[tilespmem:v17+s17+$0x0] =	vst.idx.msk $0xffff, v16  }
0x56: {  	v16 =	vld [tilespmem:s2+$0x4000];
	_ =	sdelay $0x4  }
0x57: {  	s0 =	sor.u32 $0x450, s30;
	[tilespmem:v17+s18+$0x0] =	vst.idx.msk $0xffff, v16  }
0x58: {  	v17 =	vor.u32 s28, v13;
	v16 =	vld [tilespmem:s0+$0x0];
	_ =	sdelay $0x4  }
0x59: {  	[tilespmem:v17+s17+$0x0] =	vst.idx.msk $0xffff, v16  }
0x5a: {  	v16 =	vld [tilespmem:s0+$0x4000];
	_ =	sdelay $0x4  }
0x5b: {  	s2 =	sor.u32 $0x460, s30;
	[tilespmem:v17+s18+$0x0] =	vst.idx.msk $0xffff, v16  }
0x5c: {  	v17 =	vor.u32 s28, v14;
	v16 =	vld [tilespmem:s2+$0x0];
	_ =	sdelay $0x4  }
0x5d: {  	[tilespmem:v17+s17+$0x0] =	vst.idx.msk $0xffff, v16  }
0x5e: {  	v16 =	vld [tilespmem:s2+$0x4000];
	_ =	sdelay $0x4  }
0x5f: {  	s30 =	sor.u32 $0x470, s30;
	[tilespmem:v17+s18+$0x0] =	vst.idx.msk $0xffff, v16  }
0x60: {  	v17 =	vor.u32 s28, v15;
	v16 =	vld [tilespmem:s30+$0x0];
	_ =	sdelay $0x4  }
0x61: {  	[tilespmem:v17+s17+$0x0] =	vst.idx.msk $0xffff, v16  }
0x62: {  	v16 =	vld [tilespmem:s30+$0x4000];
	_ =	sdelay $0x2  }
0x63: {  	s31 =	sadd.s32 $0xFFFFFF00, s23  }
0x64: {  	s30 =	sand.u32 $0x280, s31  }
0x65: {  	s31 =	sadd.s32 $0x1, s28;
	s30 =	sor.u32 s29, s30;
	[tilespmem:v17+s18+$0x0] =	vst.idx.msk $0xffff, v16  }
0x66: {  	v17 =	vor.u32 s31, v0;
	v16 =	vld [tilespmem:s30+$0x0];
	_ =	sdelay $0x4  }
0x67: {  	[tilespmem:v17+s17+$0x0] =	vst.idx.msk $0xffff, v16  }
0x68: {  	v16 =	vld [tilespmem:s30+$0x4000];
	_ =	sdelay $0x4  }
0x69: {  	[tilespmem:v17+s18+$0x0] =	vst.idx.msk $0xffff, v16  }
0x6a: {  	v17 =	vor.u32 s31, v1;
	v16 =	vld [tilespmem:s30+$0x10];
	_ =	sdelay $0x4  }
0x6b: {  	[tilespmem:v17+s17+$0x0] =	vst.idx.msk $0xffff, v16  }
0x6c: {  	v16 =	vld [tilespmem:s30+$0x4010];
	_ =	sdelay $0x4  }
0x6d: {  	[tilespmem:v17+s18+$0x0] =	vst.idx.msk $0xffff, v16  }
0x6e: {  	v17 =	vor.u32 s31, v2;
	v16 =	vld [tilespmem:s30+$0x20];
	_ =	sdelay $0x4  }
0x6f: {  	[tilespmem:v17+s17+$0x0] =	vst.idx.msk $0xffff, v16  }
0x70: {  	v16 =	vld [tilespmem:s30+$0x4020];
	_ =	sdelay $0x4  }
0x71: {  	[tilespmem:v17+s18+$0x0] =	vst.idx.msk $0xffff, v16  }
0x72: {  	v17 =	vor.u32 s31, v3;
	v16 =	vld [tilespmem:s30+$0x30];
	_ =	sdelay $0x4  }
0x73: {  	[tilespmem:v17+s17+$0x0] =	vst.idx.msk $0xffff, v16  }
0x74: {  	v16 =	vld [tilespmem:s30+$0x4030];
	_ =	sdelay $0x4  }
0x75: {  	[tilespmem:v17+s18+$0x0] =	vst.idx.msk $0xffff, v16  }
0x76: {  	v17 =	vor.u32 s31, v4;
	v16 =	vld [tilespmem:s30+$0x40];
	_ =	sdelay $0x4  }
0x77: {  	[tilespmem:v17+s17+$0x0] =	vst.idx.msk $0xffff, v16  }
0x78: {  	v16 =	vld [tilespmem:s30+$0x4040];
	_ =	sdelay $0x4  }
0x79: {  	[tilespmem:v17+s18+$0x0] =	vst.idx.msk $0xffff, v16  }
0x7a: {  	v17 =	vor.u32 s31, v5;
	v16 =	vld [tilespmem:s30+$0x50];
	_ =	sdelay $0x4  }
0x7b: {  	[tilespmem:v17+s17+$0x0] =	vst.idx.msk $0xffff, v16  }
0x7c: {  	v16 =	vld [tilespmem:s30+$0x4050];
	_ =	sdelay $0x4  }
0x7d: {  	[tilespmem:v17+s18+$0x0] =	vst.idx.msk $0xffff, v16  }
0x7e: {  	v17 =	vor.u32 s31, v6;
	v16 =	vld [tilespmem:s30+$0x60];
	_ =	sdelay $0x4  }
0x7f: {  	[tilespmem:v17+s17+$0x0] =	vst.idx.msk $0xffff, v16  }
0x80: {  	v16 =	vld [tilespmem:s30+$0x4060];
	_ =	sdelay $0x4  }
0x81: {  	[tilespmem:v17+s18+$0x0] =	vst.idx.msk $0xffff, v16  }
0x82: {  	v17 =	vor.u32 s31, v7;
	v16 =	vld [tilespmem:s30+$0x70];
	_ =	sdelay $0x4  }
0x83: {  	[tilespmem:v17+s17+$0x0] =	vst.idx.msk $0xffff, v16  }
0x84: {  	v16 =	vld [tilespmem:s30+$0x4070]  }
0x85: {  	s0 =	sand.u32 $0x7, s26  }
0x86: {  	s30 =	sshll.u32 s0, $0x7  }
0x87: {  	s30 =	sadd.s32 s25, s30  }
0x88: {  	s2 =	sadd.s32 $0x80, s30  }
0x89: {  	s0 =	sor.u32 $0x400, s2;
	[tilespmem:v17+s18+$0x0] =	vst.idx.msk $0xffff, v16  }
0x8a: {  	v17 =	vor.u32 s31, v8;
	v16 =	vld [tilespmem:s0+$0x0];
	_ =	sdelay $0x4  }
0x8b: {  	[tilespmem:v17+s17+$0x0] =	vst.idx.msk $0xffff, v16  }
0x8c: {  	v16 =	vld [tilespmem:s0+$0x4000];
	_ =	sdelay $0x4  }
0x8d: {  	s0 =	sor.u32 $0x410, s2;
	[tilespmem:v17+s18+$0x0] =	vst.idx.msk $0xffff, v16  }
0x8e: {  	v17 =	vor.u32 s31, v9;
	v16 =	vld [tilespmem:s0+$0x0];
	_ =	sdelay $0x4  }
0x8f: {  	[tilespmem:v17+s17+$0x0] =	vst.idx.msk $0xffff, v16  }
0x90: {  	v16 =	vld [tilespmem:s0+$0x4000];
	_ =	sdelay $0x4  }
0x91: {  	s0 =	sor.u32 $0x420, s2;
	[tilespmem:v17+s18+$0x0] =	vst.idx.msk $0xffff, v16  }
0x92: {  	v17 =	vor.u32 s31, v10;
	v16 =	vld [tilespmem:s0+$0x0];
	_ =	sdelay $0x4  }
0x93: {  	[tilespmem:v17+s17+$0x0] =	vst.idx.msk $0xffff, v16  }
0x94: {  	v16 =	vld [tilespmem:s0+$0x4000];
	_ =	sdelay $0x4  }
0x95: {  	s0 =	sor.u32 $0x430, s2;
	[tilespmem:v17+s18+$0x0] =	vst.idx.msk $0xffff, v16  }
0x96: {  	v17 =	vor.u32 s31, v11;
	v16 =	vld [tilespmem:s0+$0x0];
	_ =	sdelay $0x4  }
0x97: {  	[tilespmem:v17+s17+$0x0] =	vst.idx.msk $0xffff, v16  }
0x98: {  	v16 =	vld [tilespmem:s0+$0x4000];
	_ =	sdelay $0x4  }
0x99: {  	s0 =	sor.u32 $0x440, s2;
	[tilespmem:v17+s18+$0x0] =	vst.idx.msk $0xffff, v16  }
0x9a: {  	v17 =	vor.u32 s31, v12;
	v16 =	vld [tilespmem:s0+$0x0];
	_ =	sdelay $0x4  }
0x9b: {  	[tilespmem:v17+s17+$0x0] =	vst.idx.msk $0xffff, v16  }
0x9c: {  	v16 =	vld [tilespmem:s0+$0x4000];
	_ =	sdelay $0x4  }
0x9d: {  	s0 =	sor.u32 $0x450, s2;
	[tilespmem:v17+s18+$0x0] =	vst.idx.msk $0xffff, v16  }
0x9e: {  	v17 =	vor.u32 s31, v13;
	v16 =	vld [tilespmem:s0+$0x0];
	_ =	sdelay $0x4  }
0x9f: {  	[tilespmem:v17+s17+$0x0] =	vst.idx.msk $0xffff, v16  }
0xa0: {  	v16 =	vld [tilespmem:s0+$0x4000];
	_ =	sdelay $0x4  }
0xa1: {  	s0 =	sor.u32 $0x460, s2;
	[tilespmem:v17+s18+$0x0] =	vst.idx.msk $0xffff, v16  }
0xa2: {  	v17 =	vor.u32 s31, v14;
	v16 =	vld [tilespmem:s0+$0x0];
	_ =	sdelay $0x4  }
0xa3: {  	[tilespmem:v17+s17+$0x0] =	vst.idx.msk $0xffff, v16  }
0xa4: {  	v16 =	vld [tilespmem:s0+$0x4000];
	_ =	sdelay $0x4  }
0xa5: {  	s2 =	sor.u32 $0x470, s2;
	[tilespmem:v17+s18+$0x0] =	vst.idx.msk $0xffff, v16  }
0xa6: {  	v17 =	vor.u32 s31, v15;
	v16 =	vld [tilespmem:s2+$0x0];
	_ =	sdelay $0x4  }
0xa7: {  	[tilespmem:v17+s17+$0x0] =	vst.idx.msk $0xffff, v16  }
0xa8: {  	v16 =	vld [tilespmem:s2+$0x4000];
	_ =	sdelay $0x2  }
0xa9: {  	s31 =	sadd.s32 $0xFFFFFF80, s23  }
0xaa: {  	s0 =	sand.u32 $0x300, s31  }
0xab: {  	s31 =	sadd.s32 $0x2, s28;
	s0 =	sor.u32 s29, s0;
	[tilespmem:v17+s18+$0x0] =	vst.idx.msk $0xffff, v16  }
0xac: {  	v17 =	vor.u32 s31, v0;
	v16 =	vld [tilespmem:s0+$0x0];
	_ =	sdelay $0x4  }
0xad: {  	[tilespmem:v17+s17+$0x0] =	vst.idx.msk $0xffff, v16  }
0xae: {  	v16 =	vld [tilespmem:s0+$0x4000];
	_ =	sdelay $0x4  }
0xaf: {  	[tilespmem:v17+s18+$0x0] =	vst.idx.msk $0xffff, v16  }
0xb0: {  	v17 =	vor.u32 s31, v1;
	v16 =	vld [tilespmem:s0+$0x10];
	_ =	sdelay $0x4  }
0xb1: {  	[tilespmem:v17+s17+$0x0] =	vst.idx.msk $0xffff, v16  }
0xb2: {  	v16 =	vld [tilespmem:s0+$0x4010];
	_ =	sdelay $0x4  }
0xb3: {  	[tilespmem:v17+s18+$0x0] =	vst.idx.msk $0xffff, v16  }
0xb4: {  	v17 =	vor.u32 s31, v2;
	v16 =	vld [tilespmem:s0+$0x20];
	_ =	sdelay $0x4  }
0xb5: {  	[tilespmem:v17+s17+$0x0] =	vst.idx.msk $0xffff, v16  }
0xb6: {  	v16 =	vld [tilespmem:s0+$0x4020];
	_ =	sdelay $0x4  }
0xb7: {  	[tilespmem:v17+s18+$0x0] =	vst.idx.msk $0xffff, v16  }
0xb8: {  	v17 =	vor.u32 s31, v3;
	v16 =	vld [tilespmem:s0+$0x30];
	_ =	sdelay $0x4  }
0xb9: {  	[tilespmem:v17+s17+$0x0] =	vst.idx.msk $0xffff, v16  }
0xba: {  	v16 =	vld [tilespmem:s0+$0x4030];
	_ =	sdelay $0x4  }
0xbb: {  	[tilespmem:v17+s18+$0x0] =	vst.idx.msk $0xffff, v16  }
0xbc: {  	v17 =	vor.u32 s31, v4;
	v16 =	vld [tilespmem:s0+$0x40];
	_ =	sdelay $0x4  }
0xbd: {  	[tilespmem:v17+s17+$0x0] =	vst.idx.msk $0xffff, v16  }
0xbe: {  	v16 =	vld [tilespmem:s0+$0x4040];
	_ =	sdelay $0x4  }
0xbf: {  	[tilespmem:v17+s18+$0x0] =	vst.idx.msk $0xffff, v16  }
0xc0: {  	v17 =	vor.u32 s31, v5;
	v16 =	vld [tilespmem:s0+$0x50];
	_ =	sdelay $0x4  }
0xc1: {  	[tilespmem:v17+s17+$0x0] =	vst.idx.msk $0xffff, v16  }
0xc2: {  	v16 =	vld [tilespmem:s0+$0x4050];
	_ =	sdelay $0x4  }
0xc3: {  	[tilespmem:v17+s18+$0x0] =	vst.idx.msk $0xffff, v16  }
0xc4: {  	v17 =	vor.u32 s31, v6;
	v16 =	vld [tilespmem:s0+$0x60];
	_ =	sdelay $0x4  }
0xc5: {  	[tilespmem:v17+s17+$0x0] =	vst.idx.msk $0xffff, v16  }
0xc6: {  	v16 =	vld [tilespmem:s0+$0x4060];
	_ =	sdelay $0x4  }
0xc7: {  	[tilespmem:v17+s18+$0x0] =	vst.idx.msk $0xffff, v16  }
0xc8: {  	v17 =	vor.u32 s31, v7;
	v16 =	vld [tilespmem:s0+$0x70];
	_ =	sdelay $0x4  }
0xc9: {  	[tilespmem:v17+s17+$0x0] =	vst.idx.msk $0xffff, v16  }
0xca: {  	v16 =	vld [tilespmem:s0+$0x4070]  }
0xcb: {  	s2 =	sand.u32 $0x3, s24  }
0xcc: {  	s0 =	sshll.u32 s2, $0x8  }
0xcd: {  	s0 =	sadd.s32 s25, s0  }
0xce: {  	s0 =	sadd.s32 $0x100, s0  }
0xcf: {  	s2 =	sor.u32 $0x400, s0;
	[tilespmem:v17+s18+$0x0] =	vst.idx.msk $0xffff, v16  }
0xd0: {  	v17 =	vor.u32 s31, v8;
	v16 =	vld [tilespmem:s2+$0x0];
	_ =	sdelay $0x4  }
0xd1: {  	[tilespmem:v17+s17+$0x0] =	vst.idx.msk $0xffff, v16  }
0xd2: {  	v16 =	vld [tilespmem:s2+$0x4000];
	_ =	sdelay $0x4  }
0xd3: {  	s2 =	sor.u32 $0x410, s0;
	[tilespmem:v17+s18+$0x0] =	vst.idx.msk $0xffff, v16  }
0xd4: {  	v17 =	vor.u32 s31, v9;
	v16 =	vld [tilespmem:s2+$0x0];
	_ =	sdelay $0x4  }
0xd5: {  	[tilespmem:v17+s17+$0x0] =	vst.idx.msk $0xffff, v16  }
0xd6: {  	v16 =	vld [tilespmem:s2+$0x4000];
	_ =	sdelay $0x4  }
0xd7: {  	s2 =	sor.u32 $0x420, s0;
	[tilespmem:v17+s18+$0x0] =	vst.idx.msk $0xffff, v16  }
0xd8: {  	v17 =	vor.u32 s31, v10;
	v16 =	vld [tilespmem:s2+$0x0];
	_ =	sdelay $0x4  }
0xd9: {  	[tilespmem:v17+s17+$0x0] =	vst.idx.msk $0xffff, v16  }
0xda: {  	v16 =	vld [tilespmem:s2+$0x4000];
	_ =	sdelay $0x4  }
0xdb: {  	s2 =	sor.u32 $0x430, s0;
	[tilespmem:v17+s18+$0x0] =	vst.idx.msk $0xffff, v16  }
0xdc: {  	v17 =	vor.u32 s31, v11;
	v16 =	vld [tilespmem:s2+$0x0];
	_ =	sdelay $0x4  }
0xdd: {  	[tilespmem:v17+s17+$0x0] =	vst.idx.msk $0xffff, v16  }
0xde: {  	v16 =	vld [tilespmem:s2+$0x4000];
	_ =	sdelay $0x4  }
0xdf: {  	s2 =	sor.u32 $0x440, s0;
	[tilespmem:v17+s18+$0x0] =	vst.idx.msk $0xffff, v16  }
0xe0: {  	v17 =	vor.u32 s31, v12;
	v16 =	vld [tilespmem:s2+$0x0];
	_ =	sdelay $0x4  }
0xe1: {  	[tilespmem:v17+s17+$0x0] =	vst.idx.msk $0xffff, v16  }
0xe2: {  	v16 =	vld [tilespmem:s2+$0x4000];
	_ =	sdelay $0x4  }
0xe3: {  	s2 =	sor.u32 $0x450, s0;
	[tilespmem:v17+s18+$0x0] =	vst.idx.msk $0xffff, v16  }
0xe4: {  	v17 =	vor.u32 s31, v13;
	v16 =	vld [tilespmem:s2+$0x0];
	_ =	sdelay $0x4  }
0xe5: {  	[tilespmem:v17+s17+$0x0] =	vst.idx.msk $0xffff, v16  }
0xe6: {  	v16 =	vld [tilespmem:s2+$0x4000];
	_ =	sdelay $0x4  }
0xe7: {  	s2 =	sor.u32 $0x460, s0;
	[tilespmem:v17+s18+$0x0] =	vst.idx.msk $0xffff, v16  }
0xe8: {  	v17 =	vor.u32 s31, v14;
	v16 =	vld [tilespmem:s2+$0x0];
	_ =	sdelay $0x4  }
0xe9: {  	[tilespmem:v17+s17+$0x0] =	vst.idx.msk $0xffff, v16  }
0xea: {  	v16 =	vld [tilespmem:s2+$0x4000];
	_ =	sdelay $0x4  }
0xeb: {  	s0 =	sor.u32 $0x470, s0;
	[tilespmem:v17+s18+$0x0] =	vst.idx.msk $0xffff, v16  }
0xec: {  	v17 =	vor.u32 s31, v15;
	v16 =	vld [tilespmem:s0+$0x0];
	_ =	sdelay $0x4  }
0xed: {  	[tilespmem:v17+s17+$0x0] =	vst.idx.msk $0xffff, v16  }
0xee: {  	v16 =	vld [tilespmem:s0+$0x4000];
	_ =	sdelay $0x3  }
0xef: {  	s2 =	sand.u32 $0x380, s23  }
0xf0: {  	s31 =	sadd.s32 $0x3, s28;
	s0 =	sor.u32 s29, s2;
	[tilespmem:v17+s18+$0x0] =	vst.idx.msk $0xffff, v16  }
0xf1: {  	v17 =	vor.u32 s31, v0;
	v16 =	vld [tilespmem:s0+$0x0];
	_ =	sdelay $0x4  }
0xf2: {  	[tilespmem:v17+s17+$0x0] =	vst.idx.msk $0xffff, v16  }
0xf3: {  	v16 =	vld [tilespmem:s0+$0x4000];
	_ =	sdelay $0x4  }
0xf4: {  	[tilespmem:v17+s18+$0x0] =	vst.idx.msk $0xffff, v16  }
0xf5: {  	v17 =	vor.u32 s31, v1;
	v16 =	vld [tilespmem:s0+$0x10];
	_ =	sdelay $0x4  }
0xf6: {  	[tilespmem:v17+s17+$0x0] =	vst.idx.msk $0xffff, v16  }
0xf7: {  	v16 =	vld [tilespmem:s0+$0x4010];
	_ =	sdelay $0x4  }
0xf8: {  	[tilespmem:v17+s18+$0x0] =	vst.idx.msk $0xffff, v16  }
0xf9: {  	v17 =	vor.u32 s31, v2;
	v16 =	vld [tilespmem:s0+$0x20];
	_ =	sdelay $0x4  }
0xfa: {  	[tilespmem:v17+s17+$0x0] =	vst.idx.msk $0xffff, v16  }
0xfb: {  	v16 =	vld [tilespmem:s0+$0x4020];
	_ =	sdelay $0x4  }
0xfc: {  	[tilespmem:v17+s18+$0x0] =	vst.idx.msk $0xffff, v16  }
0xfd: {  	v17 =	vor.u32 s31, v3;
	v16 =	vld [tilespmem:s0+$0x30];
	_ =	sdelay $0x4  }
0xfe: {  	[tilespmem:v17+s17+$0x0] =	vst.idx.msk $0xffff, v16  }
0xff: {  	v16 =	vld [tilespmem:s0+$0x4030];
	_ =	sdelay $0x4  }
0x100: {  	[tilespmem:v17+s18+$0x0] =	vst.idx.msk $0xffff, v16  }
0x101: {  	v17 =	vor.u32 s31, v4;
	v16 =	vld [tilespmem:s0+$0x40];
	_ =	sdelay $0x4  }
0x102: {  	[tilespmem:v17+s17+$0x0] =	vst.idx.msk $0xffff, v16  }
0x103: {  	v16 =	vld [tilespmem:s0+$0x4040];
	_ =	sdelay $0x4  }
0x104: {  	[tilespmem:v17+s18+$0x0] =	vst.idx.msk $0xffff, v16  }
0x105: {  	v17 =	vor.u32 s31, v5;
	v16 =	vld [tilespmem:s0+$0x50];
	_ =	sdelay $0x4  }
0x106: {  	[tilespmem:v17+s17+$0x0] =	vst.idx.msk $0xffff, v16  }
0x107: {  	v16 =	vld [tilespmem:s0+$0x4050];
	_ =	sdelay $0x4  }
0x108: {  	[tilespmem:v17+s18+$0x0] =	vst.idx.msk $0xffff, v16  }
0x109: {  	v17 =	vor.u32 s31, v6;
	v16 =	vld [tilespmem:s0+$0x60];
	_ =	sdelay $0x4  }
0x10a: {  	[tilespmem:v17+s17+$0x0] =	vst.idx.msk $0xffff, v16  }
0x10b: {  	v16 =	vld [tilespmem:s0+$0x4060];
	_ =	sdelay $0x4  }
0x10c: {  	[tilespmem:v17+s18+$0x0] =	vst.idx.msk $0xffff, v16  }
0x10d: {  	v17 =	vor.u32 s31, v7;
	v16 =	vld [tilespmem:s0+$0x70];
	_ =	sdelay $0x4  }
0x10e: {  	[tilespmem:v17+s17+$0x0] =	vst.idx.msk $0xffff, v16  }
0x10f: {  	v16 =	vld [tilespmem:s0+$0x4070];
	_ =	sdelay $0x3  }
0x110: {  	s0 =	sadd.s32 $0x180, s30  }
0x111: {  	s30 =	sor.u32 $0x400, s0;
	[tilespmem:v17+s18+$0x0] =	vst.idx.msk $0xffff, v16  }
0x112: {  	v17 =	vor.u32 s31, v8;
	v16 =	vld [tilespmem:s30+$0x0];
	_ =	sdelay $0x4  }
0x113: {  	[tilespmem:v17+s17+$0x0] =	vst.idx.msk $0xffff, v16  }
0x114: {  	v16 =	vld [tilespmem:s30+$0x4000];
	_ =	sdelay $0x4  }
0x115: {  	s29 =	sor.u32 $0x410, s0;
	[tilespmem:v17+s18+$0x0] =	vst.idx.msk $0xffff, v16  }
0x116: {  	v17 =	vor.u32 s31, v9;
	v16 =	vld [tilespmem:s29+$0x0];
	_ =	sdelay $0x4  }
0x117: {  	[tilespmem:v17+s17+$0x0] =	vst.idx.msk $0xffff, v16  }
0x118: {  	v16 =	vld [tilespmem:s29+$0x4000];
	_ =	sdelay $0x4  }
0x119: {  	s30 =	sor.u32 $0x420, s0;
	[tilespmem:v17+s18+$0x0] =	vst.idx.msk $0xffff, v16  }
0x11a: {  	v17 =	vor.u32 s31, v10;
	v16 =	vld [tilespmem:s30+$0x0];
	_ =	sdelay $0x4  }
0x11b: {  	[tilespmem:v17+s17+$0x0] =	vst.idx.msk $0xffff, v16  }
0x11c: {  	v16 =	vld [tilespmem:s30+$0x4000];
	_ =	sdelay $0x4  }
0x11d: {  	s29 =	sor.u32 $0x430, s0;
	[tilespmem:v17+s18+$0x0] =	vst.idx.msk $0xffff, v16  }
0x11e: {  	v17 =	vor.u32 s31, v11;
	v16 =	vld [tilespmem:s29+$0x0];
	_ =	sdelay $0x4  }
0x11f: {  	[tilespmem:v17+s17+$0x0] =	vst.idx.msk $0xffff, v16  }
0x120: {  	v16 =	vld [tilespmem:s29+$0x4000];
	_ =	sdelay $0x4  }
0x121: {  	s30 =	sor.u32 $0x440, s0;
	[tilespmem:v17+s18+$0x0] =	vst.idx.msk $0xffff, v16  }
0x122: {  	v17 =	vor.u32 s31, v12;
	v16 =	vld [tilespmem:s30+$0x0];
	_ =	sdelay $0x4  }
0x123: {  	[tilespmem:v17+s17+$0x0] =	vst.idx.msk $0xffff, v16  }
0x124: {  	v16 =	vld [tilespmem:s30+$0x4000];
	_ =	sdelay $0x4  }
0x125: {  	s29 =	sor.u32 $0x450, s0;
	[tilespmem:v17+s18+$0x0] =	vst.idx.msk $0xffff, v16  }
0x126: {  	v17 =	vor.u32 s31, v13;
	v16 =	vld [tilespmem:s29+$0x0];
	_ =	sdelay $0x4  }
0x127: {  	[tilespmem:v17+s17+$0x0] =	vst.idx.msk $0xffff, v16  }
0x128: {  	v16 =	vld [tilespmem:s29+$0x4000];
	_ =	sdelay $0x4  }
0x129: {  	s30 =	sor.u32 $0x460, s0;
	[tilespmem:v17+s18+$0x0] =	vst.idx.msk $0xffff, v16  }
0x12a: {  	v17 =	vor.u32 s31, v14;
	v16 =	vld [tilespmem:s30+$0x0];
	_ =	sdelay $0x4  }
0x12b: {  	[tilespmem:v17+s17+$0x0] =	vst.idx.msk $0xffff, v16  }
0x12c: {  	v16 =	vld [tilespmem:s30+$0x4000];
	_ =	sdelay $0x4  }
0x12d: {  	s0 =	sor.u32 $0x470, s0;
	[tilespmem:v17+s18+$0x0] =	vst.idx.msk $0xffff, v16  }
0x12e: {  	v17 =	vor.u32 s31, v15;
	v16 =	vld [tilespmem:s0+$0x0];
	_ =	sdelay $0x4  }
0x12f: {  	[tilespmem:v17+s17+$0x0] =	vst.idx.msk $0xffff, v16  }
0x130: {  	p1 =	slt.u32 s28, $0x3C;
	v16 =	vld [tilespmem:s0+$0x4000]  }
.Ltmp0:
0x131: {  	_ = 	snop;
	(pc) =	sbr.rel @p1 .LBB2_3-.Ltmp0, $3  }
0x132: {  	_ =	sdelay $0x1  }
0x133: {  	p0 =	por !p0, !p0;
	s26 =	sadd.s32 $0x4, s26;
	s24 =	sadd.s32 $0x2, s24  }
0x134: {  	s25 =	sadd.s32 $0x400, s25;
	s23 =	sadd.s32 $0x200, s23;
	s28 =	sadd.s32 $0x4, s28;
	[tilespmem:v17+s18+$0x0] =	vst.idx.msk $0xffff, v16  }
0x135: {  	s0 =	sshll.u32 s22, $0xB;
	s21 =	sadd.s32 $0x1, s21  }
0x136: {  	s2 =	sadd.s32 s6, s0;
	p0 =	sge.u32 s21, s8  }
0x137: {  	[hbm4b:s2+s4] =	stream.linear.scatter [tilespmem:s17], [sflag:$0x2], $0x4000, $0x38;
	[tilespmem:$0x10000] =	vst v63  }
0x138: {  	s31 =	sadd.s32 s7, s0;
	s0 =	sshrl.u32 @!p0 s0, $0x3  }
0x139: {  	s22 =	simm.s32 @!p0 $0x800;
	s0 =	sadd.s32 @!p0 $0x100, s0  }
0x13a: {  	[hbm4b:s31+s4] =	stream.linear.scatter [tilespmem:s18], [sflag:$0x2], $0x4000, $0x38;
	[tilespmem:$0x10000] =	vst v63  }
0x13b: {  	s23 =	simm.s32 @!p0 $0x7A1400;
	s24 =	simm.s32 @!p0 $0x0;
	s2 =	sadd.s32 @!p0 s1, s0  }
0x13c: {  	[tilespmem:s24], [sflag:$0x1] =	stream.strided.gather @!p0 [hbm4b:s2+s22], $0x4000, s23, s22, $0x38;
	[tilespmem:$0x10000] =	vst v63  }
0x13d: {  	s0 =	sadd.s32 @!p0 s3, s0;
	s2 =	simm.s32 @!p0 $0x4000  }
0x13e: {  	[tilespmem:s2], [sflag:$0x1] =	stream.strided.gather @!p0 [hbm4b:s0+s22], $0x4000, s23, s22, $0x38;
	[tilespmem:$0x10000] =	vst v63  }
0x13f: {  	p0 =	sne.s32 s21, s11  }
.Ltmp1:
0x140: {  	_ = 	snop;
	(pc) =	sbr.rel @p0 .LBB2_2-.Ltmp1, $1  }
0x141: {  	_ =	sdelay $0x3  }
0x142: {  	s20 =	sadd.s32 $0x1, s20  }
0x143: {  	_ =	swait.ge [sflag:s19], $0x4000;
	p0 =	sne.s32 s20, s12  }
.Ltmp2:
0x144: {  	[sflag:s19] =	ssyncset.done $0x0;
	(pc) =	sbr.rel @p0 .LBB2_1-.Ltmp2, $4  }
0x145: {  	[sflag:s19] =	ssyncadd.s32 $0xFFFFC000  }
0x146: {  	_ =	swait.ge [sflag:s19], $0x4000  }
0x147: {  	[sflag:s19] =	ssyncset.done $0x0  }
0x148: {  	[sflag:s19] =	ssyncadd.s32 $0xFFFFC000  }
0x149: {  	_ =	sfence.sel $0x180000  }
0x14a: {  	[bflag:$0x0] =	sbarrier.arrive $0xFFFF  }
0x14b: {  	_ =	strace $0x90000047  }
0x14c: {  	s0 =	stileid.u32;
	[bflag:$0x2] =	sbarrier.arrive $0xFFFF  }
0x14d: {  	p0 =	sne.s32 s0, $0x0;
	s0 =	rddreg [dreg:$0x3]  }
0x14e: {  	s0 =	sadd.s32 @!p0 $0x100000, s0  }
0x14f: {  	[sflag:s0] =	ssyncadd.tile.s32 @!p0 $0x1;
	_ =	shalt  }
.Lfunc_end2:
_tile_overlayer_lowered:
.L_overlay_start_2:
0x150: {  	(tag) =	ssettag $0x2  }
0x151: {  	s0 =	rddreg [dreg:$0x0];
	s2 =	stileid.u32  }
0x152: {  	s1 =	rddreg [dreg:$0x1];
	p0 =	sne.s32 s2, $0x0  }
0x153: {  	s3 =	rddreg [dreg:$0x2];
	[bflag:$0x3] =	sbarrier.arrive $0xFFFF;
	s2 =	simm.s32 @!p0 $0x1C03  }
0x154: {  	[timem:s3], [sflag:s2] =	dma.local @!p0 [hbm:s0], s1  }
0x155: {  	s0 =	simm.s32 @!p0 $0x3  }
0x156: {  	_ =	swait.ge @!p0 [sflag:s0], s1  }
0x157: {  	s1 =	ssub.s32 @!p0 $0x0, s1;
	[sflag:s0] =	ssyncset.done @!p0 $0x0  }
0x158: {  	[sflag:s0] =	ssyncadd.s32 @!p0 s1  }
0x159: {  	[bflag:$0x3] =	sbarrier.arrive $0xFFFF  }
0x15a: {  	_ =	shalt  }

// kernel: _gmf.7.cloned.1.call-start
scs
__scs_entry_jumppad:
0x0: {  	(pc) =	sbr.rel $0x88, $3  }
0x1: {  	(tag) =	ssettag $0x0;
	lr =	simm.s32 $0x1  }
0x2: {  	[smem:$0x3F9C] =	sst lr;
	_ =	strace $0xD0000000  }
0x3: {  	_ = 	snop  }
0x4: {  	_ = 	snop  }
0x5: {  	_ = 	snop  }
0x6: {  	_ = 	snop  }
0x7: {  	_ = 	snop  }
__scs_overlays_trampoline_lowered:
0x8: {  	[smem:$0x3FAB] =	sst s0  }
0x9: {  	[smem:$0x3FAC] =	sst s1  }
0xa: {  	[smem:$0x3FAD] =	sst s2  }
0xb: {  	[smem:$0x3FAE] =	sst s3  }
0xc: {  	[smem:$0x3FAF] =	sst s4  }
0xd: {  	[smem:$0x3FB0] =	sst s5  }
0xe: {  	[smem:$0x3FB1] =	sst s6  }
0xf: {  	[smem:$0x3FB2] =	sst s7  }
0x10: {  	[smem:$0x3FB3] =	sst s8  }
0x11: {  	[smem:$0x3FB4] =	sst s9;
	s0 =	simm.s32 @!p0 $0x0  }
0x12: {  	s1 =	sld [smem:$0x3F9A];
	s0 =	simm.s32 @p0 $0x1  }
0x13: {  	[smem:$0x3FB5] =	sst s0;
	s0 =	simm.s32 @!p1 $0x0  }
0x14: {  	s2 =	sld [smem:$0x3F99];
	s0 =	simm.s32 @p1 $0x1  }
0x15: {  	[smem:$0x3FB6] =	sst s0;
	s0 =	simm.s32 @!p2 $0x0  }
0x16: {  	s3 =	sld [smem:$0x3FDB];
	s0 =	simm.s32 @p2 $0x1  }
0x17: {  	s4 =	simm.s32 $0x1BF5;
	[smem:$0x3FB8] =	sst s0  }
0x18: {  	s0 =	sld [smem:$0x3F9B];
	_ =	swait.ge [sflag:s4], $0x0  }
0x19: {  	s7 =	sld [smem:$0x3F9C]  }
0x1a: {  	s8 =	sadd.s32 $0xFFFFE003, lr  }
0x1b: {  	s9 =	sadd.s32 $0xFFFFFEF7, lr;
	s5 =	simm.s32 $0xFFFFFFFF;
	p2 =	slt.u32 s8, $0xFFFFF086  }
0x1c: {  	p1 =	slt.u32 s9, $0xF7A;
	s5 =	simm.s32 @!p2 $0x0  }
0x1d: {  	s5 =	simm.s32 @p1 $0x1;
	p0 =	seq.s32 s7, s2  }
0x1e: {  	s7 =	smul.u32 @!p0 $0xF7A, s2;
	p2 =	seq.s32 @!p0 s5, $0x0  }
0x1f: {  	s9 =	smul.u32 $0xF7A, s1;
	s8 =	simm.s32 @!p0 $0x1BF5;
	p2 =	por !p2, p0  }
0x20: {  	[sflag:s8] =	ssyncset.s32 @!p0 $0xFFFFF086;
	s6 =	sadd.s32 @!p0 s3, s7;
	s7 =	simm.s32 @!p0 $0x108  }
0x21: {  	s3 =	sadd.s32 s3, s9;
	s6 =	sadd.s32 @!p0 $0x88, s6;
	s7 =	simm.s32 @p2 $0x1082  }
0x22: {  	[simem:s7], [sflag:s8] =	dma.local @!p0 [hbm:s6], $0xF7A  }
0x23: {  	s9 =	sor.u32 $0xD0000000, s2;
	s6 =	simm.s32 $0x108;
	_ =	swait.ge @!p0 [sflag:s8], $0x0  }
0x24: {  	s3 =	sadd.s32 $0x88, s3;
	s6 =	simm.s32 @!p1 $0x1082;
	[sflag:s4] =	ssyncset.s32 $0xFFFFF086  }
0x25: {  	[simem:s6], [sflag:s4] =	dma.local [hbm:s3], $0xF7A  }
0x26: {  	[smem:$0x3F9C] =	sst s1;
	(tag) =	ssettag s2;
	_ =	strace s9  }
0x27: {  	s1 =	sld [smem:$0x3FAC]  }
0x28: {  	s2 =	sld [smem:$0x3FAD]  }
0x29: {  	s4 =	sld [smem:$0x3FAF]  }
0x2a: {  	p0 =	seq.s32 s5, $0x0;
	s5 =	sld [smem:$0x3FB0]  }
0x2b: {  	s6 =	sld [smem:$0x3FB1]  }
0x2c: {  	s7 =	sld [smem:$0x3FB2]  }
0x2d: {  	s3 =	simm.s32 $0x108;
	s8 =	sld [smem:$0x3FB3]  }
0x2e: {  	s3 =	simm.s32 @!p0 $0x1082;
	s9 =	sld [smem:$0x3FB4]  }
0x2f: {  	lr =	sadd.s32 s0, s3;
	s0 =	sld [smem:$0x3FAB]  }
0x30: {  	s3 =	sld [smem:$0x3FAE]  }
0x31: {  	[smem:$0x3FB7] =	sst s10  }
0x32: {  	s10 =	sld [smem:$0x3FB5];
	_ =	sdelay $0x3  }
0x33: {  	p0 =	seq.s32 s10, $0x1;
	s10 =	sld [smem:$0x3FB7];
	_ =	sdelay $0x3  }
0x34: {  	[smem:$0x3FB7] =	sst s10  }
0x35: {  	s10 =	sld [smem:$0x3FB6];
	_ =	sdelay $0x3  }
0x36: {  	p1 =	seq.s32 s10, $0x1;
	s10 =	sld [smem:$0x3FB7];
	_ =	sdelay $0x3  }
0x37: {  	[smem:$0x3FB7] =	sst s10  }
0x38: {  	s10 =	sld [smem:$0x3FB8]  }
0x39: {  	_ = 	snop;
	(pc) =	sbr.ind lr, $3  }
0x3a: {  	_ = 	snop  }
0x3b: {  	_ = 	snop  }
0x3c: {  	p2 =	seq.s32 s10, $0x1;
	s10 =	sld [smem:$0x3FB7]  }
0x3d: {  	_ =	shalt  }
0x3e: {  	_ =	shalt  }
0x3f: {  	_ =	shalt  }
0x40: {  	_ =	shalt  }
0x41: {  	_ =	shalt  }
0x42: {  	_ =	shalt  }
0x43: {  	_ =	shalt  }
0x44: {  	_ =	shalt  }
0x45: {  	_ =	shalt  }
0x46: {  	_ =	shalt  }
0x47: {  	_ =	shalt  }
0x48: {  	_ =	shalt  }
0x49: {  	_ =	shalt  }
0x4a: {  	_ =	shalt  }
0x4b: {  	_ =	shalt  }
0x4c: {  	_ =	shalt  }
0x4d: {  	_ =	shalt  }
0x4e: {  	_ =	shalt  }
0x4f: {  	_ =	shalt  }
0x50: {  	_ =	shalt  }
0x51: {  	_ =	shalt  }
0x52: {  	_ =	shalt  }
0x53: {  	_ =	shalt  }
0x54: {  	_ =	shalt  }
0x55: {  	_ =	shalt  }
0x56: {  	_ =	shalt  }
0x57: {  	_ =	shalt  }
0x58: {  	_ =	shalt  }
0x59: {  	_ =	shalt  }
0x5a: {  	_ =	shalt  }
0x5b: {  	_ =	shalt  }
0x5c: {  	_ =	shalt  }
0x5d: {  	_ =	shalt  }
0x5e: {  	_ =	shalt  }
0x5f: {  	_ =	shalt  }
0x60: {  	_ =	shalt  }
0x61: {  	_ =	shalt  }
0x62: {  	_ =	shalt  }
0x63: {  	_ =	shalt  }
0x64: {  	_ =	shalt  }
0x65: {  	_ =	shalt  }
0x66: {  	_ =	shalt  }
0x67: {  	_ =	shalt  }
0x68: {  	_ =	shalt  }
0x69: {  	_ =	shalt  }
0x6a: {  	_ =	shalt  }
0x6b: {  	_ =	shalt  }
0x6c: {  	_ =	shalt  }
0x6d: {  	_ =	shalt  }
0x6e: {  	_ =	shalt  }
0x6f: {  	_ =	shalt  }
0x70: {  	_ =	shalt  }
0x71: {  	_ =	shalt  }
0x72: {  	_ =	shalt  }
0x73: {  	_ =	shalt  }
0x74: {  	_ =	shalt  }
0x75: {  	_ =	shalt  }
0x76: {  	_ =	shalt  }
0x77: {  	_ =	shalt  }
0x78: {  	_ =	shalt  }
0x79: {  	_ =	shalt  }
0x7a: {  	_ =	shalt  }
0x7b: {  	_ =	shalt  }
0x7c: {  	_ =	shalt  }
0x7d: {  	_ =	shalt  }
0x7e: {  	_ =	shalt  }
0x7f: {  	_ =	shalt  }
0x80: {  	_ =	shalt  }
0x81: {  	_ =	shalt  }
0x82: {  	_ =	shalt  }
0x83: {  	_ =	shalt  }
0x84: {  	_ =	shalt  }
0x85: {  	_ =	shalt  }
0x86: {  	_ =	shalt  }
0x87: {  	_ =	shalt  }
.Lfunc_end0:
.L_simem_size_0:
called_computation.1_lowered:
.L_overlay_start_0:
0x88: {  	s2 =	sld [smem:$0x3FD9]  }
0x89: {  	s3 =	sld [smem:$0x3FFE];
	_ =	sdelay $0x1  }
0x8a: {  	s1 =	srdreg.scid  }
0x8b: {  	s0 =	sand.u32 $0x1, s1  }
0x8c: {  	s17 =	sshll.u32 s0, $0xA;
	s2 =	sadd.s32 s3, s2  }
0x8d: {  	s2 =	sadd.s32 s2, s17  }
0x8e: {  	[smem:$0x3FC3] =	sst s2  }
0x8f: {  	_ = 	snop  }
0x90: {  	s2 =	sld [smem:$0x3FC9]  }
0x91: {  	s18 =	sld [smem:$0x3FC8]  }
0x92: {  	s4 =	sld [smem:$0x3FC5]  }
0x93: {  	s5 =	sld [smem:$0x3FD0];
	(tm) =	ssettm $0x1  }
0x94: {  	s6 =	sld [smem:$0x3FFB];
	_ =	sdelay $0x3  }
0x95: {  	_ =	strace s6  }
0x96: {  	s6 =	sld [smem:$0x3FFC];
	_ =	sdelay $0x3  }
0x97: {  	_ =	strace s6  }
0x98: {  	s6 =	sld [smem:$0x3FFD];
	_ =	sdelay $0x3  }
0x99: {  	_ =	strace s6  }
0x9a: {  	_ =	strace $0x8FFFFFFF  }
0x9b: {  	s19 =	sld [smem:$0x3FDB];
	_ =	sdelay $0x1  }
0x9c: {  	s7 =	simm.s32 $_scs_section_size  }
0x9d: {  	s8 =	simm.s32 $_size__tile_overlayer_lowered;
	s9 =	simm.s32 $_tile_overlayer_lowered  }
0x9e: {  	s22 =	simm.s32 $0x1BFF;
	s21 =	sshll.u32 s9, $0x1;
	s6 =	sadd.s32 s7, s19  }
0x9f: {  	s10 =	simm.s32 $0x0;
	s20 =	sshll.u32 s8, $0x1;
	s8 =	sadd.s32 s21, s6  }
0xa0: {  	[timem:s10], [sflag:s22] =	dma.local [hbm:s8], s20  }
0xa1: {  	_ =	swait.ge [sflag:s22], s20  }
0xa2: {  	s7 =	ssub.s32 $0x0, s20;
	[sflag:s22] =	ssyncset.done $0x0  }
0xa3: {  	[sflag:s22] =	ssyncadd.s32 s7;
	_ =	sdelay $0x1  }
0xa4: {  	s23 =	simm.s32 $0x1B8B  }
0xa5: {  	_ =	swait.ge [sflag:s23], $0x1  }
0xa6: {  	[sflag:s23] =	ssyncset.done $0x0  }
0xa7: {  	s25 =	simm.s32 $0x1B8E;
	s24 =	sld [smem:$0x3FFE];
	[sflag:s23] =	ssyncadd.s32 $0xFFFFFFFF  }
0xa8: {  	s26 =	simm.s32 $execute0_lowered;
	[smem:$0x3FD2] =	sst s25  }
0xa9: {  	s8 =	sshll.u32 s26, $0x1;
	_ =	strace $0x80000049;
	[dreg:$0x1] =	wrdreg $0xFFFFFFFF  }
0xaa: {  	s28 =	simm.s32 $_size_execute0_lowered;
	s6 =	sadd.s32 s6, s8;
	[dreg:$0x0] =	wrdreg $0x0  }
0xab: {  	s8 =	sshll.u32 s28, $0x1;
	[dreg:$0x2] =	wrdreg s6  }
0xac: {  	[dreg:$0x3] =	wrdreg s8  }
0xad: {  	[dreg:$0x4] =	wrdreg $0xC0  }
0xae: {  	_ =	task [dreg:s10], $0x5FFFF  }
0xaf: {  	[dreg:$0x1] =	wrdreg $0xFFFFFFFF  }
0xb0: {  	[dreg:$0x0] =	wrdreg $0x60  }
0xb1: {  	[dreg:$0x2] =	wrdreg s2  }
0xb2: {  	[dreg:$0x3] =	wrdreg s18  }
0xb3: {  	[dreg:$0x4] =	wrdreg s24  }
0xb4: {  	[dreg:$0x5] =	wrdreg s4  }
0xb5: {  	[dreg:$0x6] =	wrdreg s5  }
0xb6: {  	[dreg:$0x7] =	wrdreg $0x9  }
0xb7: {  	_ =	task.clear_ibuf [dreg:s10], $0x8FFFF;
	_ =	strace $0x90000049  }
0xb8: {  	s29 =	simm.s32 $0x9;
	_ =	strace $0x8000004B  }
0xb9: {  	_ =	swait.ge [sflag:s29], $0x1  }
0xba: {  	[sflag:s29] =	ssyncadd.s32 $0xFFFFFFFF  }
0xbb: {  	_ =	strace $0x9000004B  }
0xbc: {  	_ =	sfence  }
0xbd: {  	s30 =	sld [smem:$0x0];
	_ =	sdelay $0x2  }
0xbe: {  	s31 =	sshll.u32 s1, $0xD;
	s1 =	sshrl.u32 s1, $0x2  }
0xbf: {  	s3 =	sand.u32 $0x4000, s31;
	s1 =	sadd.s32 s1, s30  }
0xc0: {  	s0 =	sor.u32 s3, s0;
	s1 =	sshll.u32 s1, $0x11  }
0xc1: {  	s0 =	sor.u32 s1, s0  }
0xc2: {  	s0 =	sadd.s32 $0x8F2B, s0  }
0xc3: {  	[sflag:s0] =	ssyncadd.remote.s32 $0x1  }
0xc4: {  	_ =	sfence.sel $0xFFFF  }
0xc5: {  	[dreg:$0x0] =	wrdreg $0xFFFFFFFF;
	(pc) =	sbr.abs _section_cstart, $3  }
0xc6: {  	[dreg:$0x1] =	wrdreg $0xFFFFFFFF  }
0xc7: {  	_ =	task.clear_ibuf [dreg:s10], $0x2FFFF;
	_ =	strace $0x9FFFFFFF  }
0xc8: {  	(tm) =	ssettm $0x7FFFFFFF  }
0xc9: {  	_ =	shalt  }
tec
execute0_lowered:
.L_overlay_start_1:
0x0: {  	(tag) =	ssettag $0x1  }
0x1: {  	s0 =	rddreg [dreg:$0x0]  }
0x2: {  	s1 =	rddreg [dreg:$0x1]  }
0x3: {  	s3 =	rddreg [dreg:$0x2]  }
0x4: {  	s6 =	rddreg [dreg:$0x4];
	s2 =	simm.s32 $0x0  }
0x5: {  	s7 =	srdreg.scid;
	s9 =	stileid.u32;
	s12 =	simm.s32 $0x2  }
0x6: {  	s14 =	simm.s32 $0x10600;
	s15 =	simm.s32 $0x10680;
	s16 =	simm.s32 $0x12680  }
0x7: {  	s17 =	simm.s32 $0x100;
	s18 =	simm.s32 $0x400;
	s19 =	simm.s32 $0x600  }
0x8: {  	s20 =	simm.s32 $0x500;
	s21 =	simm.s32 $0x8600;
	s22 =	simm.s32 $0x1  }
0x9: {  	s24 =	simm.s32 $0x0;
	s26 =	simm.s32 $0x0;
	[smem:$0x7FF] =	sst s2  }
0xa: {  	s4 =	sadd.s32 $0xC00, s3;
	s5 =	sadd.s32 $0x7A1E00, s3;
	s8 =	sadd.s32 $0xF43000, s3  }
.Ltmp0:
0xb: {  	s7 =	sand.u32 $0x1, s7;
	s9 =	sshll.u32 s9, $0x7;
	(pc) =	sbr.rel .LBB2_1-.Ltmp0, $4  }
0xc: {  	_ =	strace $0x8000004A;
	s30 =	ssub.s32 $0x2, s7;
	s10 =	sshll.u32 s7, $0x6  }
0xd: {  	[dreg:$0x6] =	wrdreg s8;
	s31 =	sshrl.u32 s30, $0x1;
	s10 =	sor.u32 s10, s9  }
0xe: {  	v0 =	vlaneseq.u32;
	s7 =	sadd.s32 $0xF43400, s3;
	s3 =	ssub.s32 s30, s31;
	s8 =	sadd.s32 s0, s10  }
0xf: {  	v0 =	vmul.u32 $0x80, v0;
	s9 =	sadd.s32 s1, s10;
	s10 =	sadd.s32 s6, s10;
	s11 =	smax.u32 s3, $0x1  }
.LBB2_15:
0x10: {  	s24 =	sadd.s32 $0x1, s24  }
0x11: {  	p0 =	sne.s32 s24, s11  }
.Ltmp1:
0x12: {  	s0 =	simm.s32 $0x14680;
	(pc) =	sbr.rel @!p0 .LBB2_16-.Ltmp1, $4  }
0x13: {  	[hbm4b:s10+s2] =	stream.linear.scatter [tilespmem:s0], [sflag:$0x2], $0x200, $0x38;
	[tilespmem:$0x14880] =	vst v63  }
0x14: {  	_ =	swait.ge [sflag:s12], $0x200  }
0x15: {  	[sflag:s12] =	ssyncset.done $0x0  }
0x16: {  	[sflag:s12] =	ssyncadd.s32 $0xFFFFFE00  }
.LBB2_1:
0x17: {  	[tilespmem:s2], [sflag:$0x2] =	stream.linear.gather [hbm4b:s8+s2], $0x200, $0x38;
	[tilespmem:$0x14880] =	vst v63  }
0x18: {  	_ =	swait.ge [sflag:s12], $0x200  }
0x19: {  	[sflag:s12] =	ssyncset.done $0x0  }
0x1a: {  	s0 =	simm.s32 $0x200;
	[sflag:s12] =	ssyncadd.s32 $0xFFFFFE00  }
0x1b: {  	[tilespmem:s0], [sflag:$0x2] =	stream.linear.gather [hbm4b:s9+s2], $0x200, $0x38;
	[tilespmem:$0x14880] =	vst v63  }
0x1c: {  	_ =	swait.ge [sflag:s12], $0x200  }
0x1d: {  	[sflag:s12] =	ssyncset.done $0x0  }
0x1e: {  	[sflag:s12] =	ssyncadd.s32 $0xFFFFFE00  }
0x1f: {  	s30 =	rddreg [dreg:$0x3]  }
0x20: {  	[tilespmem:s14], [sflag:$0x2] =	stream.linear.gather [hbm4b:s30+s2], $0x80, $0x38;
	[tilespmem:$0x14880] =	vst v63  }
0x21: {  	_ =	swait.ge [sflag:s12], $0x80  }
0x22: {  	[sflag:s12] =	ssyncset.done $0x0  }
0x23: {  	s31 =	rddreg [dreg:$0x6];
	[sflag:s12] =	ssyncadd.s32 $0xFFFFFF80  }
0x24: {  	[tilespmem:s15], [sflag:$0x2] =	stream.linear.gather [hbm4b:s31+s2], $0x2000, $0x38;
	[tilespmem:$0x14880] =	vst v63  }
0x25: {  	_ =	swait.ge [sflag:s12], $0x2000  }
0x26: {  	[sflag:s12] =	ssyncset.done $0x0  }
.Ltmp2:
0x27: {  	[sflag:s12] =	ssyncadd.s32 $0xFFFFE000;
	(pc) =	sbr.rel .LBB2_2-.Ltmp2, $4  }
0x28: {  	[tilespmem:s16], [sflag:$0x2] =	stream.linear.gather [hbm4b:s7+s2], $0x2000, $0x38;
	[tilespmem:$0x14880] =	vst v63  }
0x29: {  	_ =	swait.ge [sflag:s12], $0x2000  }
0x2a: {  	[sflag:s12] =	ssyncset.done $0x0  }
0x2b: {  	p1 =	por $0x1, $0x1;
	s25 =	simm.s32 $0x0;
	[sflag:s12] =	ssyncadd.s32 $0xFFFFE000  }
.LBB2_14:
.Ltmp3:
0x2c: {  	(pc) =	sbr.rel @!p0 .LBB2_15-.Ltmp3, $2  }
0x2d: {  	_ =	sdelay $0x2  }
0x2e: {  	s25 =	simm.s32 $0x100;
	p1 =	por $0x0, $0x0  }
.LBB2_2:
0x2f: {  	s0 =	sshll.u32 s25, $0x2  }
0x30: {  	s0 =	sshra.s32 s0, $0x2  }
0x31: {  	s1 =	sadd.s32 $0x200, s0;
	v1 =	vmov s0  }
0x32: {  	v2 =	vmov s1;
	_ =	sdelay $0x2  }
0x33: {  	s0 =	simm.s32 $0x0  }
0x34: {  	v3 =	vld.idx.msk [tilespmem:v1+s0+$0x0 ss:$0x1], $0xffff  }
0x35: {  	v4 =	vld.idx.msk [tilespmem:v2+s0+$0x0 ss:$0x1], $0xffff;
	_ =	sdelay $0x3  }
0x36: {  	vm0 =	vlt.s32 v3, $0xF41FF  }
0x37: {  	v3 =	vnsel vm0, $0xF41FF, v3;
	vm15 =	vlt.s32 v4, $0xF41FF  }
0x38: {  	p0 =	por p1, p1;
	s1 =	simm.s32 $0x40;
	v3 =	vshrl.u32 v3, $0x1;
	v4 =	vnsel vm15, $0xF41FF, v4  }
.LBB2_3:
0x39: {  	p1 =	sne.s32 s1, $0x3C0;
	[tilespmem:s0+$0x400] =	vst v3;
	v3 =	vshrl.u32 v4, $0x1;
	s3 =	smov.u32 s1;
	s1 =	sadd.s32 $0x40, s1  }
0x3a: {  	[tilespmem:s0+$0x500] =	vst v3;
	s0 =	sshra.s32 s3, $0x2  }
0x3b: {  	v3 =	vld.idx.msk [tilespmem:v1+s0+$0x0 ss:$0x1], $0xffff  }
0x3c: {  	v4 =	vld.idx.msk [tilespmem:v2+s0+$0x0 ss:$0x1], $0xffff;
	_ =	sdelay $0x2  }
.Ltmp4:
0x3d: {  	(pc) =	sbr.rel @p1 .LBB2_3-.Ltmp4, $4  }
0x3e: {  	_ = 	snop  }
0x3f: {  	vm0 =	vlt.s32 v3, $0xF41FF  }
0x40: {  	v3 =	vnsel vm0, $0xF41FF, v3;
	vm0 =	vlt.s32 v4, $0xF41FF  }
0x41: {  	v3 =	vshrl.u32 v3, $0x1;
	v4 =	vnsel vm0, $0xF41FF, v4  }
0x42: {  	[tilespmem:s0+$0x400] =	vst v3;
	v1 =	vshrl.u32 v4, $0x1  }
0x43: {  	[tilespmem:s0+$0x500] =	vst v1  }
0x44: {  	[tilespmem:s19], [sflag:$0x1] =	stream.indirect.gather [hbm4b:s4+s17], $0x80, s18, s17, $0xb8;
	[tilespmem:$0x14880] =	vst v63  }
0x45: {  	_ = 	snop  }
0x46: {  	[tilespmem:s21], [sflag:$0x1] =	stream.indirect.gather [hbm4b:s5+s17], $0x80, s20, s17, $0xb8;
	[tilespmem:$0x14880] =	vst v63  }
0x47: {  	_ =	swait.ge [sflag:s22], $0x8000  }
.Ltmp5:
0x48: {  	[sflag:s22] =	ssyncset.done $0x0;
	(pc) =	sbr.rel .LBB2_5-.Ltmp5, $4  }
0x49: {  	[sflag:s22] =	ssyncadd.s32 $0xFFFF8000  }
0x4a: {  	_ =	swait.ge [sflag:s22], $0x8000  }
0x4b: {  	[sflag:s22] =	ssyncset.done $0x0  }
0x4c: {  	s28 =	simm.s32 $0x0;
	v1 =	vmov s25;
	[sflag:s22] =	ssyncadd.s32 $0xFFFF8000  }
.LBB2_12:
0x4d: {  	[tilespmem:s29+$0x14680] =	vst v6  }
.LBB2_13:
0x4e: {  	s28 =	sadd.s32 $0x1, s28  }
0x4f: {  	p1 =	sne.s32 s28, $0x10  }
.Ltmp6:
0x50: {  	_ = 	snop;
	(pc) =	sbr.rel @!p1 .LBB2_14-.Ltmp6, $1  }
0x51: {  	_ =	sdelay $0x3  }
.LBB2_5:
0x52: {  	_ =	sdelay $0x2  }
0x53: {  	s3 =	sshll.u32 s28, $0x4  }
0x54: {  	v5 =	vld.idx.msk [tilespmem:v1+s3+$0x0 ss:$0x1], $0xffff  }
0x55: {  	s1 =	simm.s32 $0x5;
	v4 =	vld.idx.msk [tilespmem:v1+s3+$0x200 ss:$0x1], $0xffff  }
0x56: {  	s6 =	simm.s32 $0x4;
	v10 =	vmov s1  }
0x57: {  	s13 =	simm.s32 $0x3;
	s23 =	simm.s32 $0x2;
	v12 =	vmov s6  }
0x58: {  	s29 =	simm.s32 $0x1;
	v2 =	vmov s3;
	v13 =	vmov s13;
	v14 =	vmov s23  }
0x59: {  	v15 =	vmov s29;
	v2 =	vshll.u32 v2, $0x7;
	v3 =	vshll.u32 v5, $0x6  }
0x5a: {  	v7 =	vor.u32 v0, v2;
	v6 =	vshll.u32 v4, $0x6;
	v3 =	vand.u32 $0x40, v3  }
0x5b: {  	s0 =	simm.s32 $0x6;
	v16 =	vld.idx.msk [tilespmem:v10+s14+$0x0], $0xffff;
	v2 =	vor.u32 v7, v3;
	v3 =	vand.u32 $0x40, v6;
	v6 =	vmov s26  }
0x5c: {  	v9 =	vmov s0;
	v17 =	vld.idx.msk [tilespmem:v12+s14+$0x0], $0xffff  }
0x5d: {  	v13 =	vld.idx.msk [tilespmem:v13+s14+$0x0], $0xffff;
	v3 =	vor.u32 v7, v3;
	v7 =	vor.u32 s26, v2  }
0x5e: {  	v14 =	vld.idx.msk [tilespmem:v14+s14+$0x0], $0xffff;
	v12 =	vor.u32 s23, v2  }
0x5f: {  	v15 =	vld.idx.msk [tilespmem:v15+s14+$0x0], $0xffff;
	v8 =	vor.u32 s26, v3  }
0x60: {  	v10 =	vor.u32 s29, v3;
	v11 =	vld.idx.msk [tilespmem:v6+s14+$0x0], $0xffff  }
0x61: {  	v6 =	vld.idx.msk [tilespmem:v9+s14+$0x0], $0xffff;
	v9 =	vor.u32 s29, v2  }
0x62: {  	v19 =	vor.u32 s13, v2;
	v7 =	vld.idx.msk [tilespmem:v7+s19+$0x0], $0xffff  }
0x63: {  	v18 =	vor.u32 s23, v3;
	v12 =	vld.idx.msk [tilespmem:v12+s19+$0x0], $0xffff  }
0x64: {  	v20 =	vor.u32 s13, v3;
	v8 =	vld.idx.msk [tilespmem:v8+s21+$0x0], $0xffff  }
0x65: {  	v21 =	vor.u32 s6, v2;
	v10 =	vld.idx.msk [tilespmem:v10+s21+$0x0], $0xffff  }
0x66: {  	v22 =	vor.u32 s6, v3;
	v9 =	vld.idx.msk [tilespmem:v9+s19+$0x0], $0xffff  }
0x67: {  	v23 =	vor.u32 s1, v2;
	v19 =	vld.idx.msk [tilespmem:v19+s19+$0x0], $0xffff  }
0x68: {  	v24 =	vor.u32 s1, v3;
	v18 =	vld.idx.msk [tilespmem:v18+s21+$0x0], $0xffff  }
0x69: {  	v7 =	vmul.f32 v8, v7;
	v8 =	vld.idx.msk [tilespmem:v20+s21+$0x0], $0xffff;
	v20 =	vor.u32 s0, v2  }
0x6a: {  	v25 =	vor.u32 s0, v3;
	s23 =	simm.s32 $0x7;
	v21 =	vld.idx.msk [tilespmem:v21+s19+$0x0], $0xffff  }
0x6b: {  	s30 =	simm.s32 $0x8;
	v7 =	vmul.f32 v11, v7;
	v11 =	vor.u32 s23, v2;
	v9 =	vmul.f32 v10, v9;
	v10 =	vld.idx.msk [tilespmem:v22+s21+$0x0], $0xffff  }
0x6c: {  	v26 =	vmov s30;
	v27 =	vor.u32 s23, v3;
	v23 =	vld.idx.msk [tilespmem:v23+s19+$0x0], $0xffff;
	v22 =	vimm.f32 $0.0e+00  }
0x6d: {  	v12 =	vmul.f32 v18, v12;
	v7 =	vadd.f32 v7, v22;
	v9 =	vmul.f32 v15, v9;
	v15 =	vld.idx.msk [tilespmem:v24+s21+$0x0], $0xffff  }
0x6e: {  	v18 =	vor.u32 s30, v2;
	v22 =	vld.idx.msk [tilespmem:v20+s19+$0x0], $0xffff;
	v20 =	vmov s23  }
0x6f: {  	v8 =	vmul.f32 v8, v19;
	v19 =	vld.idx.msk [tilespmem:v25+s21+$0x0], $0xffff;
	v7 =	vadd.f32 v9, v7;
	v9 =	vmul.f32 v14, v12  }
0x70: {  	s31 =	simm.s32 $0xE;
	v62 =	vor.u32 s30, v3;
	v11 =	vld.idx.msk [tilespmem:v11+s19+$0x0], $0xffff;
	v10 =	vmul.f32 v10, v21  }
0x71: {  	v63 =	vmov s31;
	s0 =	simm.s32 $0xD;
	v8 =	vmul.f32 v13, v8;
	v12 =	vld.idx.msk [tilespmem:v27+s21+$0x0], $0xffff;
	v9 =	vadd.f32 v9, v7  }
0x72: {  	s1 =	simm.s32 $0xC;
	v7 =	vld.idx.msk [tilespmem:v26+s14+$0x0], $0xffff;
	v21 =	vmul.f32 v17, v10;
	v17 =	vmov s0  }
0x73: {  	s13 =	simm.s32 $0xB;
	s23 =	simm.s32 $0xA;
	v14 =	vmov s1;
	v23 =	vmul.f32 v15, v23;
	v13 =	vld.idx.msk [tilespmem:v20+s14+$0x0], $0xffff;
	v8 =	vadd.f32 v8, v9  }
0x74: {  	v15 =	vmov s23;
	v9 =	vld.idx.msk [tilespmem:v18+s19+$0x0], $0xffff;
	v18 =	vmov s13  }
0x75: {  	s6 =	simm.s32 $0x9;
	v10 =	vld.idx.msk [tilespmem:v62+s21+$0x0], $0xffff;
	v22 =	vmul.f32 v19, v22;
	v20 =	vadd.f32 v21, v8;
	v21 =	vmul.f32 v16, v23  }
0x76: {  	s29 =	sadd.s32 s25, s3;
	s3 =	simm.s32 $0x10;
	v19 =	vmov s6;
	v16 =	vor.u32 s6, v2;
	v8 =	vld.idx.msk [tilespmem:v63+s14+$0x0], $0xffff  }
.LBB2_6:
0x77: {  	p1 =	slt.u32 s3, $0x38;
	v23 =	vld.idx.msk [tilespmem:v17+s14+$0x0], $0xffff;
	v17 =	vadd.f32 v21, v20;
	v6 =	vmul.f32 v6, v22;
	v11 =	vmul.f32 v12, v11  }
0x78: {  	v12 =	vor.u32 s6, v3;
	v20 =	vld.idx.msk [tilespmem:v14+s14+$0x0], $0xffff  }
0x79: {  	v14 =	vor.u32 s23, v2;
	v18 =	vld.idx.msk [tilespmem:v18+s14+$0x0], $0xffff;
	v22 =	vadd.f32 v6, v17;
	v11 =	vmul.f32 v13, v11  }
0x7a: {  	v13 =	vor.u32 s23, v3;
	v15 =	vld.idx.msk [tilespmem:v15+s14+$0x0], $0xffff  }
0x7b: {  	v17 =	vld.idx.msk [tilespmem:v19+s14+$0x0], $0xffff;
	v19 =	vor.u32 s13, v2;
	v11 =	vadd.f32 v11, v22  }
0x7c: {  	v21 =	vor.u32 s13, v3;
	v6 =	vmov v8;
	v16 =	vld.idx.msk [tilespmem:v16+s19+$0x0], $0xffff  }
0x7d: {  	v8 =	vld.idx.msk [tilespmem:v12+s21+$0x0], $0xffff;
	v12 =	vor.u32 s1, v2  }
0x7e: {  	v22 =	vor.u32 s1, v3;
	v14 =	vld.idx.msk [tilespmem:v14+s19+$0x0], $0xffff  }
0x7f: {  	v24 =	vor.u32 s0, v2;
	v13 =	vld.idx.msk [tilespmem:v13+s21+$0x0], $0xffff  }
0x80: {  	v25 =	vor.u32 s0, v3;
	v19 =	vld.idx.msk [tilespmem:v19+s19+$0x0], $0xffff  }
0x81: {  	v9 =	vmul.f32 v10, v9;
	v10 =	vld.idx.msk [tilespmem:v21+s21+$0x0], $0xffff;
	v21 =	vor.u32 s31, v2  }
0x82: {  	v26 =	vor.u32 s31, v3;
	s0 =	sadd.s32 $0x7, s30;
	s30 =	smov.u32 s3;
	v12 =	vld.idx.msk [tilespmem:v12+s19+$0x0], $0xffff  }
0x83: {  	v7 =	vmul.f32 v7, v9;
	v8 =	vmul.f32 v8, v16;
	v16 =	vor.u32 s0, v2;
	v9 =	vld.idx.msk [tilespmem:v22+s21+$0x0], $0xffff  }
0x84: {  	v27 =	vor.u32 s0, v3;
	v22 =	vmov s3;
	v24 =	vld.idx.msk [tilespmem:v24+s19+$0x0], $0xffff  }
0x85: {  	v7 =	vadd.f32 v7, v11;
	v8 =	vmul.f32 v17, v8;
	v11 =	vmul.f32 v13, v14;
	v13 =	vld.idx.msk [tilespmem:v25+s21+$0x0], $0xffff  }
0x86: {  	v25 =	vor.u32 s3, v2;
	v28 =	vld.idx.msk [tilespmem:v21+s19+$0x0], $0xffff;
	v21 =	vmov s0  }
0x87: {  	s31 =	sadd.s32 $0x6, s3;
	v7 =	vadd.f32 v8, v7;
	v8 =	vmul.f32 v15, v11;
	v10 =	vmul.f32 v10, v19;
	v19 =	vld.idx.msk [tilespmem:v26+s21+$0x0], $0xffff  }
0x88: {  	v29 =	vmov s31;
	v26 =	vor.u32 s3, v3;
	v11 =	vld.idx.msk [tilespmem:v16+s19+$0x0], $0xffff  }
0x89: {  	s1 =	sadd.s32 $0x4, s3;
	s0 =	sadd.s32 $0x5, s3;
	v8 =	vadd.f32 v8, v7;
	v10 =	vmul.f32 v18, v10;
	v9 =	vmul.f32 v9, v12;
	v12 =	vld.idx.msk [tilespmem:v27+s21+$0x0], $0xffff  }
.Ltmp7:
0x8a: {  	v14 =	vmov s1;
	v17 =	vmov s0;
	v7 =	vld.idx.msk [tilespmem:v22+s14+$0x0], $0xffff;
	(pc) =	sbr.rel @p1 .LBB2_6-.Ltmp7, $4  }
0x8b: {  	s23 =	sadd.s32 $0x2, s3;
	s13 =	sadd.s32 $0x3, s3;
	v8 =	vadd.f32 v10, v8;
	v16 =	vmul.f32 v20, v9;
	v22 =	vmul.f32 v13, v24;
	v13 =	vld.idx.msk [tilespmem:v21+s14+$0x0], $0xffff  }
0x8c: {  	v15 =	vmov s23;
	v18 =	vmov s13;
	v9 =	vld.idx.msk [tilespmem:v25+s19+$0x0], $0xffff  }
0x8d: {  	s6 =	sadd.s32 $0x1, s3;
	v20 =	vadd.f32 v16, v8;
	v21 =	vmul.f32 v23, v22;
	v22 =	vmul.f32 v19, v28;
	v10 =	vld.idx.msk [tilespmem:v26+s21+$0x0], $0xffff  }
0x8e: {  	s3 =	sadd.s32 $0x8, s3;
	v19 =	vmov s6;
	v16 =	vor.u32 s6, v2;
	v8 =	vld.idx.msk [tilespmem:v29+s14+$0x0], $0xffff  }
0x8f: {  	_ =	sdelay $0x3  }
0x90: {  	v17 =	vld.idx.msk [tilespmem:v17+s14+$0x0], $0xffff  }
0x91: {  	v23 =	vor.u32 s6, v3;
	v14 =	vld.idx.msk [tilespmem:v14+s14+$0x0], $0xffff  }
0x92: {  	v24 =	vor.u32 s23, v2;
	v18 =	vld.idx.msk [tilespmem:v18+s14+$0x0], $0xffff  }
0x93: {  	v39 =	vor.u32 s23, v3;
	v15 =	vld.idx.msk [tilespmem:v15+s14+$0x0], $0xffff;
	vm0 =	vgt.s32 v5, $0xF41FF;
	vm1 =	vgt.s32 v4, $0xF41FF  }
0x94: {  	v19 =	vld.idx.msk [tilespmem:v19+s14+$0x0], $0xffff;
	v40 =	vor.u32 s13, v2;
	vm2 =	vmor vm0, vm1  }
0x95: {  	v20 =	vadd.f32 v21, v20;
	v41 =	vld.idx.msk [tilespmem:v16+s19+$0x0], $0xffff;
	v42 =	vor.u32 s13, v3;
	v25 =	vmpcnt.ones.xlane vm2  }
0x96: {  	v6 =	vmul.f32 v6, v22;
	v11 =	vmul.f32 v12, v11;
	v44 =	vor.u32 s1, v2;
	v43 =	vld.idx.msk [tilespmem:v23+s21+$0x0], $0xffff  }
0x97: {  	v46 =	vor.u32 s1, v3;
	v47 =	vor.u32 s0, v2;
	(v2sf) =	vpush v25, $0x0;
	v45 =	vld.idx.msk [tilespmem:v24+s19+$0x0], $0xffff  }
0x98: {  	v6 =	vadd.f32 v6, v20;
	v11 =	vmul.f32 v13, v11;
	v9 =	vmul.f32 v10, v9;
	v21 =	vld.idx.msk [tilespmem:v39+s21+$0x0], $0xffff  }
0x99: {  	v49 =	vor.u32 s0, v3;
	v48 =	vld.idx.msk [tilespmem:v40+s19+$0x0], $0xffff  }
0x9a: {  	v51 =	vor.u32 s31, v2;
	v6 =	vadd.f32 v11, v6;
	v7 =	vmul.f32 v7, v9;
	v50 =	vld.idx.msk [tilespmem:v42+s21+$0x0], $0xffff  }
0x9b: {  	v52 =	vor.u32 s31, v3;
	s31 =	sadd.s32 $0x7, s30;
	v23 =	vld.idx.msk [tilespmem:v44+s19+$0x0], $0xffff;
	v12 =	vmul.f32 v43, v41  }
0x9c: {  	v53 =	vor.u32 s31, v3;
	v24 =	vld.idx.msk [tilespmem:v46+s21+$0x0], $0xffff;
	v6 =	vadd.f32 v7, v6  }
0x9d: {  	v10 =	vld.idx.msk [tilespmem:v47+s19+$0x0], $0xffff;
	v7 =	vor.u32 s31, v2;
	v13 =	vmul.f32 v21, v45;
	v12 =	vmul.f32 v19, v12  }
0x9e: {  	v55 =	vmov s31;
	v54 =	vld.idx.msk [tilespmem:v49+s21+$0x0], $0xffff  }
0x9f: {  	v16 =	vld.idx.msk [tilespmem:v51+s19+$0x0], $0xffff;
	v9 =	vmul.f32 v50, v48;
	v56 =	vmul.f32 v15, v13;
	v6 =	vadd.f32 v12, v6  }
0xa0: {  	v57 =	vld.idx.msk [tilespmem:v52+s21+$0x0], $0xffff  }
0xa1: {  	v59 =	vld.idx.msk [tilespmem:v53+s21+$0x0], $0xffff;
	v58 =	vmul.f32 v24, v23;
	v9 =	vmul.f32 v18, v9;
	v6 =	vadd.f32 v56, v6  }
0xa2: {  	v7 =	vld.idx.msk [tilespmem:v7+s19+$0x0], $0xffff  }
0xa3: {  	v10 =	vmul.f32 v54, v10;
	v60 =	vmul.f32 v14, v58;
	v6 =	vadd.f32 v9, v6  }
0xa4: {  	v61 =	vld.idx.msk [tilespmem:v55+s14+$0x0], $0xffff  }
0xa5: {  	v63 =	vmul.f32 v57, v16;
	v62 =	vmul.f32 v17, v10;
	v6 =	vadd.f32 v60, v6  }
0xa6: {  	s0 =	spop (v2sf)  }
0xa7: {  	v8 =	vmul.f32 v8, v63;
	v7 =	vmul.f32 v59, v7;
	p1 =	slt.s32 s0, $0x1;
	v6 =	vadd.f32 v62, v6  }
.Ltmp8:
0xa8: {  	_ = 	snop;
	(pc) =	sbr.rel @p1 .LBB2_11-.Ltmp8, $2  }
0xa9: {  	v7 =	vmul.f32 v61, v7;
	v6 =	vadd.f32 v8, v6;
	_ =	sdelay $0x1  }
0xaa: {  	v6 =	vadd.f32 v7, v6;
	_ =	sdelay $0x1  }
0xab: {  	v5 =	vadd.s32 $0xFFF0BE00, v5;
	s0 =	simm.s32 $0x0  }
0xac: {  	v4 =	vadd.s32 $0xFFF0BE00, v4;
	vm2 =	vgt.s32 v5, $0x0;
	v6 =	vor.u32 s0, v2  }
0xad: {  	v7 =	vor.u32 s0, v3;
	v5 =	vnsel vm2, $0x0, v5;
	vm2 =	vgt.s32 v4, $0x0  }
0xae: {  	v4 =	vnsel vm2, $0x0, v4;
	v5 =	vshll.u32 v5, $0x7  }
0xaf: {  	v8 =	vshll.u32 v4, $0x7;
	_ =	sdelay $0x1  }
0xb0: {  	s3 =	simm.s32 $0x1;
	v9 =	vmov s0;
	v10 =	vld.idx.msk [tilespmem:v6+s19+$0x0], $0xffff  }
0xb1: {  	v6 =	vor.u32 s3, v2;
	v7 =	vld.idx.msk [tilespmem:v7+s21+$0x0], $0xffff  }
0xb2: {  	v11 =	vor.u32 s3, v3;
	v4 =	vor.u32 $0x1, v5;
	v12 =	vld.idx.msk [tilespmem:v5+s15+$0x0], $0xffff  }
0xb3: {  	v13 =	vadd.s32 s0, v4;
	v5 =	vor.u32 $0x1, v8;
	v14 =	vld.idx.msk [tilespmem:v8+s16+$0x0], $0xffff  }
0xb4: {  	v16 =	vadd.s32 s0, v5  }
0xb5: {  	v17 =	vld.idx.msk [tilespmem:v9+s14+$0x0], $0xffff;
	v9 =	vmov s3;
	s0 =	simm.s32 $0x2  }
0xb6: {  	v18 =	vor.u32 s0, v2;
	v15 =	vld.idx.msk [tilespmem:v6+s19+$0x0], $0xffff  }
0xb7: {  	v6 =	vld.idx.msk [tilespmem:v11+s21+$0x0], $0xffff;
	v11 =	vsel vm0, v12, v10;
	v12 =	vor.u32 s0, v3  }
0xb8: {  	v8 =	vld.idx.msk [tilespmem:v13+s15+$0x0], $0xffff;
	v13 =	vadd.s32 s3, v4;
	v7 =	vsel vm1, v14, v7  }
0xb9: {  	v10 =	vld.idx.msk [tilespmem:v16+s16+$0x0], $0xffff;
	v16 =	vadd.s32 s3, v5;
	v19 =	vmul.f32 v7, v11  }
0xba: {  	v9 =	vld.idx.msk [tilespmem:v9+s14+$0x0], $0xffff  }
0xbb: {  	s1 =	simm.s32 $0x3;
	v14 =	vmov s0;
	v7 =	vimm.f32 $0.0e+00;
	v11 =	vld.idx.msk [tilespmem:v18+s19+$0x0], $0xffff;
	v17 =	vmul.f32 v19, v17  }
.LBB2_9:
0xbc: {  	v18 =	vor.u32 s1, v2;
	v19 =	vmov v6;
	v6 =	vld.idx.msk [tilespmem:v12+s21+$0x0], $0xffff;
	p1 =	seq.s32 s1, $0x3F  }
.Ltmp9:
0xbd: {  	v12 =	vor.u32 s1, v3;
	v7 =	vadd.f32 v17, v7;
	v17 =	vmov v8;
	v8 =	vld.idx.msk [tilespmem:v13+s15+$0x0], $0xffff;
	(pc) =	sbr.rel @!p1 .LBB2_9-.Ltmp9, $4  }
0xbe: {  	v13 =	vadd.s32 s0, v4;
	v19 =	vsel vm1, v10, v19;
	v15 =	vsel vm0, v17, v15;
	v10 =	vld.idx.msk [tilespmem:v16+s16+$0x0], $0xffff  }
0xbf: {  	v16 =	vadd.s32 s0, v5;
	s0 =	smov.u32 s1;
	s1 =	sadd.s32 $0x1, s1;
	v19 =	vmul.f32 v19, v15  }
0xc0: {  	v17 =	vmov v9;
	v9 =	vld.idx.msk [tilespmem:v14+s14+$0x0], $0xffff  }
0xc1: {  	v14 =	vmov s0;
	v17 =	vmul.f32 v19, v17;
	v15 =	vmov v11;
	v11 =	vld.idx.msk [tilespmem:v18+s19+$0x0], $0xffff  }
0xc2: {  	_ =	sdelay $0x3  }
0xc3: {  	v2 =	vld.idx.msk [tilespmem:v12+s21+$0x0], $0xffff  }
0xc4: {  	v3 =	vld.idx.msk [tilespmem:v13+s15+$0x0], $0xffff  }
0xc5: {  	v4 =	vld.idx.msk [tilespmem:v16+s16+$0x0], $0xffff;
	_ =	sdelay $0x2  }
0xc6: {  	v5 =	vsel vm0, v8, v15;
	v8 =	vld.idx.msk [tilespmem:v14+s14+$0x0], $0xffff;
	v6 =	vsel vm1, v10, v6  }
0xc7: {  	v5 =	vmul.f32 v6, v5  }
0xc8: {  	v3 =	vsel vm0, v3, v11;
	v2 =	vsel vm1, v4, v2  }
0xc9: {  	v5 =	vmul.f32 v5, v9;
	v4 =	vadd.f32 v17, v7;
	v2 =	vmul.f32 v2, v3  }
.Ltmp10:
0xca: {  	_ = 	snop;
	(pc) =	sbr.rel .LBB2_12-.Ltmp10, $2  }
0xcb: {  	v3 =	vadd.f32 v5, v4;
	v2 =	vmul.f32 v2, v8;
	_ =	sdelay $0x1  }
0xcc: {  	v6 =	vadd.f32 v2, v3;
	_ =	sdelay $0x1  }
.LBB2_11:
0xcd: {  	p1 =	sne.s32 s0, $0x0  }
.Ltmp11:
0xce: {  	_ = 	snop;
	(pc) =	sbr.rel @p1 .LBB2_13-.Ltmp11, $4  }
.Ltmp12:
0xcf: {  	_ = 	snop;
	(pc) =	sbr.rel @!p1 .LBB2_12-.Ltmp12, $4  }
0xd0: {  	_ = 	snop  }
0xd1: {  	_ = 	snop  }
0xd2: {  	_ = 	snop  }
0xd3: {  	_ = 	snop  }
.LBB2_16:
0xd4: {  	_ =	sfence.sel $0x180000  }
0xd5: {  	[bflag:$0x0] =	sbarrier.arrive $0xFFFF  }
0xd6: {  	_ =	strace $0x9000004A  }
0xd7: {  	s0 =	stileid.u32;
	[bflag:$0x2] =	sbarrier.arrive $0xFFFF  }
0xd8: {  	p0 =	sne.s32 s0, $0x0;
	s0 =	rddreg [dreg:$0x5]  }
0xd9: {  	s0 =	sadd.s32 @!p0 $0x100000, s0  }
0xda: {  	[sflag:s0] =	ssyncadd.tile.s32 @!p0 $0x1;
	_ =	shalt  }
.Lfunc_end2:
_tile_overlayer_lowered:
.L_overlay_start_2:
0xdb: {  	(tag) =	ssettag $0x2  }
0xdc: {  	s0 =	rddreg [dreg:$0x0];
	s2 =	stileid.u32  }
0xdd: {  	s1 =	rddreg [dreg:$0x1];
	p0 =	sne.s32 s2, $0x0  }
0xde: {  	s3 =	rddreg [dreg:$0x2];
	[bflag:$0x3] =	sbarrier.arrive $0xFFFF;
	s2 =	simm.s32 @!p0 $0x1C02  }
0xdf: {  	[timem:s3], [sflag:s2] =	dma.local @!p0 [hbm:s0], s1  }
0xe0: {  	s0 =	simm.s32 @!p0 $0x2  }
0xe1: {  	_ =	swait.ge @!p0 [sflag:s0], s1  }
0xe2: {  	s1 =	ssub.s32 @!p0 $0x0, s1;
	[sflag:s0] =	ssyncset.done @!p0 $0x0  }
0xe3: {  	[sflag:s0] =	ssyncadd.s32 @!p0 s1  }
0xe4: {  	[bflag:$0x3] =	sbarrier.arrive $0xFFFF  }
0xe5: {  	_ =	shalt  }

</sc_bundles>
